<compile_context>
chip_gen: v7x
topology: tpu7x:2x2x1
jax: 0.10.2.dev20260603
libtpu: 0.0.44.dev20260713+nightly
codegen_flags: <defaults>
</compile_context>

<pallas_src>
import jax
import jax.numpy as jnp
from jax import lax
from jax.experimental import pallas as pl
from jax.experimental.pallas import tpu as pltpu
from jax.experimental.pallas import tpu_sc as plsc

N = 10000
E = 320000
D = 128
DE = 16

NB = 1024
EB = 4000

NC = 2
NS = 16
NT = NC * NS
EPT = E // NT
CH = 80
NCHUNK = EPT // CH
WSTRIDE = 624
WROWS = 640


def _prep_body(x_ref, w_ref, asrc_ref, adst_ref, h_ref, ss_ref, sd_ref):
    x = x_ref[...]
    nrm = jnp.sqrt(jnp.sum(x * x, axis=1, keepdims=True))
    nrm = jnp.where(nrm == 0.0, 1e-8, nrm)
    h = jnp.dot(x / nrm, w_ref[...], preferred_element_type=jnp.float32)
    h_ref[...] = h
    ss_ref[...] = jnp.sum(h * asrc_ref[...], axis=1, keepdims=True)
    sd_ref[...] = jnp.sum(h * adst_ref[...], axis=1, keepdims=True)


def _prep(x, W, a_src, a_dst):
    grid = (N + NB - 1) // NB
    return pl.pallas_call(
        _prep_body,
        grid=(grid,),
        in_specs=[
            pl.BlockSpec((NB, D), lambda i: (i, 0)),
            pl.BlockSpec((D, D), lambda i: (0, 0)),
            pl.BlockSpec((1, D), lambda i: (0, 0)),
            pl.BlockSpec((1, D), lambda i: (0, 0)),
        ],
        out_specs=[
            pl.BlockSpec((NB, D), lambda i: (i, 0)),
            pl.BlockSpec((NB, 1), lambda i: (i, 0)),
            pl.BlockSpec((NB, 1), lambda i: (i, 0)),
        ],
        out_shape=[
            jax.ShapeDtypeStruct((N, D), jnp.float32),
            jax.ShapeDtypeStruct((N, 1), jnp.float32),
            jax.ShapeDtypeStruct((N, 1), jnp.float32),
        ],
    )(x, W, a_src[None, :], a_dst[None, :])


def _ea_body(ea_ref, we1_ref, ae1_ref, we2_ref, ae2_ref, we3_ref, ae3_ref,
             o1_ref, o2_ref, o3_ref, easum_ref):
    ea = ea_ref[...]
    for we_ref, ae_ref, o_ref in ((we1_ref, ae1_ref, o1_ref),
                                  (we2_ref, ae2_ref, o2_ref),
                                  (we3_ref, ae3_ref, o3_ref)):
        v = jnp.sum(we_ref[...] * ae_ref[...], axis=1)
        o_ref[...] = jnp.sum(ea * v[None, :], axis=1, keepdims=True)

    @pl.when(pl.program_id(0) == 0)
    def _():
        easum_ref[...] = jnp.zeros_like(easum_ref)

    easum_ref[...] += jnp.sum(ea, axis=0, keepdims=True)


def _edge_scalars(edge_attr, We1, a_e1, We2, a_e2, We3, a_e3):
    grid = E // EB
    return pl.pallas_call(
        _ea_body,
        grid=(grid,),
        in_specs=[
            pl.BlockSpec((EB, DE), lambda i: (i, 0)),
            pl.BlockSpec((DE, D), lambda i: (0, 0)),
            pl.BlockSpec((1, D), lambda i: (0, 0)),
            pl.BlockSpec((DE, D), lambda i: (0, 0)),
            pl.BlockSpec((1, D), lambda i: (0, 0)),
            pl.BlockSpec((DE, D), lambda i: (0, 0)),
            pl.BlockSpec((1, D), lambda i: (0, 0)),
        ],
        out_specs=[
            pl.BlockSpec((EB, 1), lambda i: (i, 0)),
            pl.BlockSpec((EB, 1), lambda i: (i, 0)),
            pl.BlockSpec((EB, 1), lambda i: (i, 0)),
            pl.BlockSpec((1, DE), lambda i: (0, 0)),
        ],
        out_shape=[
            jax.ShapeDtypeStruct((E, 1), jnp.float32),
            jax.ShapeDtypeStruct((E, 1), jnp.float32),
            jax.ShapeDtypeStruct((E, 1), jnp.float32),
            jax.ShapeDtypeStruct((1, DE), jnp.float32),
        ],
    )(edge_attr, We1, a_e1[None, :], We2, a_e2[None, :], We3, a_e3[None, :])


def _gelu(o):
    return 0.5 * o * (1.0 + lax.erf(o * (2.0 ** -0.5)))


def _loop_ex(ss, sd, easum_ref, we_ref, ae_ref):
    v = jnp.sum(we_ref[...] * ae_ref[...], axis=1)
    loop_ae = jnp.sum(easum_ref[...] * v[None, :]) / E
    s = ss + sd + loop_ae
    s = jnp.where(s >= 0.0, s, 0.2 * s)
    return jnp.exp(s)


def _fin_mid_body(acc_ref, den_ref, h_ref, ss_ref, sd_ref, b_ref,
                  easum_ref, we_ref, ae_ref,
                  wn_ref, asrcn_ref, adstn_ref,
                  hn_ref, ssn_ref, sdn_ref):
    exl = _loop_ex(ss_ref[..., 0], sd_ref[..., 0], easum_ref, we_ref, ae_ref)
    h = h_ref[...]
    acc = acc_ref[0] + acc_ref[1] + exl[:, None] * h
    den = jnp.sum(den_ref[...], axis=0) + exl
    g = _gelu(acc / (den[:, None] + 1e-16) + b_ref[...])
    hn = jnp.dot(g, wn_ref[...], preferred_element_type=jnp.float32)
    hn_ref[...] = hn
    ssn_ref[...] = jnp.sum(hn * asrcn_ref[...], axis=1, keepdims=True)
    sdn_ref[...] = jnp.sum(hn * adstn_ref[...], axis=1, keepdims=True)


def _fin_last_body(acc_ref, den_ref, h_ref, ss_ref, sd_ref, b_ref,
                   easum_ref, we_ref, ae_ref, out_ref):
    exl = _loop_ex(ss_ref[..., 0], sd_ref[..., 0], easum_ref, we_ref, ae_ref)
    h = h_ref[...]
    acc = acc_ref[0] + acc_ref[1] + exl[:, None] * h
    den = jnp.sum(den_ref[...], axis=0) + exl
    out_ref[...] = _gelu(acc / (den[:, None] + 1e-16) + b_ref[...])


def _fin_specs():
    return [
        pl.BlockSpec((2, NB, D), lambda i: (0, i, 0)),
        pl.BlockSpec((NT, NB), lambda i: (0, i)),
        pl.BlockSpec((NB, D), lambda i: (i, 0)),
        pl.BlockSpec((NB, 1), lambda i: (i, 0)),
        pl.BlockSpec((NB, 1), lambda i: (i, 0)),
        pl.BlockSpec((1, D), lambda i: (0, 0)),
        pl.BlockSpec((1, DE), lambda i: (0, 0)),
        pl.BlockSpec((DE, D), lambda i: (0, 0)),
        pl.BlockSpec((1, D), lambda i: (0, 0)),
    ]


def _finalize_mid(acc, den, h, ss, sd, b, easum, We, a_e, Wn, asrcn, adstn):
    grid = (N + NB - 1) // NB
    return pl.pallas_call(
        _fin_mid_body,
        grid=(grid,),
        in_specs=_fin_specs() + [
            pl.BlockSpec((D, D), lambda i: (0, 0)),
            pl.BlockSpec((1, D), lambda i: (0, 0)),
            pl.BlockSpec((1, D), lambda i: (0, 0)),
        ],
        out_specs=[
            pl.BlockSpec((NB, D), lambda i: (i, 0)),
            pl.BlockSpec((NB, 1), lambda i: (i, 0)),
            pl.BlockSpec((NB, 1), lambda i: (i, 0)),
        ],
        out_shape=[
            jax.ShapeDtypeStruct((N, D), jnp.float32),
            jax.ShapeDtypeStruct((N, 1), jnp.float32),
            jax.ShapeDtypeStruct((N, 1), jnp.float32),
        ],
    )(acc, den, h, ss, sd, b[None, :], easum, We, a_e[None, :],
      Wn, asrcn[None, :], adstn[None, :])


def _finalize_last(acc, den, h, ss, sd, b, easum, We, a_e):
    grid = (N + NB - 1) // NB
    return pl.pallas_call(
        _fin_last_body,
        grid=(grid,),
        in_specs=_fin_specs(),
        out_specs=pl.BlockSpec((NB, D), lambda i: (i, 0)),
        out_shape=jax.ShapeDtypeStruct((N, D), jnp.float32),
    )(acc, den, h, ss, sd, b[None, :], easum, We, a_e[None, :])


def _sc_edge_body(src_hbm, dst_hbm, ae_hbm, ss_hbm, sd_hbm, h_hbm,
                  acc_out, den_out,
                  ss_v, sd_v, denp_v, sidx_v, didx_v, ae_v, ex_v, rows_v,
                  acc_sh, sem):
    cid = lax.axis_index("c")
    sid = lax.axis_index("s")
    gid = cid * NS + sid
    ebase = gid * EPT
    nbase = sid * WSTRIDE

    pltpu.sync_copy(ss_hbm, ss_v)
    pltpu.sync_copy(sd_hbm, sd_v)

    def _zd(i, c):
        denp_v[pl.ds(i * 16, 16)] = jnp.zeros((16,), jnp.float32)
        return c
    lax.fori_loop(0, N // 16, _zd, 0)

    def _zr(i, c):
        r = i // (D // 16)
        k = i % (D // 16)
        rows_v[r, pl.ds(k * 16, 16)] = jnp.zeros((16,), jnp.float32)
        return c
    lax.fori_loop(0, CH * (D // 16), _zr, 0)

    def _za(k, c):
        pltpu.sync_copy(rows_v, acc_sh.at[pl.ds(nbase + k * CH, CH)])
        return c
    lax.fori_loop(0, WROWS // CH, _za, 0)
    plsc.subcore_barrier()

    def _chunk(c, carry):
        base = ebase + c * CH
        pltpu.sync_copy(src_hbm.at[pl.ds(base, CH)], sidx_v)
        pltpu.sync_copy(dst_hbm.at[pl.ds(base, CH)], didx_v)
        pltpu.sync_copy(ae_hbm.at[pl.ds(base, CH)], ae_v)
        cp = pltpu.async_copy(h_hbm.at[sidx_v], rows_v, sem)

        def _s16(j, cc):
            sl = pl.ds(j * 16, 16)
            si = sidx_v[sl]
            di = didx_v[sl]
            a = (plsc.load_gather(ss_v, [si]) + plsc.load_gather(sd_v, [di])
                 + ae_v[sl])
            a = jnp.where(a >= 0.0, a, 0.2 * a)
            ex = jnp.exp(a)
            ex_v[sl] = ex
            plsc.addupdate_scatter(denp_v, [di], ex)
            return cc
        lax.fori_loop(0, CH // 16, _s16, 0)
        cp.wait()

        def _scale(j, cc):
            bex = plsc.load_gather(ex_v, [jnp.full((16,), j, jnp.int32)])
            for k in range(D // 16):
                sl = pl.ds(k * 16, 16)
                rows_v[j, sl] = rows_v[j, sl] * bex
            return cc
        lax.fori_loop(0, CH, _scale, 0)

        pltpu.sync_copy(rows_v, acc_sh.at[didx_v], add=True)
        return carry

    lax.fori_loop(0, NCHUNK, _chunk, 0)
    plsc.subcore_barrier()

    pltpu.sync_copy(denp_v, den_out.at[pl.ds(gid * N, N)])
    pltpu.sync_copy(acc_sh.at[pl.ds(nbase, WROWS)],
                    acc_out.at[cid, pl.ds(nbase, WROWS)])


def _sc_edge_pass(src, dst, ae, ss, sd, h):
    mesh = plsc.VectorSubcoreMesh(core_axis_name="c", subcore_axis_name="s")
    f = pl.kernel(
        _sc_edge_body,
        out_type=[
            jax.ShapeDtypeStruct((NC, N, D), jnp.float32),
            jax.ShapeDtypeStruct((NT * N,), jnp.float32),
        ],
        mesh=mesh,
        compiler_params=pltpu.CompilerParams(needs_layout_passes=False),
        scratch_types=[
            pltpu.VMEM((N,), jnp.float32),
            pltpu.VMEM((N,), jnp.float32),
            pltpu.VMEM((N,), jnp.float32),
            pltpu.VMEM((CH,), jnp.int32),
            pltpu.VMEM((CH,), jnp.int32),
            pltpu.VMEM((CH,), jnp.float32),
            pltpu.VMEM((CH,), jnp.float32),
            pltpu.VMEM((CH, D), jnp.float32),
            pltpu.VMEM_SHARED((N, D), jnp.float32),
            pltpu.SemaphoreType.DMA,
        ],
    )
    acc, den = f(src, dst, ae, ss, sd, h)
    return acc, den.reshape(NT, N)


def kernel(x, edge_index, edge_attr, batch,
           W1, a_src1, a_dst1, We1, a_e1, b1,
           W2, a_src2, a_dst2, We2, a_e2, b2,
           W3, a_src3, a_dst3, We3, a_e3, b3):
    del batch
    src = edge_index[0]
    dst = edge_index[1]

    ae1, ae2, ae3, easum = _edge_scalars(edge_attr, We1, a_e1, We2, a_e2,
                                         We3, a_e3)
    ae1 = ae1[:, 0]
    ae2 = ae2[:, 0]
    ae3 = ae3[:, 0]

    h1, ss1, sd1 = _prep(x, W1, a_src1, a_dst1)
    acc, den = _sc_edge_pass(src, dst, ae1, ss1[:, 0], sd1[:, 0], h1)
    h2, ss2, sd2 = _finalize_mid(acc, den, h1, ss1, sd1, b1, easum, We1, a_e1,
                                 W2, a_src2, a_dst2)
    acc, den = _sc_edge_pass(src, dst, ae2, ss2[:, 0], sd2[:, 0], h2)
    h3, ss3, sd3 = _finalize_mid(acc, den, h2, ss2, sd2, b2, easum, We2, a_e2,
                                 W3, a_src3, a_dst3)
    acc, den = _sc_edge_pass(src, dst, ae3, ss3[:, 0], sd3[:, 0], h3)
    return _finalize_last(acc, den, h3, ss3, sd3, b3, easum, We3, a_e3)

# --- scband reference (transcript-rebuilt; emitter-appended) ---
"""Pipeline reference for scband-system-gnn-81192061764390 (READ-ONLY COPY).

The authoritative reference and input builder live on the scoring server;
editing this copy changes nothing except your own understanding.
"""

import jax, jax.numpy as jnp
import numpy as np

N = 10000
E = 320000
D_IN = 128
D_H = 128
D_E = 16


def _init_layer(key, d_in, d_h, d_e):
    ks = jax.random.split(key, 6)
    s = 1.0 / np.sqrt(d_in)
    se = 1.0 / np.sqrt(d_e)
    return {
        'W': jax.random.normal(ks[0], (d_in, d_h), jnp.float32) * s,
        'a_src': jax.random.normal(ks[1], (d_h,), jnp.float32) * s,
        'a_dst': jax.random.normal(ks[2], (d_h,), jnp.float32) * s,
        'We': jax.random.normal(ks[3], (d_e, d_h), jnp.float32) * se,
        'a_e': jax.random.normal(ks[4], (d_h,), jnp.float32) * s,
        'b': jnp.zeros((d_h,), jnp.float32),
    }


def setup_inputs(seed: int = 0) -> dict:
    key = jax.random.key(seed)
    ks = jax.random.split(key, 8)
    x = jax.random.normal(ks[0], (N, D_IN), jnp.float32)
    edge_index = jax.random.randint(ks[1], (2, E), 0, N, dtype=jnp.int32)
    edge_attr = jax.random.normal(ks[2], (E, D_E), jnp.float32)
    batch = jnp.zeros((N,), jnp.int32)
    inp = {'x': x, 'edge_index': edge_index, 'edge_attr': edge_attr, 'batch': batch}
    for i, k in zip((1, 2, 3), (ks[3], ks[4], ks[5])):
        d_in = D_IN if i == 1 else D_H
        p = _init_layer(k, d_in, D_H, D_E)
        for name, v in p.items():
            inp[f'{name}{i}'] = v
    return inp


def _gat_layer(x, src, dst, ea, W, a_src, a_dst, We, a_e, b):
    n = x.shape[0]
    h = x @ W
    eh = ea @ We
    alpha = (h * a_src).sum(-1)[src] + (h * a_dst).sum(-1)[dst] + (eh * a_e).sum(-1)
    alpha = jax.nn.leaky_relu(alpha, 0.2)
    amax = jax.ops.segment_max(alpha, dst, num_segments=n)
    amax = jnp.where(jnp.isfinite(amax), amax, 0.0)
    ex = jnp.exp(alpha - amax[dst])
    denom = jax.ops.segment_sum(ex, dst, num_segments=n)
    coef = ex / (denom[dst] + 1e-16)
    out = jax.ops.segment_sum(h[src] * coef[:, None], dst, num_segments=n)
    return out + b


def reference(x, edge_index, edge_attr, batch,
              W1, a_src1, a_dst1, We1, a_e1, b1,
              W2, a_src2, a_dst2, We2, a_e2, b2,
              W3, a_src3, a_dst3, We3, a_e3, b3):
    n = x.shape[0]
    # add self loops (PyG GATConv default), edge_attr fill_value = mean
    loop = jnp.arange(n, dtype=edge_index.dtype)
    src = jnp.concatenate([edge_index[0], loop])
    dst = jnp.concatenate([edge_index[1], loop])
    ea_mean = edge_attr.mean(axis=0, keepdims=True)
    ea = jnp.concatenate([edge_attr, jnp.broadcast_to(ea_mean, (n, edge_attr.shape[1]))], axis=0)
    # row-normalize x
    norms = jnp.linalg.norm(x, axis=1, keepdims=True)
    norms = jnp.where(norms == 0.0, 1e-08, norms)
    x = x / norms
    x = jax.nn.gelu(_gat_layer(x, src, dst, ea, W1, a_src1, a_dst1, We1, a_e1, b1), approximate=False)
    x = jax.nn.gelu(_gat_layer(x, src, dst, ea, W2, a_src2, a_dst2, We2, a_e2, b2), approximate=False)
    x = jax.nn.gelu(_gat_layer(x, src, dst, ea, W3, a_src3, a_dst3, We3, a_e3, b3), approximate=False)
    return x

if __name__ == "__main__":
    import jax
    _d = setup_inputs()
    print(jax.jit(kernel)(*tuple(_d.values())))

</pallas_src>

<mosaic_0001>
#map = affine_map<(d0, d1) -> (0)>
#map1 = affine_map<(d0, d1) -> (0, 0)>
#map2 = affine_map<(d0, d1) -> (0, 0, 0)>
module attributes {stable_mosaic.version = 14 : i64} {
  func.func @_sc_edge_body(%arg0: i32, %arg1: i32, %arg2: memref<320000xi32, #tpu.memory_space<hbm>>, %arg3: memref<320000xi32, #tpu.memory_space<hbm>>, %arg4: memref<320000xf32, #tpu.memory_space<hbm>>, %arg5: memref<10000xf32, #tpu.memory_space<hbm>>, %arg6: memref<10000xf32, #tpu.memory_space<hbm>>, %arg7: memref<10000x128xf32, #tpu.memory_space<hbm>>, %arg8: memref<2x10000x128xf32, #tpu.memory_space<hbm>>, %arg9: memref<320000xf32, #tpu.memory_space<hbm>>, %arg10: memref<10000xf32, #tpu.memory_space<vmem>>, %arg11: memref<10000xf32, #tpu.memory_space<vmem>>, %arg12: memref<10000xf32, #tpu.memory_space<vmem>>, %arg13: memref<80xi32, #tpu.memory_space<vmem>>, %arg14: memref<80xi32, #tpu.memory_space<vmem>>, %arg15: memref<80xf32, #tpu.memory_space<vmem>>, %arg16: memref<80xf32, #tpu.memory_space<vmem>>, %arg17: memref<80x128xf32, #tpu.memory_space<vmem>>, %arg18: memref<10000x128xf32, #tpu.memory_space<vmem_shared>>, %arg19: memref<!tpu.dma_semaphore, #tpu.memory_space<semaphore_mem>>) attributes {dimension_semantics = [#tpu.dimension_semantics<core_parallel>, #tpu.dimension_semantics<subcore_parallel>], iteration_bounds = array<i64: 2, 16>, scalar_prefetch = 0 : i64, scratch_operands = 10 : i64, tpu.core_type = #tpu.core_type<sc_vector_subcore>, window_params = [{transform_indices = #map}, {transform_indices = #map}, {transform_indices = #map}, {transform_indices = #map}, {transform_indices = #map}, {transform_indices = #map1}, {transform_indices = #map2}, {transform_indices = #map}]} {
    %mul3A = arith.constant 16 : i32
    %mul3A_0 = arith.muli %arg0, %mul3A : i32
    %add3A = arith.addi %mul3A_0, %arg1 : i32
    %mul3A_1 = arith.constant 10000 : i32
    %mul3A_2 = arith.muli %add3A, %mul3A_1 : i32
    %mul3A_3 = arith.constant 624 : i32
    %mul3A_4 = arith.muli %arg1, %mul3A_3 : i32
    "tpu.region"() ({
      %run_scoped3A = tpu.sem_alloc : memref<!tpu.dma_semaphore, #tpu.memory_space<semaphore_mem>>
      tpu.enqueue_dma source(%arg5 : memref<10000xf32, #tpu.memory_space<hbm>>) target(%arg10 : memref<10000xf32, #tpu.memory_space<vmem>>) target_semaphore(%run_scoped3A : memref<!tpu.dma_semaphore, #tpu.memory_space<semaphore_mem>>)
      tpu.wait_dma2 semaphore(%run_scoped3A : memref<!tpu.dma_semaphore, #tpu.memory_space<semaphore_mem>>) src(%arg5 : memref<10000xf32, #tpu.memory_space<hbm>>) dst(%arg10 : memref<10000xf32, #tpu.memory_space<vmem>>)
      tpu.yield
    }) : () -> ()
    "tpu.region"() ({
      %run_scoped3A = tpu.sem_alloc : memref<!tpu.dma_semaphore, #tpu.memory_space<semaphore_mem>>
      tpu.enqueue_dma source(%arg6 : memref<10000xf32, #tpu.memory_space<hbm>>) target(%arg11 : memref<10000xf32, #tpu.memory_space<vmem>>) target_semaphore(%run_scoped3A : memref<!tpu.dma_semaphore, #tpu.memory_space<semaphore_mem>>)
      tpu.wait_dma2 semaphore(%run_scoped3A : memref<!tpu.dma_semaphore, #tpu.memory_space<semaphore_mem>>) src(%arg6 : memref<10000xf32, #tpu.memory_space<hbm>>) dst(%arg11 : memref<10000xf32, #tpu.memory_space<vmem>>)
      tpu.yield
    }) : () -> ()
    %scan3A = arith.constant 0 : i32
    %scan3A_5 = arith.constant 0 : i32
    %scan3A_6 = arith.constant 625 : i32
    %scan3A_7 = arith.addi %scan3A_5, %scan3A_6 : i32
    %scan3A_8 = arith.constant 1 : i32
    scf.for %scan3A_31 = %scan3A_5 to %scan3A_7 step %scan3A_8  : i32 {
      %broadcast_in_dim3A = arith.constant 0.000000e+00 : f32
      %broadcast_in_dim3A_32 = vector.broadcast %broadcast_in_dim3A : f32 to vector<16xf32>
      %mul3A_33 = arith.constant 16 : i32
      %mul3A_34 = arith.muli %scan3A_31, %mul3A_33 : i32
      %swap3A = arith.index_cast %mul3A_34 : i32 to index
      %swap3A_35 = tpu.vector_load %arg12[%swap3A] {strides = array<i32>} : memref<10000xf32, #tpu.memory_space<vmem>>, vector<16xf32>,
      tpu.vector_store %arg12[%swap3A], %broadcast_in_dim3A_32 {strides = array<i32>} : memref<10000xf32, #tpu.memory_space<vmem>>, vector<16xf32>,
    }
    %scan3A_9 = arith.constant 625 : i32
    %scan3A_10 = arith.constant 0 : i32
    %scan3A_11 = arith.constant 0 : i32
    %scan3A_12 = arith.constant 640 : i32
    %scan3A_13 = arith.addi %scan3A_11, %scan3A_12 : i32
    %scan3A_14 = arith.constant 1 : i32
    scf.for %scan3A_31 = %scan3A_11 to %scan3A_13 step %scan3A_14  : i32 {
      %jit3A = arith.constant 8 : i32
      %div3A = arith.divsi %scan3A_31, %jit3A : i32
      %sign3A = arith.constant 0 : i32
      %sign3A_32 = arith.cmpi sgt, %scan3A_31, %sign3A : i32
      %sign3A_33 = arith.extui %sign3A_32 : i1 to i32
      %sign3A_34 = arith.constant 0 : i32
      %sign3A_35 = arith.cmpi slt, %scan3A_31, %sign3A_34 : i32
      %sign3A_36 = arith.extui %sign3A_35 : i1 to i32
      %sign3A_37 = arith.subi %sign3A_33, %sign3A_36 : i32
      %sign3A_38 = arith.constant 0 : i32
      %sign3A_39 = arith.cmpi sgt, %jit3A, %sign3A_38 : i32
      %sign3A_40 = arith.extui %sign3A_39 : i1 to i32
      %sign3A_41 = arith.constant 0 : i32
      %sign3A_42 = arith.cmpi slt, %jit3A, %sign3A_41 : i32
      %sign3A_43 = arith.extui %sign3A_42 : i1 to i32
      %sign3A_44 = arith.subi %sign3A_40, %sign3A_43 : i32
      %ne3A = arith.cmpi ne, %sign3A_37, %sign3A_44 : i32
      %rem3A = arith.remsi %scan3A_31, %jit3A : i32
      %ne3A_45 = arith.constant 0 : i32
      %ne3A_46 = arith.cmpi ne, %rem3A, %ne3A_45 : i32
      %and3A = arith.andi %ne3A, %ne3A_46 : i1
      %sub3A = arith.constant 1 : i32
      %sub3A_47 = arith.subi %div3A, %sub3A : i32
      %select_n3A = arith.select %and3A, %sub3A_47, %div3A : i32
      %jit3A_48 = arith.constant 8 : i32
      %eq3A = arith.constant 0 : i32
      %eq3A_49 = arith.cmpi eq, %jit3A_48, %eq3A : i32
      %jit3A_50 = arith.constant 1 : i32
      %select_n3A_51 = arith.select %eq3A_49, %jit3A_50, %jit3A_48 : i32
      %rem3A_52 = arith.remsi %scan3A_31, %select_n3A_51 : i32
      %ne3A_53 = arith.constant 0 : i32
      %ne3A_54 = arith.cmpi ne, %rem3A_52, %ne3A_53 : i32
      %lt3A = arith.constant 0 : i32
      %lt3A_55 = arith.cmpi slt, %rem3A_52, %lt3A : i32
      %lt3A_56 = arith.constant 0 : i32
      %lt3A_57 = arith.cmpi slt, %select_n3A_51, %lt3A_56 : i32
      %ne3A_58 = arith.xori %lt3A_55, %lt3A_57 : i1
      %and3A_59 = arith.andi %ne3A_58, %ne3A_54 : i1
      %add3A_60 = arith.addi %rem3A_52, %select_n3A_51 : i32
      %select_n3A_61 = arith.select %and3A_59, %add3A_60, %rem3A_52 : i32
      %broadcast_in_dim3A = arith.constant 0.000000e+00 : f32
      %broadcast_in_dim3A_62 = vector.broadcast %broadcast_in_dim3A : f32 to vector<16xf32>
      %mul3A_63 = arith.constant 16 : i32
      %mul3A_64 = arith.muli %select_n3A_61, %mul3A_63 : i32
      %swap3A = arith.index_cast %select_n3A : i32 to index
      %swap3A_65 = arith.index_cast %mul3A_64 : i32 to index
      %swap3A_66 = tpu.vector_load %arg17[%swap3A, %swap3A_65] {strides = array<i32>} : memref<80x128xf32, #tpu.memory_space<vmem>>, vector<16xf32>,
      tpu.vector_store %arg17[%swap3A, %swap3A_65], %broadcast_in_dim3A_62 {strides = array<i32>} : memref<80x128xf32, #tpu.memory_space<vmem>>, vector<16xf32>,
    }
    %scan3A_15 = arith.constant 640 : i32
    %scan3A_16 = arith.constant 0 : i32
    %scan3A_17 = arith.constant 0 : i32
    %scan3A_18 = arith.constant 8 : i32
    %scan3A_19 = arith.addi %scan3A_17, %scan3A_18 : i32
    %scan3A_20 = arith.constant 1 : i32
    scf.for %scan3A_31 = %scan3A_17 to %scan3A_19 step %scan3A_20  : i32 {
      %mul3A_32 = arith.constant 80 : i32
      %mul3A_33 = arith.muli %scan3A_31, %mul3A_32 : i32
      %add3A_34 = arith.addi %mul3A_4, %mul3A_33 : i32
      "tpu.region"() ({
        %run_scoped3A = tpu.sem_alloc : memref<!tpu.dma_semaphore, #tpu.memory_space<semaphore_mem>>
        %dma_start3A = arith.constant 0 : i32
        %dma_start3A_35 = tpu.memref_slice %arg18[%add3A_34, %dma_start3A] : memref<10000x128xf32, #tpu.memory_space<vmem_shared>> -> memref<80x128xf32, #tpu.memory_space<vmem_shared>>
        %dma_start3A_36 = arith.constant 0 : i32
        %dma_start3A_37 = tpu.memref_slice %arg18[%add3A_34, %dma_start3A_36] : memref<10000x128xf32, #tpu.memory_space<vmem_shared>> -> memref<80x128xf32, #tpu.memory_space<vmem_shared>>
        tpu.enqueue_dma source(%arg17 : memref<80x128xf32, #tpu.memory_space<vmem>>) target(%dma_start3A_37 : memref<80x128xf32, #tpu.memory_space<vmem_shared>>) target_semaphore(%run_scoped3A : memref<!tpu.dma_semaphore, #tpu.memory_space<semaphore_mem>>)
        %dma_wait3A = arith.constant 0 : i32
        %dma_wait3A_38 = tpu.memref_slice %arg18[%add3A_34, %dma_wait3A] : memref<10000x128xf32, #tpu.memory_space<vmem_shared>> -> memref<80x128xf32, #tpu.memory_space<vmem_shared>>
        %dma_wait3A_39 = arith.constant 0 : i32
        %dma_wait3A_40 = tpu.memref_slice %arg18[%add3A_34, %dma_wait3A_39] : memref<10000x128xf32, #tpu.memory_space<vmem_shared>> -> memref<80x128xf32, #tpu.memory_space<vmem_shared>>
        tpu.wait_dma2 semaphore(%run_scoped3A : memref<!tpu.dma_semaphore, #tpu.memory_space<semaphore_mem>>) src(%arg17 : memref<80x128xf32, #tpu.memory_space<vmem>>) dst(%dma_wait3A_40 : memref<80x128xf32, #tpu.memory_space<vmem_shared>>)
        tpu.yield
      }) : () -> ()
    }
    %scan3A_21 = arith.constant 8 : i32
    %barrier3A = arith.constant 0 : index
    tpu.barrier barrier_id(%barrier3A)
    %scan3A_22 = arith.constant 0 : i32
    %scan3A_23 = arith.constant 0 : i32
    %scan3A_24 = arith.constant 125 : i32
    %scan3A_25 = arith.addi %scan3A_23, %scan3A_24 : i32
    %scan3A_26 = arith.constant 1 : i32
    scf.for %scan3A_31 = %scan3A_23 to %scan3A_25 step %scan3A_26  : i32 {
      %mul3A_32 = arith.constant 80 : i32
      %mul3A_33 = arith.muli %scan3A_31, %mul3A_32 : i32
      %add3A_34 = arith.addi %mul3A_2, %mul3A_33 : i32
      "tpu.region"() ({
        %run_scoped3A = tpu.sem_alloc : memref<!tpu.dma_semaphore, #tpu.memory_space<semaphore_mem>>
        %dma_start3A_51 = tpu.memref_slice %arg2[%add3A_34] : memref<320000xi32, #tpu.memory_space<hbm>> -> memref<80xi32, #tpu.memory_space<hbm>>
        %dma_start3A_52 = tpu.memref_slice %arg2[%add3A_34] : memref<320000xi32, #tpu.memory_space<hbm>> -> memref<80xi32, #tpu.memory_space<hbm>>
        tpu.enqueue_dma source(%dma_start3A_52 : memref<80xi32, #tpu.memory_space<hbm>>) target(%arg13 : memref<80xi32, #tpu.memory_space<vmem>>) target_semaphore(%run_scoped3A : memref<!tpu.dma_semaphore, #tpu.memory_space<semaphore_mem>>)
        %dma_wait3A_53 = tpu.memref_slice %arg2[%add3A_34] : memref<320000xi32, #tpu.memory_space<hbm>> -> memref<80xi32, #tpu.memory_space<hbm>>
        %dma_wait3A_54 = tpu.memref_slice %arg2[%add3A_34] : memref<320000xi32, #tpu.memory_space<hbm>> -> memref<80xi32, #tpu.memory_space<hbm>>
        tpu.wait_dma2 semaphore(%run_scoped3A : memref<!tpu.dma_semaphore, #tpu.memory_space<semaphore_mem>>) src(%dma_wait3A_54 : memref<80xi32, #tpu.memory_space<hbm>>) dst(%arg13 : memref<80xi32, #tpu.memory_space<vmem>>)
        tpu.yield
      }) : () -> ()
      "tpu.region"() ({
        %run_scoped3A = tpu.sem_alloc : memref<!tpu.dma_semaphore, #tpu.memory_space<semaphore_mem>>
        %dma_start3A_51 = tpu.memref_slice %arg3[%add3A_34] : memref<320000xi32, #tpu.memory_space<hbm>> -> memref<80xi32, #tpu.memory_space<hbm>>
        %dma_start3A_52 = tpu.memref_slice %arg3[%add3A_34] : memref<320000xi32, #tpu.memory_space<hbm>> -> memref<80xi32, #tpu.memory_space<hbm>>
        tpu.enqueue_dma source(%dma_start3A_52 : memref<80xi32, #tpu.memory_space<hbm>>) target(%arg14 : memref<80xi32, #tpu.memory_space<vmem>>) target_semaphore(%run_scoped3A : memref<!tpu.dma_semaphore, #tpu.memory_space<semaphore_mem>>)
        %dma_wait3A_53 = tpu.memref_slice %arg3[%add3A_34] : memref<320000xi32, #tpu.memory_space<hbm>> -> memref<80xi32, #tpu.memory_space<hbm>>
        %dma_wait3A_54 = tpu.memref_slice %arg3[%add3A_34] : memref<320000xi32, #tpu.memory_space<hbm>> -> memref<80xi32, #tpu.memory_space<hbm>>
        tpu.wait_dma2 semaphore(%run_scoped3A : memref<!tpu.dma_semaphore, #tpu.memory_space<semaphore_mem>>) src(%dma_wait3A_54 : memref<80xi32, #tpu.memory_space<hbm>>) dst(%arg14 : memref<80xi32, #tpu.memory_space<vmem>>)
        tpu.yield
      }) : () -> ()
      "tpu.region"() ({
        %run_scoped3A = tpu.sem_alloc : memref<!tpu.dma_semaphore, #tpu.memory_space<semaphore_mem>>
        %dma_start3A_51 = tpu.memref_slice %arg4[%add3A_34] : memref<320000xf32, #tpu.memory_space<hbm>> -> memref<80xf32, #tpu.memory_space<hbm>>
        %dma_start3A_52 = tpu.memref_slice %arg4[%add3A_34] : memref<320000xf32, #tpu.memory_space<hbm>> -> memref<80xf32, #tpu.memory_space<hbm>>
        tpu.enqueue_dma source(%dma_start3A_52 : memref<80xf32, #tpu.memory_space<hbm>>) target(%arg15 : memref<80xf32, #tpu.memory_space<vmem>>) target_semaphore(%run_scoped3A : memref<!tpu.dma_semaphore, #tpu.memory_space<semaphore_mem>>)
        %dma_wait3A_53 = tpu.memref_slice %arg4[%add3A_34] : memref<320000xf32, #tpu.memory_space<hbm>> -> memref<80xf32, #tpu.memory_space<hbm>>
        %dma_wait3A_54 = tpu.memref_slice %arg4[%add3A_34] : memref<320000xf32, #tpu.memory_space<hbm>> -> memref<80xf32, #tpu.memory_space<hbm>>
        tpu.wait_dma2 semaphore(%run_scoped3A : memref<!tpu.dma_semaphore, #tpu.memory_space<semaphore_mem>>) src(%dma_wait3A_54 : memref<80xf32, #tpu.memory_space<hbm>>) dst(%arg15 : memref<80xf32, #tpu.memory_space<vmem>>)
        tpu.yield
      }) : () -> ()
      %dma_start3A = arith.constant 0 : i32
      %dma_start3A_35 = arith.constant 0 : i32
      %dma_start3A_36 = tpu.memref_slice %arg7[%dma_start3A, %dma_start3A_35] : memref<10000x128xf32, #tpu.memory_space<hbm>> -> memref<10000x128xf32, #tpu.memory_space<hbm>>
      tpu.enqueue_indirect_dma source(%dma_start3A_36 : memref<10000x128xf32, #tpu.memory_space<hbm>>) target(%arg17 : memref<80x128xf32, #tpu.memory_space<vmem>>) offsets(%arg13 : memref<80xi32, #tpu.memory_space<vmem>>) semaphore(%arg19 : memref<!tpu.dma_semaphore, #tpu.memory_space<semaphore_mem>>)
      %scan3A_37 = arith.constant 0 : i32
      %scan3A_38 = arith.constant 0 : i32
      %scan3A_39 = arith.constant 5 : i32
      %scan3A_40 = arith.addi %scan3A_38, %scan3A_39 : i32
      %scan3A_41 = arith.constant 1 : i32
      scf.for %scan3A_51 = %scan3A_38 to %scan3A_40 step %scan3A_41  : i32 {
        %mul3A_52 = arith.constant 16 : i32
        %mul3A_53 = arith.muli %scan3A_51, %mul3A_52 : i32
        %get3A = arith.index_cast %mul3A_53 : i32 to index
        %get3A_54 = tpu.vector_load %arg13[%get3A] {strides = array<i32>} : memref<80xi32, #tpu.memory_space<vmem>>, vector<16xi32>,
        %get3A_55 = arith.index_cast %mul3A_53 : i32 to index
        %get3A_56 = tpu.vector_load %arg14[%get3A_55] {strides = array<i32>} : memref<80xi32, #tpu.memory_space<vmem>>, vector<16xi32>,
        %gather3A = tpu.vector_load_idx %arg10[%get3A_54] : memref<10000xf32, #tpu.memory_space<vmem>>[vector<16xi32>], vector<16xf32>,
        %gather3A_57 = tpu.vector_load_idx %arg11[%get3A_56] : memref<10000xf32, #tpu.memory_space<vmem>>[vector<16xi32>], vector<16xf32>,
        %add3A_58 = arith.addf %gather3A, %gather3A_57 : vector<16xf32>
        %get3A_59 = arith.index_cast %mul3A_53 : i32 to index
        %get3A_60 = tpu.vector_load %arg15[%get3A_59] {strides = array<i32>} : memref<80xf32, #tpu.memory_space<vmem>>, vector<16xf32>,
        %add3A_61 = arith.addf %add3A_58, %get3A_60 : vector<16xf32>
        %ge3A = arith.constant 0.000000e+00 : f32
        %ge3A_62 = vector.broadcast %ge3A : f32 to vector<16xf32>
        %ge3A_63 = arith.cmpf oge, %add3A_61, %ge3A_62 : vector<16xf32>
        %mul3A_64 = arith.constant 2.000000e-01 : f32
        %mul3A_65 = vector.broadcast %mul3A_64 : f32 to vector<16xf32>
        %mul3A_66 = arith.mulf %mul3A_65, %add3A_61 : vector<16xf32>
        %select_n3A = arith.select %ge3A_63, %add3A_61, %mul3A_66 : vector<16xi1>, vector<16xf32>
        %exp3A = math.exp %select_n3A : vector<16xf32>
        %swap3A = arith.index_cast %mul3A_53 : i32 to index
        %swap3A_67 = tpu.vector_load %arg16[%swap3A] {strides = array<i32>} : memref<80xf32, #tpu.memory_space<vmem>>, vector<16xf32>,
        tpu.vector_store %arg16[%swap3A], %exp3A {strides = array<i32>} : memref<80xf32, #tpu.memory_space<vmem>>, vector<16xf32>,
        tpu.vector_store_idx %arg12[%get3A_56], %exp3A {add = true} : memref<10000xf32, #tpu.memory_space<vmem>>[vector<16xi32>], vector<16xf32>,
      }
      %scan3A_42 = arith.constant 5 : i32
      %dma_wait3A = arith.constant 0 : i32
      %dma_wait3A_43 = arith.constant 0 : i32
      %dma_wait3A_44 = tpu.memref_slice %arg7[%dma_wait3A, %dma_wait3A_43] : memref<10000x128xf32, #tpu.memory_space<hbm>> -> memref<10000x128xf32, #tpu.memory_space<hbm>>
      tpu.wait_indirect_dma semaphore(%arg19 : memref<!tpu.dma_semaphore, #tpu.memory_space<semaphore_mem>>) src(%dma_wait3A_44 : memref<10000x128xf32, #tpu.memory_space<hbm>>) dst(%arg17 : memref<80x128xf32, #tpu.memory_space<vmem>>)
      %scan3A_45 = arith.constant 0 : i32
      %scan3A_46 = arith.constant 0 : i32
      %scan3A_47 = arith.constant 80 : i32
      %scan3A_48 = arith.addi %scan3A_46, %scan3A_47 : i32
      %scan3A_49 = arith.constant 1 : i32
      scf.for %scan3A_51 = %scan3A_46 to %scan3A_48 step %scan3A_49  : i32 {
        %broadcast_in_dim3A = vector.broadcast %scan3A_51 : i32 to vector<16xi32>
        %gather3A = tpu.vector_load_idx %arg16[%broadcast_in_dim3A] : memref<80xf32, #tpu.memory_space<vmem>>[vector<16xi32>], vector<16xf32>,
        %get3A = arith.index_cast %scan3A_51 : i32 to index
        %get3A_52 = arith.constant 0 : index
        %get3A_53 = tpu.vector_load %arg17[%get3A, %get3A_52] {strides = array<i32>} : memref<80x128xf32, #tpu.memory_space<vmem>>, vector<16xf32>,
        %mul3A_54 = arith.mulf %get3A_53, %gather3A : vector<16xf32>
        %swap3A = arith.index_cast %scan3A_51 : i32 to index
        %swap3A_55 = arith.constant 0 : index
        %swap3A_56 = tpu.vector_load %arg17[%swap3A, %swap3A_55] {strides = array<i32>} : memref<80x128xf32, #tpu.memory_space<vmem>>, vector<16xf32>,
        tpu.vector_store %arg17[%swap3A, %swap3A_55], %mul3A_54 {strides = array<i32>} : memref<80x128xf32, #tpu.memory_space<vmem>>, vector<16xf32>,
        %get3A_57 = arith.index_cast %scan3A_51 : i32 to index
        %get3A_58 = arith.constant 16 : index
        %get3A_59 = tpu.vector_load %arg17[%get3A_57, %get3A_58] {strides = array<i32>} : memref<80x128xf32, #tpu.memory_space<vmem>>, vector<16xf32>,
        %mul3A_60 = arith.mulf %get3A_59, %gather3A : vector<16xf32>
        %swap3A_61 = arith.index_cast %scan3A_51 : i32 to index
        %swap3A_62 = arith.constant 16 : index
        %swap3A_63 = tpu.vector_load %arg17[%swap3A_61, %swap3A_62] {strides = array<i32>} : memref<80x128xf32, #tpu.memory_space<vmem>>, vector<16xf32>,
        tpu.vector_store %arg17[%swap3A_61, %swap3A_62], %mul3A_60 {strides = array<i32>} : memref<80x128xf32, #tpu.memory_space<vmem>>, vector<16xf32>,
        %get3A_64 = arith.index_cast %scan3A_51 : i32 to index
        %get3A_65 = arith.constant 32 : index
        %get3A_66 = tpu.vector_load %arg17[%get3A_64, %get3A_65] {strides = array<i32>} : memref<80x128xf32, #tpu.memory_space<vmem>>, vector<16xf32>,
        %mul3A_67 = arith.mulf %get3A_66, %gather3A : vector<16xf32>
        %swap3A_68 = arith.index_cast %scan3A_51 : i32 to index
        %swap3A_69 = arith.constant 32 : index
        %swap3A_70 = tpu.vector_load %arg17[%swap3A_68, %swap3A_69] {strides = array<i32>} : memref<80x128xf32, #tpu.memory_space<vmem>>, vector<16xf32>,
        tpu.vector_store %arg17[%swap3A_68, %swap3A_69], %mul3A_67 {strides = array<i32>} : memref<80x128xf32, #tpu.memory_space<vmem>>, vector<16xf32>,
        %get3A_71 = arith.index_cast %scan3A_51 : i32 to index
        %get3A_72 = arith.constant 48 : index
        %get3A_73 = tpu.vector_load %arg17[%get3A_71, %get3A_72] {strides = array<i32>} : memref<80x128xf32, #tpu.memory_space<vmem>>, vector<16xf32>,
        %mul3A_74 = arith.mulf %get3A_73, %gather3A : vector<16xf32>
        %swap3A_75 = arith.index_cast %scan3A_51 : i32 to index
        %swap3A_76 = arith.constant 48 : index
        %swap3A_77 = tpu.vector_load %arg17[%swap3A_75, %swap3A_76] {strides = array<i32>} : memref<80x128xf32, #tpu.memory_space<vmem>>, vector<16xf32>,
        tpu.vector_store %arg17[%swap3A_75, %swap3A_76], %mul3A_74 {strides = array<i32>} : memref<80x128xf32, #tpu.memory_space<vmem>>, vector<16xf32>,
        %get3A_78 = arith.index_cast %scan3A_51 : i32 to index
        %get3A_79 = arith.constant 64 : index
        %get3A_80 = tpu.vector_load %arg17[%get3A_78, %get3A_79] {strides = array<i32>} : memref<80x128xf32, #tpu.memory_space<vmem>>, vector<16xf32>,
        %mul3A_81 = arith.mulf %get3A_80, %gather3A : vector<16xf32>
        %swap3A_82 = arith.index_cast %scan3A_51 : i32 to index
        %swap3A_83 = arith.constant 64 : index
        %swap3A_84 = tpu.vector_load %arg17[%swap3A_82, %swap3A_83] {strides = array<i32>} : memref<80x128xf32, #tpu.memory_space<vmem>>, vector<16xf32>,
        tpu.vector_store %arg17[%swap3A_82, %swap3A_83], %mul3A_81 {strides = array<i32>} : memref<80x128xf32, #tpu.memory_space<vmem>>, vector<16xf32>,
        %get3A_85 = arith.index_cast %scan3A_51 : i32 to index
        %get3A_86 = arith.constant 80 : index
        %get3A_87 = tpu.vector_load %arg17[%get3A_85, %get3A_86] {strides = array<i32>} : memref<80x128xf32, #tpu.memory_space<vmem>>, vector<16xf32>,
        %mul3A_88 = arith.mulf %get3A_87, %gather3A : vector<16xf32>
        %swap3A_89 = arith.index_cast %scan3A_51 : i32 to index
        %swap3A_90 = arith.constant 80 : index
        %swap3A_91 = tpu.vector_load %arg17[%swap3A_89, %swap3A_90] {strides = array<i32>} : memref<80x128xf32, #tpu.memory_space<vmem>>, vector<16xf32>,
        tpu.vector_store %arg17[%swap3A_89, %swap3A_90], %mul3A_88 {strides = array<i32>} : memref<80x128xf32, #tpu.memory_space<vmem>>, vector<16xf32>,
        %get3A_92 = arith.index_cast %scan3A_51 : i32 to index
        %get3A_93 = arith.constant 96 : index
        %get3A_94 = tpu.vector_load %arg17[%get3A_92, %get3A_93] {strides = array<i32>} : memref<80x128xf32, #tpu.memory_space<vmem>>, vector<16xf32>,
        %mul3A_95 = arith.mulf %get3A_94, %gather3A : vector<16xf32>
        %swap3A_96 = arith.index_cast %scan3A_51 : i32 to index
        %swap3A_97 = arith.constant 96 : index
        %swap3A_98 = tpu.vector_load %arg17[%swap3A_96, %swap3A_97] {strides = array<i32>} : memref<80x128xf32, #tpu.memory_space<vmem>>, vector<16xf32>,
        tpu.vector_store %arg17[%swap3A_96, %swap3A_97], %mul3A_95 {strides = array<i32>} : memref<80x128xf32, #tpu.memory_space<vmem>>, vector<16xf32>,
        %get3A_99 = arith.index_cast %scan3A_51 : i32 to index
        %get3A_100 = arith.constant 112 : index
        %get3A_101 = tpu.vector_load %arg17[%get3A_99, %get3A_100] {strides = array<i32>} : memref<80x128xf32, #tpu.memory_space<vmem>>, vector<16xf32>,
        %mul3A_102 = arith.mulf %get3A_101, %gather3A : vector<16xf32>
        %swap3A_103 = arith.index_cast %scan3A_51 : i32 to index
        %swap3A_104 = arith.constant 112 : index
        %swap3A_105 = tpu.vector_load %arg17[%swap3A_103, %swap3A_104] {strides = array<i32>} : memref<80x128xf32, #tpu.memory_space<vmem>>, vector<16xf32>,
        tpu.vector_store %arg17[%swap3A_103, %swap3A_104], %mul3A_102 {strides = array<i32>} : memref<80x128xf32, #tpu.memory_space<vmem>>, vector<16xf32>,
      }
      %scan3A_50 = arith.constant 80 : i32
      "tpu.region"() ({
        %run_scoped3A = tpu.sem_alloc : memref<!tpu.dma_semaphore, #tpu.memory_space<semaphore_mem>>
        %dma_start3A_51 = arith.constant 0 : i32
        %dma_start3A_52 = arith.constant 0 : i32
        %dma_start3A_53 = tpu.memref_slice %arg18[%dma_start3A_51, %dma_start3A_52] : memref<10000x128xf32, #tpu.memory_space<vmem_shared>> -> memref<10000x128xf32, #tpu.memory_space<vmem_shared>>
        tpu.enqueue_indirect_dma source(%arg17 : memref<80x128xf32, #tpu.memory_space<vmem>>) target(%dma_start3A_53 : memref<10000x128xf32, #tpu.memory_space<vmem_shared>>) offsets(%arg14 : memref<80xi32, #tpu.memory_space<vmem>>) semaphore(%run_scoped3A : memref<!tpu.dma_semaphore, #tpu.memory_space<semaphore_mem>>) {add = true}
        %dma_wait3A_54 = arith.constant 0 : i32
        %dma_wait3A_55 = arith.constant 0 : i32
        %dma_wait3A_56 = tpu.memref_slice %arg18[%dma_wait3A_54, %dma_wait3A_55] : memref<10000x128xf32, #tpu.memory_space<vmem_shared>> -> memref<10000x128xf32, #tpu.memory_space<vmem_shared>>
        tpu.wait_indirect_dma semaphore(%run_scoped3A : memref<!tpu.dma_semaphore, #tpu.memory_space<semaphore_mem>>) src(%arg17 : memref<80x128xf32, #tpu.memory_space<vmem>>) dst(%dma_wait3A_56 : memref<10000x128xf32, #tpu.memory_space<vmem_shared>>)
        tpu.yield
      }) : () -> ()
    }
    %scan3A_27 = arith.constant 125 : i32
    %barrier3A_28 = arith.constant 0 : index
    tpu.barrier barrier_id(%barrier3A_28)
    %mul3A_29 = arith.constant 10000 : i32
    %mul3A_30 = arith.muli %add3A, %mul3A_29 : i32
    "tpu.region"() ({
      %run_scoped3A = tpu.sem_alloc : memref<!tpu.dma_semaphore, #tpu.memory_space<semaphore_mem>>
      %dma_start3A = tpu.memref_slice %arg9[%mul3A_30] : memref<320000xf32, #tpu.memory_space<hbm>> -> memref<10000xf32, #tpu.memory_space<hbm>>
      %dma_start3A_31 = tpu.memref_slice %arg9[%mul3A_30] : memref<320000xf32, #tpu.memory_space<hbm>> -> memref<10000xf32, #tpu.memory_space<hbm>>
      tpu.enqueue_dma source(%arg12 : memref<10000xf32, #tpu.memory_space<vmem>>) target(%dma_start3A_31 : memref<10000xf32, #tpu.memory_space<hbm>>) target_semaphore(%run_scoped3A : memref<!tpu.dma_semaphore, #tpu.memory_space<semaphore_mem>>)
      %dma_wait3A = tpu.memref_slice %arg9[%mul3A_30] : memref<320000xf32, #tpu.memory_space<hbm>> -> memref<10000xf32, #tpu.memory_space<hbm>>
      %dma_wait3A_32 = tpu.memref_slice %arg9[%mul3A_30] : memref<320000xf32, #tpu.memory_space<hbm>> -> memref<10000xf32, #tpu.memory_space<hbm>>
      tpu.wait_dma2 semaphore(%run_scoped3A : memref<!tpu.dma_semaphore, #tpu.memory_space<semaphore_mem>>) src(%arg12 : memref<10000xf32, #tpu.memory_space<vmem>>) dst(%dma_wait3A_32 : memref<10000xf32, #tpu.memory_space<hbm>>)
      tpu.yield
    }) : () -> ()
    "tpu.region"() ({
      %run_scoped3A = tpu.sem_alloc : memref<!tpu.dma_semaphore, #tpu.memory_space<semaphore_mem>>
      %dma_start3A = arith.constant 0 : i32
      %dma_start3A_31 = tpu.memref_slice %arg8[%arg0, %mul3A_4, %dma_start3A] : memref<2x10000x128xf32, #tpu.memory_space<hbm>> -> memref<1x640x128xf32, #tpu.memory_space<hbm>>
      %dma_start3A_32 = tpu.memref_squeeze %dma_start3A_31 : memref<1x640x128xf32, #tpu.memory_space<hbm>> -> memref<640x128xf32, #tpu.memory_space<hbm>>
      %dma_start3A_33 = arith.constant 0 : i32
      %dma_start3A_34 = tpu.memref_slice %arg18[%mul3A_4, %dma_start3A_33] : memref<10000x128xf32, #tpu.memory_space<vmem_shared>> -> memref<640x128xf32, #tpu.memory_space<vmem_shared>>
      tpu.enqueue_dma source(%dma_start3A_34 : memref<640x128xf32, #tpu.memory_space<vmem_shared>>) target(%dma_start3A_32 : memref<640x128xf32, #tpu.memory_space<hbm>>) target_semaphore(%run_scoped3A : memref<!tpu.dma_semaphore, #tpu.memory_space<semaphore_mem>>)
      %dma_wait3A = arith.constant 0 : i32
      %dma_wait3A_35 = tpu.memref_slice %arg8[%arg0, %mul3A_4, %dma_wait3A] : memref<2x10000x128xf32, #tpu.memory_space<hbm>> -> memref<1x640x128xf32, #tpu.memory_space<hbm>>
      %dma_wait3A_36 = tpu.memref_squeeze %dma_wait3A_35 : memref<1x640x128xf32, #tpu.memory_space<hbm>> -> memref<640x128xf32, #tpu.memory_space<hbm>>
      %dma_wait3A_37 = arith.constant 0 : i32
      %dma_wait3A_38 = tpu.memref_slice %arg18[%mul3A_4, %dma_wait3A_37] : memref<10000x128xf32, #tpu.memory_space<vmem_shared>> -> memref<640x128xf32, #tpu.memory_space<vmem_shared>>
      tpu.wait_dma2 semaphore(%run_scoped3A : memref<!tpu.dma_semaphore, #tpu.memory_space<semaphore_mem>>) src(%dma_wait3A_38 : memref<640x128xf32, #tpu.memory_space<vmem_shared>>) dst(%dma_wait3A_36 : memref<640x128xf32, #tpu.memory_space<hbm>>)
      tpu.yield
    }) : () -> ()
    return
  }
}

#map = affine_map<(d0, d1) -> (0)>
#map1 = affine_map<(d0, d1) -> (0, 0)>
#map2 = affine_map<(d0, d1) -> (0, 0, 0)>
module attributes {stable_mosaic.version = 14 : i64} {
  func.func @_sc_edge_body(%arg0: i32, %arg1: i32, %arg2: memref<320000xi32, #tpu.memory_space<hbm>>, %arg3: memref<320000xi32, #tpu.memory_space<hbm>>, %arg4: memref<320000xf32, #tpu.memory_space<hbm>>, %arg5: memref<10000xf32, #tpu.memory_space<hbm>>, %arg6: memref<10000xf32, #tpu.memory_space<hbm>>, %arg7: memref<10000x128xf32, #tpu.memory_space<hbm>>, %arg8: memref<2x10000x128xf32, #tpu.memory_space<hbm>>, %arg9: memref<320000xf32, #tpu.memory_space<hbm>>, %arg10: memref<10000xf32, #tpu.memory_space<vmem>>, %arg11: memref<10000xf32, #tpu.memory_space<vmem>>, %arg12: memref<10000xf32, #tpu.memory_space<vmem>>, %arg13: memref<80xi32, #tpu.memory_space<vmem>>, %arg14: memref<80xi32, #tpu.memory_space<vmem>>, %arg15: memref<80xf32, #tpu.memory_space<vmem>>, %arg16: memref<80xf32, #tpu.memory_space<vmem>>, %arg17: memref<80x128xf32, #tpu.memory_space<vmem>>, %arg18: memref<10000x128xf32, #tpu.memory_space<vmem_shared>>, %arg19: memref<!tpu.dma_semaphore, #tpu.memory_space<semaphore_mem>>) attributes {dimension_semantics = [#tpu.dimension_semantics<core_parallel>, #tpu.dimension_semantics<subcore_parallel>], iteration_bounds = array<i64: 2, 16>, scalar_prefetch = 0 : i64, scratch_operands = 10 : i64, tpu.core_type = #tpu.core_type<sc_vector_subcore>, window_params = [{transform_indices = #map}, {transform_indices = #map}, {transform_indices = #map}, {transform_indices = #map}, {transform_indices = #map}, {transform_indices = #map1}, {transform_indices = #map2}, {transform_indices = #map}]} {
    %mul3A = arith.constant 16 : i32
    %mul3A_0 = arith.muli %arg0, %mul3A : i32
    %add3A = arith.addi %mul3A_0, %arg1 : i32
    %mul3A_1 = arith.constant 10000 : i32
    %mul3A_2 = arith.muli %add3A, %mul3A_1 : i32
    %mul3A_3 = arith.constant 624 : i32
    %mul3A_4 = arith.muli %arg1, %mul3A_3 : i32
    "tpu.region"() ({
      %run_scoped3A = tpu.sem_alloc : memref<!tpu.dma_semaphore, #tpu.memory_space<semaphore_mem>>
      tpu.enqueue_dma source(%arg5 : memref<10000xf32, #tpu.memory_space<hbm>>) target(%arg10 : memref<10000xf32, #tpu.memory_space<vmem>>) target_semaphore(%run_scoped3A : memref<!tpu.dma_semaphore, #tpu.memory_space<semaphore_mem>>)
      tpu.wait_dma2 semaphore(%run_scoped3A : memref<!tpu.dma_semaphore, #tpu.memory_space<semaphore_mem>>) src(%arg5 : memref<10000xf32, #tpu.memory_space<hbm>>) dst(%arg10 : memref<10000xf32, #tpu.memory_space<vmem>>)
      tpu.yield
    }) : () -> ()
    "tpu.region"() ({
      %run_scoped3A = tpu.sem_alloc : memref<!tpu.dma_semaphore, #tpu.memory_space<semaphore_mem>>
      tpu.enqueue_dma source(%arg6 : memref<10000xf32, #tpu.memory_space<hbm>>) target(%arg11 : memref<10000xf32, #tpu.memory_space<vmem>>) target_semaphore(%run_scoped3A : memref<!tpu.dma_semaphore, #tpu.memory_space<semaphore_mem>>)
      tpu.wait_dma2 semaphore(%run_scoped3A : memref<!tpu.dma_semaphore, #tpu.memory_space<semaphore_mem>>) src(%arg6 : memref<10000xf32, #tpu.memory_space<hbm>>) dst(%arg11 : memref<10000xf32, #tpu.memory_space<vmem>>)
      tpu.yield
    }) : () -> ()
    %scan3A = arith.constant 0 : i32
    %scan3A_5 = arith.constant 0 : i32
    %scan3A_6 = arith.constant 625 : i32
    %scan3A_7 = arith.addi %scan3A_5, %scan3A_6 : i32
    %scan3A_8 = arith.constant 1 : i32
    scf.for %scan3A_31 = %scan3A_5 to %scan3A_7 step %scan3A_8  : i32 {
      %broadcast_in_dim3A = arith.constant 0.000000e+00 : f32
      %broadcast_in_dim3A_32 = vector.broadcast %broadcast_in_dim3A : f32 to vector<16xf32>
      %mul3A_33 = arith.constant 16 : i32
      %mul3A_34 = arith.muli %scan3A_31, %mul3A_33 : i32
      %swap3A = arith.index_cast %mul3A_34 : i32 to index
      %swap3A_35 = tpu.vector_load %arg12[%swap3A] {strides = array<i32>} : memref<10000xf32, #tpu.memory_space<vmem>>, vector<16xf32>,
      tpu.vector_store %arg12[%swap3A], %broadcast_in_dim3A_32 {strides = array<i32>} : memref<10000xf32, #tpu.memory_space<vmem>>, vector<16xf32>,
    }
    %scan3A_9 = arith.constant 625 : i32
    %scan3A_10 = arith.constant 0 : i32
    %scan3A_11 = arith.constant 0 : i32
    %scan3A_12 = arith.constant 640 : i32
    %scan3A_13 = arith.addi %scan3A_11, %scan3A_12 : i32
    %scan3A_14 = arith.constant 1 : i32
    scf.for %scan3A_31 = %scan3A_11 to %scan3A_13 step %scan3A_14  : i32 {
      %jit3A = arith.constant 8 : i32
      %div3A = arith.divsi %scan3A_31, %jit3A : i32
      %sign3A = arith.constant 0 : i32
      %sign3A_32 = arith.cmpi sgt, %scan3A_31, %sign3A : i32
      %sign3A_33 = arith.extui %sign3A_32 : i1 to i32
      %sign3A_34 = arith.constant 0 : i32
      %sign3A_35 = arith.cmpi slt, %scan3A_31, %sign3A_34 : i32
      %sign3A_36 = arith.extui %sign3A_35 : i1 to i32
      %sign3A_37 = arith.subi %sign3A_33, %sign3A_36 : i32
      %sign3A_38 = arith.constant 0 : i32
      %sign3A_39 = arith.cmpi sgt, %jit3A, %sign3A_38 : i32
      %sign3A_40 = arith.extui %sign3A_39 : i1 to i32
      %sign3A_41 = arith.constant 0 : i32
      %sign3A_42 = arith.cmpi slt, %jit3A, %sign3A_41 : i32
      %sign3A_43 = arith.extui %sign3A_42 : i1 to i32
      %sign3A_44 = arith.subi %sign3A_40, %sign3A_43 : i32
      %ne3A = arith.cmpi ne, %sign3A_37, %sign3A_44 : i32
      %rem3A = arith.remsi %scan3A_31, %jit3A : i32
      %ne3A_45 = arith.constant 0 : i32
      %ne3A_46 = arith.cmpi ne, %rem3A, %ne3A_45 : i32
      %and3A = arith.andi %ne3A, %ne3A_46 : i1
      %sub3A = arith.constant 1 : i32
      %sub3A_47 = arith.subi %div3A, %sub3A : i32
      %select_n3A = arith.select %and3A, %sub3A_47, %div3A : i32
      %jit3A_48 = arith.constant 8 : i32
      %eq3A = arith.constant 0 : i32
      %eq3A_49 = arith.cmpi eq, %jit3A_48, %eq3A : i32
      %jit3A_50 = arith.constant 1 : i32
      %select_n3A_51 = arith.select %eq3A_49, %jit3A_50, %jit3A_48 : i32
      %rem3A_52 = arith.remsi %scan3A_31, %select_n3A_51 : i32
      %ne3A_53 = arith.constant 0 : i32
      %ne3A_54 = arith.cmpi ne, %rem3A_52, %ne3A_53 : i32
      %lt3A = arith.constant 0 : i32
      %lt3A_55 = arith.cmpi slt, %rem3A_52, %lt3A : i32
      %lt3A_56 = arith.constant 0 : i32
      %lt3A_57 = arith.cmpi slt, %select_n3A_51, %lt3A_56 : i32
      %ne3A_58 = arith.xori %lt3A_55, %lt3A_57 : i1
      %and3A_59 = arith.andi %ne3A_58, %ne3A_54 : i1
      %add3A_60 = arith.addi %rem3A_52, %select_n3A_51 : i32
      %select_n3A_61 = arith.select %and3A_59, %add3A_60, %rem3A_52 : i32
      %broadcast_in_dim3A = arith.constant 0.000000e+00 : f32
      %broadcast_in_dim3A_62 = vector.broadcast %broadcast_in_dim3A : f32 to vector<16xf32>
      %mul3A_63 = arith.constant 16 : i32
      %mul3A_64 = arith.muli %select_n3A_61, %mul3A_63 : i32
      %swap3A = arith.index_cast %select_n3A : i32 to index
      %swap3A_65 = arith.index_cast %mul3A_64 : i32 to index
      %swap3A_66 = tpu.vector_load %arg17[%swap3A, %swap3A_65] {strides = array<i32>} : memref<80x128xf32, #tpu.memory_space<vmem>>, vector<16xf32>,
      tpu.vector_store %arg17[%swap3A, %swap3A_65], %broadcast_in_dim3A_62 {strides = array<i32>} : memref<80x128xf32, #tpu.memory_space<vmem>>, vector<16xf32>,
    }
    %scan3A_15 = arith.constant 640 : i32
    %scan3A_16 = arith.constant 0 : i32
    %scan3A_17 = arith.constant 0 : i32
    %scan3A_18 = arith.constant 8 : i32
    %scan3A_19 = arith.addi %scan3A_17, %scan3A_18 : i32
    %scan3A_20 = arith.constant 1 : i32
    scf.for %scan3A_31 = %scan3A_17 to %scan3A_19 step %scan3A_20  : i32 {
      %mul3A_32 = arith.constant 80 : i32
      %mul3A_33 = arith.muli %scan3A_31, %mul3A_32 : i32
      %add3A_34 = arith.addi %mul3A_4, %mul3A_33 : i32
      "tpu.region"() ({
        %run_scoped3A = tpu.sem_alloc : memref<!tpu.dma_semaphore, #tpu.memory_space<semaphore_mem>>
        %dma_start3A = arith.constant 0 : i32
        %dma_start3A_35 = tpu.memref_slice %arg18[%add3A_34, %dma_start3A] : memref<10000x128xf32, #tpu.memory_space<vmem_shared>> -> memref<80x128xf32, #tpu.memory_space<vmem_shared>>
        %dma_start3A_36 = arith.constant 0 : i32
        %dma_start3A_37 = tpu.memref_slice %arg18[%add3A_34, %dma_start3A_36] : memref<10000x128xf32, #tpu.memory_space<vmem_shared>> -> memref<80x128xf32, #tpu.memory_space<vmem_shared>>
        tpu.enqueue_dma source(%arg17 : memref<80x128xf32, #tpu.memory_space<vmem>>) target(%dma_start3A_37 : memref<80x128xf32, #tpu.memory_space<vmem_shared>>) target_semaphore(%run_scoped3A : memref<!tpu.dma_semaphore, #tpu.memory_space<semaphore_mem>>)
        %dma_wait3A = arith.constant 0 : i32
        %dma_wait3A_38 = tpu.memref_slice %arg18[%add3A_34, %dma_wait3A] : memref<10000x128xf32, #tpu.memory_space<vmem_shared>> -> memref<80x128xf32, #tpu.memory_space<vmem_shared>>
        %dma_wait3A_39 = arith.constant 0 : i32
        %dma_wait3A_40 = tpu.memref_slice %arg18[%add3A_34, %dma_wait3A_39] : memref<10000x128xf32, #tpu.memory_space<vmem_shared>> -> memref<80x128xf32, #tpu.memory_space<vmem_shared>>
        tpu.wait_dma2 semaphore(%run_scoped3A : memref<!tpu.dma_semaphore, #tpu.memory_space<semaphore_mem>>) src(%arg17 : memref<80x128xf32, #tpu.memory_space<vmem>>) dst(%dma_wait3A_40 : memref<80x128xf32, #tpu.memory_space<vmem_shared>>)
        tpu.yield
      }) : () -> ()
    }
    %scan3A_21 = arith.constant 8 : i32
    %barrier3A = arith.constant 0 : index
    tpu.barrier barrier_id(%barrier3A)
    %scan3A_22 = arith.constant 0 : i32
    %scan3A_23 = arith.constant 0 : i32
    %scan3A_24 = arith.constant 125 : i32
    %scan3A_25 = arith.addi %scan3A_23, %scan3A_24 : i32
    %scan3A_26 = arith.constant 1 : i32
    scf.for %scan3A_31 = %scan3A_23 to %scan3A_25 step %scan3A_26  : i32 {
      %mul3A_32 = arith.constant 80 : i32
      %mul3A_33 = arith.muli %scan3A_31, %mul3A_32 : i32
      %add3A_34 = arith.addi %mul3A_2, %mul3A_33 : i32
      "tpu.region"() ({
        %run_scoped3A = tpu.sem_alloc : memref<!tpu.dma_semaphore, #tpu.memory_space<semaphore_mem>>
        %dma_start3A_51 = tpu.memref_slice %arg2[%add3A_34] : memref<320000xi32, #tpu.memory_space<hbm>> -> memref<80xi32, #tpu.memory_space<hbm>>
        %dma_start3A_52 = tpu.memref_slice %arg2[%add3A_34] : memref<320000xi32, #tpu.memory_space<hbm>> -> memref<80xi32, #tpu.memory_space<hbm>>
        tpu.enqueue_dma source(%dma_start3A_52 : memref<80xi32, #tpu.memory_space<hbm>>) target(%arg13 : memref<80xi32, #tpu.memory_space<vmem>>) target_semaphore(%run_scoped3A : memref<!tpu.dma_semaphore, #tpu.memory_space<semaphore_mem>>)
        %dma_wait3A_53 = tpu.memref_slice %arg2[%add3A_34] : memref<320000xi32, #tpu.memory_space<hbm>> -> memref<80xi32, #tpu.memory_space<hbm>>
        %dma_wait3A_54 = tpu.memref_slice %arg2[%add3A_34] : memref<320000xi32, #tpu.memory_space<hbm>> -> memref<80xi32, #tpu.memory_space<hbm>>
        tpu.wait_dma2 semaphore(%run_scoped3A : memref<!tpu.dma_semaphore, #tpu.memory_space<semaphore_mem>>) src(%dma_wait3A_54 : memref<80xi32, #tpu.memory_space<hbm>>) dst(%arg13 : memref<80xi32, #tpu.memory_space<vmem>>)
        tpu.yield
      }) : () -> ()
      "tpu.region"() ({
        %run_scoped3A = tpu.sem_alloc : memref<!tpu.dma_semaphore, #tpu.memory_space<semaphore_mem>>
        %dma_start3A_51 = tpu.memref_slice %arg3[%add3A_34] : memref<320000xi32, #tpu.memory_space<hbm>> -> memref<80xi32, #tpu.memory_space<hbm>>
        %dma_start3A_52 = tpu.memref_slice %arg3[%add3A_34] : memref<320000xi32, #tpu.memory_space<hbm>> -> memref<80xi32, #tpu.memory_space<hbm>>
        tpu.enqueue_dma source(%dma_start3A_52 : memref<80xi32, #tpu.memory_space<hbm>>) target(%arg14 : memref<80xi32, #tpu.memory_space<vmem>>) target_semaphore(%run_scoped3A : memref<!tpu.dma_semaphore, #tpu.memory_space<semaphore_mem>>)
        %dma_wait3A_53 = tpu.memref_slice %arg3[%add3A_34] : memref<320000xi32, #tpu.memory_space<hbm>> -> memref<80xi32, #tpu.memory_space<hbm>>
        %dma_wait3A_54 = tpu.memref_slice %arg3[%add3A_34] : memref<320000xi32, #tpu.memory_space<hbm>> -> memref<80xi32, #tpu.memory_space<hbm>>
        tpu.wait_dma2 semaphore(%run_scoped3A : memref<!tpu.dma_semaphore, #tpu.memory_space<semaphore_mem>>) src(%dma_wait3A_54 : memref<80xi32, #tpu.memory_space<hbm>>) dst(%arg14 : memref<80xi32, #tpu.memory_space<vmem>>)
        tpu.yield
      }) : () -> ()
      "tpu.region"() ({
        %run_scoped3A = tpu.sem_alloc : memref<!tpu.dma_semaphore, #tpu.memory_space<semaphore_mem>>
        %dma_start3A_51 = tpu.memref_slice %arg4[%add3A_34] : memref<320000xf32, #tpu.memory_space<hbm>> -> memref<80xf32, #tpu.memory_space<hbm>>
        %dma_start3A_52 = tpu.memref_slice %arg4[%add3A_34] : memref<320000xf32, #tpu.memory_space<hbm>> -> memref<80xf32, #tpu.memory_space<hbm>>
        tpu.enqueue_dma source(%dma_start3A_52 : memref<80xf32, #tpu.memory_space<hbm>>) target(%arg15 : memref<80xf32, #tpu.memory_space<vmem>>) target_semaphore(%run_scoped3A : memref<!tpu.dma_semaphore, #tpu.memory_space<semaphore_mem>>)
        %dma_wait3A_53 = tpu.memref_slice %arg4[%add3A_34] : memref<320000xf32, #tpu.memory_space<hbm>> -> memref<80xf32, #tpu.memory_space<hbm>>
        %dma_wait3A_54 = tpu.memref_slice %arg4[%add3A_34] : memref<320000xf32, #tpu.memory_space<hbm>> -> memref<80xf32, #tpu.memory_space<hbm>>
        tpu.wait_dma2 semaphore(%run_scoped3A : memref<!tpu.dma_semaphore, #tpu.memory_space<semaphore_mem>>) src(%dma_wait3A_54 : memref<80xf32, #tpu.memory_space<hbm>>) dst(%arg15 : memref<80xf32, #tpu.memory_space<vmem>>)
        tpu.yield
      }) : () -> ()
      %dma_start3A = arith.constant 0 : i32
      %dma_start3A_35 = arith.constant 0 : i32
      %dma_start3A_36 = tpu.memref_slice %arg7[%dma_start3A, %dma_start3A_35] : memref<10000x128xf32, #tpu.memory_space<hbm>> -> memref<10000x128xf32, #tpu.memory_space<hbm>>
      tpu.enqueue_indirect_dma source(%dma_start3A_36 : memref<10000x128xf32, #tpu.memory_space<hbm>>) target(%arg17 : memref<80x128xf32, #tpu.memory_space<vmem>>) offsets(%arg13 : memref<80xi32, #tpu.memory_space<vmem>>) semaphore(%arg19 : memref<!tpu.dma_semaphore, #tpu.memory_space<semaphore_mem>>)
      %scan3A_37 = arith.constant 0 : i32
      %scan3A_38 = arith.constant 0 : i32
      %scan3A_39 = arith.constant 5 : i32
      %scan3A_40 = arith.addi %scan3A_38, %scan3A_39 : i32
      %scan3A_41 = arith.constant 1 : i32
      scf.for %scan3A_51 = %scan3A_38 to %scan3A_40 step %scan3A_41  : i32 {
        %mul3A_52 = arith.constant 16 : i32
        %mul3A_53 = arith.muli %scan3A_51, %mul3A_52 : i32
        %get3A = arith.index_cast %mul3A_53 : i32 to index
        %get3A_54 = tpu.vector_load %arg13[%get3A] {strides = array<i32>} : memref<80xi32, #tpu.memory_space<vmem>>, vector<16xi32>,
        %get3A_55 = arith.index_cast %mul3A_53 : i32 to index
        %get3A_56 = tpu.vector_load %arg14[%get3A_55] {strides = array<i32>} : memref<80xi32, #tpu.memory_space<vmem>>, vector<16xi32>,
        %gather3A = tpu.vector_load_idx %arg10[%get3A_54] : memref<10000xf32, #tpu.memory_space<vmem>>[vector<16xi32>], vector<16xf32>,
        %gather3A_57 = tpu.vector_load_idx %arg11[%get3A_56] : memref<10000xf32, #tpu.memory_space<vmem>>[vector<16xi32>], vector<16xf32>,
        %add3A_58 = arith.addf %gather3A, %gather3A_57 : vector<16xf32>
        %get3A_59 = arith.index_cast %mul3A_53 : i32 to index
        %get3A_60 = tpu.vector_load %arg15[%get3A_59] {strides = array<i32>} : memref<80xf32, #tpu.memory_space<vmem>>, vector<16xf32>,
        %add3A_61 = arith.addf %add3A_58, %get3A_60 : vector<16xf32>
        %ge3A = arith.constant 0.000000e+00 : f32
        %ge3A_62 = vector.broadcast %ge3A : f32 to vector<16xf32>
        %ge3A_63 = arith.cmpf oge, %add3A_61, %ge3A_62 : vector<16xf32>
        %mul3A_64 = arith.constant 2.000000e-01 : f32
        %mul3A_65 = vector.broadcast %mul3A_64 : f32 to vector<16xf32>
        %mul3A_66 = arith.mulf %mul3A_65, %add3A_61 : vector<16xf32>
        %select_n3A = arith.select %ge3A_63, %add3A_61, %mul3A_66 : vector<16xi1>, vector<16xf32>
        %exp3A = math.exp %select_n3A : vector<16xf32>
        %swap3A = arith.index_cast %mul3A_53 : i32 to index
        %swap3A_67 = tpu.vector_load %arg16[%swap3A] {strides = array<i32>} : memref<80xf32, #tpu.memory_space<vmem>>, vector<16xf32>,
        tpu.vector_store %arg16[%swap3A], %exp3A {strides = array<i32>} : memref<80xf32, #tpu.memory_space<vmem>>, vector<16xf32>,
        tpu.vector_store_idx %arg12[%get3A_56], %exp3A {add = true} : memref<10000xf32, #tpu.memory_space<vmem>>[vector<16xi32>], vector<16xf32>,
      }
      %scan3A_42 = arith.constant 5 : i32
      %dma_wait3A = arith.constant 0 : i32
      %dma_wait3A_43 = arith.constant 0 : i32
      %dma_wait3A_44 = tpu.memref_slice %arg7[%dma_wait3A, %dma_wait3A_43] : memref<10000x128xf32, #tpu.memory_space<hbm>> -> memref<10000x128xf32, #tpu.memory_space<hbm>>
      tpu.wait_indirect_dma semaphore(%arg19 : memref<!tpu.dma_semaphore, #tpu.memory_space<semaphore_mem>>) src(%dma_wait3A_44 : memref<10000x128xf32, #tpu.memory_space<hbm>>) dst(%arg17 : memref<80x128xf32, #tpu.memory_space<vmem>>)
      %scan3A_45 = arith.constant 0 : i32
      %scan3A_46 = arith.constant 0 : i32
      %scan3A_47 = arith.constant 80 : i32
      %scan3A_48 = arith.addi %scan3A_46, %scan3A_47 : i32
      %scan3A_49 = arith.constant 1 : i32
      scf.for %scan3A_51 = %scan3A_46 to %scan3A_48 step %scan3A_49  : i32 {
        %broadcast_in_dim3A = vector.broadcast %scan3A_51 : i32 to vector<16xi32>
        %gather3A = tpu.vector_load_idx %arg16[%broadcast_in_dim3A] : memref<80xf32, #tpu.memory_space<vmem>>[vector<16xi32>], vector<16xf32>,
        %get3A = arith.index_cast %scan3A_51 : i32 to index
        %get3A_52 = arith.constant 0 : index
        %get3A_53 = tpu.vector_load %arg17[%get3A, %get3A_52] {strides = array<i32>} : memref<80x128xf32, #tpu.memory_space<vmem>>, vector<16xf32>,
        %mul3A_54 = arith.mulf %get3A_53, %gather3A : vector<16xf32>
        %swap3A = arith.index_cast %scan3A_51 : i32 to index
        %swap3A_55 = arith.constant 0 : index
        %swap3A_56 = tpu.vector_load %arg17[%swap3A, %swap3A_55] {strides = array<i32>} : memref<80x128xf32, #tpu.memory_space<vmem>>, vector<16xf32>,
        tpu.vector_store %arg17[%swap3A, %swap3A_55], %mul3A_54 {strides = array<i32>} : memref<80x128xf32, #tpu.memory_space<vmem>>, vector<16xf32>,
        %get3A_57 = arith.index_cast %scan3A_51 : i32 to index
        %get3A_58 = arith.constant 16 : index
        %get3A_59 = tpu.vector_load %arg17[%get3A_57, %get3A_58] {strides = array<i32>} : memref<80x128xf32, #tpu.memory_space<vmem>>, vector<16xf32>,
        %mul3A_60 = arith.mulf %get3A_59, %gather3A : vector<16xf32>
        %swap3A_61 = arith.index_cast %scan3A_51 : i32 to index
        %swap3A_62 = arith.constant 16 : index
        %swap3A_63 = tpu.vector_load %arg17[%swap3A_61, %swap3A_62] {strides = array<i32>} : memref<80x128xf32, #tpu.memory_space<vmem>>, vector<16xf32>,
        tpu.vector_store %arg17[%swap3A_61, %swap3A_62], %mul3A_60 {strides = array<i32>} : memref<80x128xf32, #tpu.memory_space<vmem>>, vector<16xf32>,
        %get3A_64 = arith.index_cast %scan3A_51 : i32 to index
        %get3A_65 = arith.constant 32 : index
        %get3A_66 = tpu.vector_load %arg17[%get3A_64, %get3A_65] {strides = array<i32>} : memref<80x128xf32, #tpu.memory_space<vmem>>, vector<16xf32>,
        %mul3A_67 = arith.mulf %get3A_66, %gather3A : vector<16xf32>
        %swap3A_68 = arith.index_cast %scan3A_51 : i32 to index
        %swap3A_69 = arith.constant 32 : index
        %swap3A_70 = tpu.vector_load %arg17[%swap3A_68, %swap3A_69] {strides = array<i32>} : memref<80x128xf32, #tpu.memory_space<vmem>>, vector<16xf32>,
        tpu.vector_store %arg17[%swap3A_68, %swap3A_69], %mul3A_67 {strides = array<i32>} : memref<80x128xf32, #tpu.memory_space<vmem>>, vector<16xf32>,
        %get3A_71 = arith.index_cast %scan3A_51 : i32 to index
        %get3A_72 = arith.constant 48 : index
        %get3A_73 = tpu.vector_load %arg17[%get3A_71, %get3A_72] {strides = array<i32>} : memref<80x128xf32, #tpu.memory_space<vmem>>, vector<16xf32>,
        %mul3A_74 = arith.mulf %get3A_73, %gather3A : vector<16xf32>
        %swap3A_75 = arith.index_cast %scan3A_51 : i32 to index
        %swap3A_76 = arith.constant 48 : index
        %swap3A_77 = tpu.vector_load %arg17[%swap3A_75, %swap3A_76] {strides = array<i32>} : memref<80x128xf32, #tpu.memory_space<vmem>>, vector<16xf32>,
        tpu.vector_store %arg17[%swap3A_75, %swap3A_76], %mul3A_74 {strides = array<i32>} : memref<80x128xf32, #tpu.memory_space<vmem>>, vector<16xf32>,
        %get3A_78 = arith.index_cast %scan3A_51 : i32 to index
        %get3A_79 = arith.constant 64 : index
        %get3A_80 = tpu.vector_load %arg17[%get3A_78, %get3A_79] {strides = array<i32>} : memref<80x128xf32, #tpu.memory_space<vmem>>, vector<16xf32>,
        %mul3A_81 = arith.mulf %get3A_80, %gather3A : vector<16xf32>
        %swap3A_82 = arith.index_cast %scan3A_51 : i32 to index
        %swap3A_83 = arith.constant 64 : index
        %swap3A_84 = tpu.vector_load %arg17[%swap3A_82, %swap3A_83] {strides = array<i32>} : memref<80x128xf32, #tpu.memory_space<vmem>>, vector<16xf32>,
        tpu.vector_store %arg17[%swap3A_82, %swap3A_83], %mul3A_81 {strides = array<i32>} : memref<80x128xf32, #tpu.memory_space<vmem>>, vector<16xf32>,
        %get3A_85 = arith.index_cast %scan3A_51 : i32 to index
        %get3A_86 = arith.constant 80 : index
        %get3A_87 = tpu.vector_load %arg17[%get3A_85, %get3A_86] {strides = array<i32>} : memref<80x128xf32, #tpu.memory_space<vmem>>, vector<16xf32>,
        %mul3A_88 = arith.mulf %get3A_87, %gather3A : vector<16xf32>
        %swap3A_89 = arith.index_cast %scan3A_51 : i32 to index
        %swap3A_90 = arith.constant 80 : index
        %swap3A_91 = tpu.vector_load %arg17[%swap3A_89, %swap3A_90] {strides = array<i32>} : memref<80x128xf32, #tpu.memory_space<vmem>>, vector<16xf32>,
        tpu.vector_store %arg17[%swap3A_89, %swap3A_90], %mul3A_88 {strides = array<i32>} : memref<80x128xf32, #tpu.memory_space<vmem>>, vector<16xf32>,
        %get3A_92 = arith.index_cast %scan3A_51 : i32 to index
        %get3A_93 = arith.constant 96 : index
        %get3A_94 = tpu.vector_load %arg17[%get3A_92, %get3A_93] {strides = array<i32>} : memref<80x128xf32, #tpu.memory_space<vmem>>, vector<16xf32>,
        %mul3A_95 = arith.mulf %get3A_94, %gather3A : vector<16xf32>
        %swap3A_96 = arith.index_cast %scan3A_51 : i32 to index
        %swap3A_97 = arith.constant 96 : index
        %swap3A_98 = tpu.vector_load %arg17[%swap3A_96, %swap3A_97] {strides = array<i32>} : memref<80x128xf32, #tpu.memory_space<vmem>>, vector<16xf32>,
        tpu.vector_store %arg17[%swap3A_96, %swap3A_97], %mul3A_95 {strides = array<i32>} : memref<80x128xf32, #tpu.memory_space<vmem>>, vector<16xf32>,
        %get3A_99 = arith.index_cast %scan3A_51 : i32 to index
        %get3A_100 = arith.constant 112 : index
        %get3A_101 = tpu.vector_load %arg17[%get3A_99, %get3A_100] {strides = array<i32>} : memref<80x128xf32, #tpu.memory_space<vmem>>, vector<16xf32>,
        %mul3A_102 = arith.mulf %get3A_101, %gather3A : vector<16xf32>
        %swap3A_103 = arith.index_cast %scan3A_51 : i32 to index
        %swap3A_104 = arith.constant 112 : index
        %swap3A_105 = tpu.vector_load %arg17[%swap3A_103, %swap3A_104] {strides = array<i32>} : memref<80x128xf32, #tpu.memory_space<vmem>>, vector<16xf32>,
        tpu.vector_store %arg17[%swap3A_103, %swap3A_104], %mul3A_102 {strides = array<i32>} : memref<80x128xf32, #tpu.memory_space<vmem>>, vector<16xf32>,
      }
      %scan3A_50 = arith.constant 80 : i32
      "tpu.region"() ({
        %run_scoped3A = tpu.sem_alloc : memref<!tpu.dma_semaphore, #tpu.memory_space<semaphore_mem>>
        %dma_start3A_51 = arith.constant 0 : i32
        %dma_start3A_52 = arith.constant 0 : i32
        %dma_start3A_53 = tpu.memref_slice %arg18[%dma_start3A_51, %dma_start3A_52] : memref<10000x128xf32, #tpu.memory_space<vmem_shared>> -> memref<10000x128xf32, #tpu.memory_space<vmem_shared>>
        tpu.enqueue_indirect_dma source(%arg17 : memref<80x128xf32, #tpu.memory_space<vmem>>) target(%dma_start3A_53 : memref<10000x128xf32, #tpu.memory_space<vmem_shared>>) offsets(%arg14 : memref<80xi32, #tpu.memory_space<vmem>>) semaphore(%run_scoped3A : memref<!tpu.dma_semaphore, #tpu.memory_space<semaphore_mem>>) {add = true}
        %dma_wait3A_54 = arith.constant 0 : i32
        %dma_wait3A_55 = arith.constant 0 : i32
        %dma_wait3A_56 = tpu.memref_slice %arg18[%dma_wait3A_54, %dma_wait3A_55] : memref<10000x128xf32, #tpu.memory_space<vmem_shared>> -> memref<10000x128xf32, #tpu.memory_space<vmem_shared>>
        tpu.wait_indirect_dma semaphore(%run_scoped3A : memref<!tpu.dma_semaphore, #tpu.memory_space<semaphore_mem>>) src(%arg17 : memref<80x128xf32, #tpu.memory_space<vmem>>) dst(%dma_wait3A_56 : memref<10000x128xf32, #tpu.memory_space<vmem_shared>>)
        tpu.yield
      }) : () -> ()
    }
    %scan3A_27 = arith.constant 125 : i32
    %barrier3A_28 = arith.constant 0 : index
    tpu.barrier barrier_id(%barrier3A_28)
    %mul3A_29 = arith.constant 10000 : i32
    %mul3A_30 = arith.muli %add3A, %mul3A_29 : i32
    "tpu.region"() ({
      %run_scoped3A = tpu.sem_alloc : memref<!tpu.dma_semaphore, #tpu.memory_space<semaphore_mem>>
      %dma_start3A = tpu.memref_slice %arg9[%mul3A_30] : memref<320000xf32, #tpu.memory_space<hbm>> -> memref<10000xf32, #tpu.memory_space<hbm>>
      %dma_start3A_31 = tpu.memref_slice %arg9[%mul3A_30] : memref<320000xf32, #tpu.memory_space<hbm>> -> memref<10000xf32, #tpu.memory_space<hbm>>
      tpu.enqueue_dma source(%arg12 : memref<10000xf32, #tpu.memory_space<vmem>>) target(%dma_start3A_31 : memref<10000xf32, #tpu.memory_space<hbm>>) target_semaphore(%run_scoped3A : memref<!tpu.dma_semaphore, #tpu.memory_space<semaphore_mem>>)
      %dma_wait3A = tpu.memref_slice %arg9[%mul3A_30] : memref<320000xf32, #tpu.memory_space<hbm>> -> memref<10000xf32, #tpu.memory_space<hbm>>
      %dma_wait3A_32 = tpu.memref_slice %arg9[%mul3A_30] : memref<320000xf32, #tpu.memory_space<hbm>> -> memref<10000xf32, #tpu.memory_space<hbm>>
      tpu.wait_dma2 semaphore(%run_scoped3A : memref<!tpu.dma_semaphore, #tpu.memory_space<semaphore_mem>>) src(%arg12 : memref<10000xf32, #tpu.memory_space<vmem>>) dst(%dma_wait3A_32 : memref<10000xf32, #tpu.memory_space<hbm>>)
      tpu.yield
    }) : () -> ()
    "tpu.region"() ({
      %run_scoped3A = tpu.sem_alloc : memref<!tpu.dma_semaphore, #tpu.memory_space<semaphore_mem>>
      %dma_start3A = arith.constant 0 : i32
      %dma_start3A_31 = tpu.memref_slice %arg8[%arg0, %mul3A_4, %dma_start3A] : memref<2x10000x128xf32, #tpu.memory_space<hbm>> -> memref<1x640x128xf32, #tpu.memory_space<hbm>>
      %dma_start3A_32 = tpu.memref_squeeze %dma_start3A_31 : memref<1x640x128xf32, #tpu.memory_space<hbm>> -> memref<640x128xf32, #tpu.memory_space<hbm>>
      %dma_start3A_33 = arith.constant 0 : i32
      %dma_start3A_34 = tpu.memref_slice %arg18[%mul3A_4, %dma_start3A_33] : memref<10000x128xf32, #tpu.memory_space<vmem_shared>> -> memref<640x128xf32, #tpu.memory_space<vmem_shared>>
      tpu.enqueue_dma source(%dma_start3A_34 : memref<640x128xf32, #tpu.memory_space<vmem_shared>>) target(%dma_start3A_32 : memref<640x128xf32, #tpu.memory_space<hbm>>) target_semaphore(%run_scoped3A : memref<!tpu.dma_semaphore, #tpu.memory_space<semaphore_mem>>)
      %dma_wait3A = arith.constant 0 : i32
      %dma_wait3A_35 = tpu.memref_slice %arg8[%arg0, %mul3A_4, %dma_wait3A] : memref<2x10000x128xf32, #tpu.memory_space<hbm>> -> memref<1x640x128xf32, #tpu.memory_space<hbm>>
      %dma_wait3A_36 = tpu.memref_squeeze %dma_wait3A_35 : memref<1x640x128xf32, #tpu.memory_space<hbm>> -> memref<640x128xf32, #tpu.memory_space<hbm>>
      %dma_wait3A_37 = arith.constant 0 : i32
      %dma_wait3A_38 = tpu.memref_slice %arg18[%mul3A_4, %dma_wait3A_37] : memref<10000x128xf32, #tpu.memory_space<vmem_shared>> -> memref<640x128xf32, #tpu.memory_space<vmem_shared>>
      tpu.wait_dma2 semaphore(%run_scoped3A : memref<!tpu.dma_semaphore, #tpu.memory_space<semaphore_mem>>) src(%dma_wait3A_38 : memref<640x128xf32, #tpu.memory_space<vmem_shared>>) dst(%dma_wait3A_36 : memref<640x128xf32, #tpu.memory_space<hbm>>)
      tpu.yield
    }) : () -> ()
    return
  }
}

#map = affine_map<(d0, d1) -> (0)>
#map1 = affine_map<(d0, d1) -> (0, 0)>
#map2 = affine_map<(d0, d1) -> (0, 0, 0)>
module attributes {stable_mosaic.version = 14 : i64} {
  func.func @_sc_edge_body(%arg0: i32, %arg1: i32, %arg2: memref<320000xi32, #tpu.memory_space<hbm>>, %arg3: memref<320000xi32, #tpu.memory_space<hbm>>, %arg4: memref<320000xf32, #tpu.memory_space<hbm>>, %arg5: memref<10000xf32, #tpu.memory_space<hbm>>, %arg6: memref<10000xf32, #tpu.memory_space<hbm>>, %arg7: memref<10000x128xf32, #tpu.memory_space<hbm>>, %arg8: memref<2x10000x128xf32, #tpu.memory_space<hbm>>, %arg9: memref<320000xf32, #tpu.memory_space<hbm>>, %arg10: memref<10000xf32, #tpu.memory_space<vmem>>, %arg11: memref<10000xf32, #tpu.memory_space<vmem>>, %arg12: memref<10000xf32, #tpu.memory_space<vmem>>, %arg13: memref<80xi32, #tpu.memory_space<vmem>>, %arg14: memref<80xi32, #tpu.memory_space<vmem>>, %arg15: memref<80xf32, #tpu.memory_space<vmem>>, %arg16: memref<80xf32, #tpu.memory_space<vmem>>, %arg17: memref<80x128xf32, #tpu.memory_space<vmem>>, %arg18: memref<10000x128xf32, #tpu.memory_space<vmem_shared>>, %arg19: memref<!tpu.dma_semaphore, #tpu.memory_space<semaphore_mem>>) attributes {dimension_semantics = [#tpu.dimension_semantics<core_parallel>, #tpu.dimension_semantics<subcore_parallel>], iteration_bounds = array<i64: 2, 16>, scalar_prefetch = 0 : i64, scratch_operands = 10 : i64, tpu.core_type = #tpu.core_type<sc_vector_subcore>, window_params = [{transform_indices = #map}, {transform_indices = #map}, {transform_indices = #map}, {transform_indices = #map}, {transform_indices = #map}, {transform_indices = #map1}, {transform_indices = #map2}, {transform_indices = #map}]} {
    %mul3A = arith.constant 16 : i32
    %mul3A_0 = arith.muli %arg0, %mul3A : i32
    %add3A = arith.addi %mul3A_0, %arg1 : i32
    %mul3A_1 = arith.constant 10000 : i32
    %mul3A_2 = arith.muli %add3A, %mul3A_1 : i32
    %mul3A_3 = arith.constant 624 : i32
    %mul3A_4 = arith.muli %arg1, %mul3A_3 : i32
    "tpu.region"() ({
      %run_scoped3A = tpu.sem_alloc : memref<!tpu.dma_semaphore, #tpu.memory_space<semaphore_mem>>
      tpu.enqueue_dma source(%arg5 : memref<10000xf32, #tpu.memory_space<hbm>>) target(%arg10 : memref<10000xf32, #tpu.memory_space<vmem>>) target_semaphore(%run_scoped3A : memref<!tpu.dma_semaphore, #tpu.memory_space<semaphore_mem>>)
      tpu.wait_dma2 semaphore(%run_scoped3A : memref<!tpu.dma_semaphore, #tpu.memory_space<semaphore_mem>>) src(%arg5 : memref<10000xf32, #tpu.memory_space<hbm>>) dst(%arg10 : memref<10000xf32, #tpu.memory_space<vmem>>)
      tpu.yield
    }) : () -> ()
    "tpu.region"() ({
      %run_scoped3A = tpu.sem_alloc : memref<!tpu.dma_semaphore, #tpu.memory_space<semaphore_mem>>
      tpu.enqueue_dma source(%arg6 : memref<10000xf32, #tpu.memory_space<hbm>>) target(%arg11 : memref<10000xf32, #tpu.memory_space<vmem>>) target_semaphore(%run_scoped3A : memref<!tpu.dma_semaphore, #tpu.memory_space<semaphore_mem>>)
      tpu.wait_dma2 semaphore(%run_scoped3A : memref<!tpu.dma_semaphore, #tpu.memory_space<semaphore_mem>>) src(%arg6 : memref<10000xf32, #tpu.memory_space<hbm>>) dst(%arg11 : memref<10000xf32, #tpu.memory_space<vmem>>)
      tpu.yield
    }) : () -> ()
    %scan3A = arith.constant 0 : i32
    %scan3A_5 = arith.constant 0 : i32
    %scan3A_6 = arith.constant 625 : i32
    %scan3A_7 = arith.addi %scan3A_5, %scan3A_6 : i32
    %scan3A_8 = arith.constant 1 : i32
    scf.for %scan3A_31 = %scan3A_5 to %scan3A_7 step %scan3A_8  : i32 {
      %broadcast_in_dim3A = arith.constant 0.000000e+00 : f32
      %broadcast_in_dim3A_32 = vector.broadcast %broadcast_in_dim3A : f32 to vector<16xf32>
      %mul3A_33 = arith.constant 16 : i32
      %mul3A_34 = arith.muli %scan3A_31, %mul3A_33 : i32
      %swap3A = arith.index_cast %mul3A_34 : i32 to index
      %swap3A_35 = tpu.vector_load %arg12[%swap3A] {strides = array<i32>} : memref<10000xf32, #tpu.memory_space<vmem>>, vector<16xf32>,
      tpu.vector_store %arg12[%swap3A], %broadcast_in_dim3A_32 {strides = array<i32>} : memref<10000xf32, #tpu.memory_space<vmem>>, vector<16xf32>,
    }
    %scan3A_9 = arith.constant 625 : i32
    %scan3A_10 = arith.constant 0 : i32
    %scan3A_11 = arith.constant 0 : i32
    %scan3A_12 = arith.constant 640 : i32
    %scan3A_13 = arith.addi %scan3A_11, %scan3A_12 : i32
    %scan3A_14 = arith.constant 1 : i32
    scf.for %scan3A_31 = %scan3A_11 to %scan3A_13 step %scan3A_14  : i32 {
      %jit3A = arith.constant 8 : i32
      %div3A = arith.divsi %scan3A_31, %jit3A : i32
      %sign3A = arith.constant 0 : i32
      %sign3A_32 = arith.cmpi sgt, %scan3A_31, %sign3A : i32
      %sign3A_33 = arith.extui %sign3A_32 : i1 to i32
      %sign3A_34 = arith.constant 0 : i32
      %sign3A_35 = arith.cmpi slt, %scan3A_31, %sign3A_34 : i32
      %sign3A_36 = arith.extui %sign3A_35 : i1 to i32
      %sign3A_37 = arith.subi %sign3A_33, %sign3A_36 : i32
      %sign3A_38 = arith.constant 0 : i32
      %sign3A_39 = arith.cmpi sgt, %jit3A, %sign3A_38 : i32
      %sign3A_40 = arith.extui %sign3A_39 : i1 to i32
      %sign3A_41 = arith.constant 0 : i32
      %sign3A_42 = arith.cmpi slt, %jit3A, %sign3A_41 : i32
      %sign3A_43 = arith.extui %sign3A_42 : i1 to i32
      %sign3A_44 = arith.subi %sign3A_40, %sign3A_43 : i32
      %ne3A = arith.cmpi ne, %sign3A_37, %sign3A_44 : i32
      %rem3A = arith.remsi %scan3A_31, %jit3A : i32
      %ne3A_45 = arith.constant 0 : i32
      %ne3A_46 = arith.cmpi ne, %rem3A, %ne3A_45 : i32
      %and3A = arith.andi %ne3A, %ne3A_46 : i1
      %sub3A = arith.constant 1 : i32
      %sub3A_47 = arith.subi %div3A, %sub3A : i32
      %select_n3A = arith.select %and3A, %sub3A_47, %div3A : i32
      %jit3A_48 = arith.constant 8 : i32
      %eq3A = arith.constant 0 : i32
      %eq3A_49 = arith.cmpi eq, %jit3A_48, %eq3A : i32
      %jit3A_50 = arith.constant 1 : i32
      %select_n3A_51 = arith.select %eq3A_49, %jit3A_50, %jit3A_48 : i32
      %rem3A_52 = arith.remsi %scan3A_31, %select_n3A_51 : i32
      %ne3A_53 = arith.constant 0 : i32
      %ne3A_54 = arith.cmpi ne, %rem3A_52, %ne3A_53 : i32
      %lt3A = arith.constant 0 : i32
      %lt3A_55 = arith.cmpi slt, %rem3A_52, %lt3A : i32
      %lt3A_56 = arith.constant 0 : i32
      %lt3A_57 = arith.cmpi slt, %select_n3A_51, %lt3A_56 : i32
      %ne3A_58 = arith.xori %lt3A_55, %lt3A_57 : i1
      %and3A_59 = arith.andi %ne3A_58, %ne3A_54 : i1
      %add3A_60 = arith.addi %rem3A_52, %select_n3A_51 : i32
      %select_n3A_61 = arith.select %and3A_59, %add3A_60, %rem3A_52 : i32
      %broadcast_in_dim3A = arith.constant 0.000000e+00 : f32
      %broadcast_in_dim3A_62 = vector.broadcast %broadcast_in_dim3A : f32 to vector<16xf32>
      %mul3A_63 = arith.constant 16 : i32
      %mul3A_64 = arith.muli %select_n3A_61, %mul3A_63 : i32
      %swap3A = arith.index_cast %select_n3A : i32 to index
      %swap3A_65 = arith.index_cast %mul3A_64 : i32 to index
      %swap3A_66 = tpu.vector_load %arg17[%swap3A, %swap3A_65] {strides = array<i32>} : memref<80x128xf32, #tpu.memory_space<vmem>>, vector<16xf32>,
      tpu.vector_store %arg17[%swap3A, %swap3A_65], %broadcast_in_dim3A_62 {strides = array<i32>} : memref<80x128xf32, #tpu.memory_space<vmem>>, vector<16xf32>,
    }
    %scan3A_15 = arith.constant 640 : i32
    %scan3A_16 = arith.constant 0 : i32
    %scan3A_17 = arith.constant 0 : i32
    %scan3A_18 = arith.constant 8 : i32
    %scan3A_19 = arith.addi %scan3A_17, %scan3A_18 : i32
    %scan3A_20 = arith.constant 1 : i32
    scf.for %scan3A_31 = %scan3A_17 to %scan3A_19 step %scan3A_20  : i32 {
      %mul3A_32 = arith.constant 80 : i32
      %mul3A_33 = arith.muli %scan3A_31, %mul3A_32 : i32
      %add3A_34 = arith.addi %mul3A_4, %mul3A_33 : i32
      "tpu.region"() ({
        %run_scoped3A = tpu.sem_alloc : memref<!tpu.dma_semaphore, #tpu.memory_space<semaphore_mem>>
        %dma_start3A = arith.constant 0 : i32
        %dma_start3A_35 = tpu.memref_slice %arg18[%add3A_34, %dma_start3A] : memref<10000x128xf32, #tpu.memory_space<vmem_shared>> -> memref<80x128xf32, #tpu.memory_space<vmem_shared>>
        %dma_start3A_36 = arith.constant 0 : i32
        %dma_start3A_37 = tpu.memref_slice %arg18[%add3A_34, %dma_start3A_36] : memref<10000x128xf32, #tpu.memory_space<vmem_shared>> -> memref<80x128xf32, #tpu.memory_space<vmem_shared>>
        tpu.enqueue_dma source(%arg17 : memref<80x128xf32, #tpu.memory_space<vmem>>) target(%dma_start3A_37 : memref<80x128xf32, #tpu.memory_space<vmem_shared>>) target_semaphore(%run_scoped3A : memref<!tpu.dma_semaphore, #tpu.memory_space<semaphore_mem>>)
        %dma_wait3A = arith.constant 0 : i32
        %dma_wait3A_38 = tpu.memref_slice %arg18[%add3A_34, %dma_wait3A] : memref<10000x128xf32, #tpu.memory_space<vmem_shared>> -> memref<80x128xf32, #tpu.memory_space<vmem_shared>>
        %dma_wait3A_39 = arith.constant 0 : i32
        %dma_wait3A_40 = tpu.memref_slice %arg18[%add3A_34, %dma_wait3A_39] : memref<10000x128xf32, #tpu.memory_space<vmem_shared>> -> memref<80x128xf32, #tpu.memory_space<vmem_shared>>
        tpu.wait_dma2 semaphore(%run_scoped3A : memref<!tpu.dma_semaphore, #tpu.memory_space<semaphore_mem>>) src(%arg17 : memref<80x128xf32, #tpu.memory_space<vmem>>) dst(%dma_wait3A_40 : memref<80x128xf32, #tpu.memory_space<vmem_shared>>)
        tpu.yield
      }) : () -> ()
    }
    %scan3A_21 = arith.constant 8 : i32
    %barrier3A = arith.constant 0 : index
    tpu.barrier barrier_id(%barrier3A)
    %scan3A_22 = arith.constant 0 : i32
    %scan3A_23 = arith.constant 0 : i32
    %scan3A_24 = arith.constant 125 : i32
    %scan3A_25 = arith.addi %scan3A_23, %scan3A_24 : i32
    %scan3A_26 = arith.constant 1 : i32
    scf.for %scan3A_31 = %scan3A_23 to %scan3A_25 step %scan3A_26  : i32 {
      %mul3A_32 = arith.constant 80 : i32
      %mul3A_33 = arith.muli %scan3A_31, %mul3A_32 : i32
      %add3A_34 = arith.addi %mul3A_2, %mul3A_33 : i32
      "tpu.region"() ({
        %run_scoped3A = tpu.sem_alloc : memref<!tpu.dma_semaphore, #tpu.memory_space<semaphore_mem>>
        %dma_start3A_51 = tpu.memref_slice %arg2[%add3A_34] : memref<320000xi32, #tpu.memory_space<hbm>> -> memref<80xi32, #tpu.memory_space<hbm>>
        %dma_start3A_52 = tpu.memref_slice %arg2[%add3A_34] : memref<320000xi32, #tpu.memory_space<hbm>> -> memref<80xi32, #tpu.memory_space<hbm>>
        tpu.enqueue_dma source(%dma_start3A_52 : memref<80xi32, #tpu.memory_space<hbm>>) target(%arg13 : memref<80xi32, #tpu.memory_space<vmem>>) target_semaphore(%run_scoped3A : memref<!tpu.dma_semaphore, #tpu.memory_space<semaphore_mem>>)
        %dma_wait3A_53 = tpu.memref_slice %arg2[%add3A_34] : memref<320000xi32, #tpu.memory_space<hbm>> -> memref<80xi32, #tpu.memory_space<hbm>>
        %dma_wait3A_54 = tpu.memref_slice %arg2[%add3A_34] : memref<320000xi32, #tpu.memory_space<hbm>> -> memref<80xi32, #tpu.memory_space<hbm>>
        tpu.wait_dma2 semaphore(%run_scoped3A : memref<!tpu.dma_semaphore, #tpu.memory_space<semaphore_mem>>) src(%dma_wait3A_54 : memref<80xi32, #tpu.memory_space<hbm>>) dst(%arg13 : memref<80xi32, #tpu.memory_space<vmem>>)
        tpu.yield
      }) : () -> ()
      "tpu.region"() ({
        %run_scoped3A = tpu.sem_alloc : memref<!tpu.dma_semaphore, #tpu.memory_space<semaphore_mem>>
        %dma_start3A_51 = tpu.memref_slice %arg3[%add3A_34] : memref<320000xi32, #tpu.memory_space<hbm>> -> memref<80xi32, #tpu.memory_space<hbm>>
        %dma_start3A_52 = tpu.memref_slice %arg3[%add3A_34] : memref<320000xi32, #tpu.memory_space<hbm>> -> memref<80xi32, #tpu.memory_space<hbm>>
        tpu.enqueue_dma source(%dma_start3A_52 : memref<80xi32, #tpu.memory_space<hbm>>) target(%arg14 : memref<80xi32, #tpu.memory_space<vmem>>) target_semaphore(%run_scoped3A : memref<!tpu.dma_semaphore, #tpu.memory_space<semaphore_mem>>)
        %dma_wait3A_53 = tpu.memref_slice %arg3[%add3A_34] : memref<320000xi32, #tpu.memory_space<hbm>> -> memref<80xi32, #tpu.memory_space<hbm>>
        %dma_wait3A_54 = tpu.memref_slice %arg3[%add3A_34] : memref<320000xi32, #tpu.memory_space<hbm>> -> memref<80xi32, #tpu.memory_space<hbm>>
        tpu.wait_dma2 semaphore(%run_scoped3A : memref<!tpu.dma_semaphore, #tpu.memory_space<semaphore_mem>>) src(%dma_wait3A_54 : memref<80xi32, #tpu.memory_space<hbm>>) dst(%arg14 : memref<80xi32, #tpu.memory_space<vmem>>)
        tpu.yield
      }) : () -> ()
      "tpu.region"() ({
        %run_scoped3A = tpu.sem_alloc : memref<!tpu.dma_semaphore, #tpu.memory_space<semaphore_mem>>
        %dma_start3A_51 = tpu.memref_slice %arg4[%add3A_34] : memref<320000xf32, #tpu.memory_space<hbm>> -> memref<80xf32, #tpu.memory_space<hbm>>
        %dma_start3A_52 = tpu.memref_slice %arg4[%add3A_34] : memref<320000xf32, #tpu.memory_space<hbm>> -> memref<80xf32, #tpu.memory_space<hbm>>
        tpu.enqueue_dma source(%dma_start3A_52 : memref<80xf32, #tpu.memory_space<hbm>>) target(%arg15 : memref<80xf32, #tpu.memory_space<vmem>>) target_semaphore(%run_scoped3A : memref<!tpu.dma_semaphore, #tpu.memory_space<semaphore_mem>>)
        %dma_wait3A_53 = tpu.memref_slice %arg4[%add3A_34] : memref<320000xf32, #tpu.memory_space<hbm>> -> memref<80xf32, #tpu.memory_space<hbm>>
        %dma_wait3A_54 = tpu.memref_slice %arg4[%add3A_34] : memref<320000xf32, #tpu.memory_space<hbm>> -> memref<80xf32, #tpu.memory_space<hbm>>
        tpu.wait_dma2 semaphore(%run_scoped3A : memref<!tpu.dma_semaphore, #tpu.memory_space<semaphore_mem>>) src(%dma_wait3A_54 : memref<80xf32, #tpu.memory_space<hbm>>) dst(%arg15 : memref<80xf32, #tpu.memory_space<vmem>>)
        tpu.yield
      }) : () -> ()
      %dma_start3A = arith.constant 0 : i32
      %dma_start3A_35 = arith.constant 0 : i32
      %dma_start3A_36 = tpu.memref_slice %arg7[%dma_start3A, %dma_start3A_35] : memref<10000x128xf32, #tpu.memory_space<hbm>> -> memref<10000x128xf32, #tpu.memory_space<hbm>>
      tpu.enqueue_indirect_dma source(%dma_start3A_36 : memref<10000x128xf32, #tpu.memory_space<hbm>>) target(%arg17 : memref<80x128xf32, #tpu.memory_space<vmem>>) offsets(%arg13 : memref<80xi32, #tpu.memory_space<vmem>>) semaphore(%arg19 : memref<!tpu.dma_semaphore, #tpu.memory_space<semaphore_mem>>)
      %scan3A_37 = arith.constant 0 : i32
      %scan3A_38 = arith.constant 0 : i32
      %scan3A_39 = arith.constant 5 : i32
      %scan3A_40 = arith.addi %scan3A_38, %scan3A_39 : i32
      %scan3A_41 = arith.constant 1 : i32
      scf.for %scan3A_51 = %scan3A_38 to %scan3A_40 step %scan3A_41  : i32 {
        %mul3A_52 = arith.constant 16 : i32
        %mul3A_53 = arith.muli %scan3A_51, %mul3A_52 : i32
        %get3A = arith.index_cast %mul3A_53 : i32 to index
        %get3A_54 = tpu.vector_load %arg13[%get3A] {strides = array<i32>} : memref<80xi32, #tpu.memory_space<vmem>>, vector<16xi32>,
        %get3A_55 = arith.index_cast %mul3A_53 : i32 to index
        %get3A_56 = tpu.vector_load %arg14[%get3A_55] {strides = array<i32>} : memref<80xi32, #tpu.memory_space<vmem>>, vector<16xi32>,
        %gather3A = tpu.vector_load_idx %arg10[%get3A_54] : memref<10000xf32, #tpu.memory_space<vmem>>[vector<16xi32>], vector<16xf32>,
        %gather3A_57 = tpu.vector_load_idx %arg11[%get3A_56] : memref<10000xf32, #tpu.memory_space<vmem>>[vector<16xi32>], vector<16xf32>,
        %add3A_58 = arith.addf %gather3A, %gather3A_57 : vector<16xf32>
        %get3A_59 = arith.index_cast %mul3A_53 : i32 to index
        %get3A_60 = tpu.vector_load %arg15[%get3A_59] {strides = array<i32>} : memref<80xf32, #tpu.memory_space<vmem>>, vector<16xf32>,
        %add3A_61 = arith.addf %add3A_58, %get3A_60 : vector<16xf32>
        %ge3A = arith.constant 0.000000e+00 : f32
        %ge3A_62 = vector.broadcast %ge3A : f32 to vector<16xf32>
        %ge3A_63 = arith.cmpf oge, %add3A_61, %ge3A_62 : vector<16xf32>
        %mul3A_64 = arith.constant 2.000000e-01 : f32
        %mul3A_65 = vector.broadcast %mul3A_64 : f32 to vector<16xf32>
        %mul3A_66 = arith.mulf %mul3A_65, %add3A_61 : vector<16xf32>
        %select_n3A = arith.select %ge3A_63, %add3A_61, %mul3A_66 : vector<16xi1>, vector<16xf32>
        %exp3A = math.exp %select_n3A : vector<16xf32>
        %swap3A = arith.index_cast %mul3A_53 : i32 to index
        %swap3A_67 = tpu.vector_load %arg16[%swap3A] {strides = array<i32>} : memref<80xf32, #tpu.memory_space<vmem>>, vector<16xf32>,
        tpu.vector_store %arg16[%swap3A], %exp3A {strides = array<i32>} : memref<80xf32, #tpu.memory_space<vmem>>, vector<16xf32>,
        tpu.vector_store_idx %arg12[%get3A_56], %exp3A {add = true} : memref<10000xf32, #tpu.memory_space<vmem>>[vector<16xi32>], vector<16xf32>,
      }
      %scan3A_42 = arith.constant 5 : i32
      %dma_wait3A = arith.constant 0 : i32
      %dma_wait3A_43 = arith.constant 0 : i32
      %dma_wait3A_44 = tpu.memref_slice %arg7[%dma_wait3A, %dma_wait3A_43] : memref<10000x128xf32, #tpu.memory_space<hbm>> -> memref<10000x128xf32, #tpu.memory_space<hbm>>
      tpu.wait_indirect_dma semaphore(%arg19 : memref<!tpu.dma_semaphore, #tpu.memory_space<semaphore_mem>>) src(%dma_wait3A_44 : memref<10000x128xf32, #tpu.memory_space<hbm>>) dst(%arg17 : memref<80x128xf32, #tpu.memory_space<vmem>>)
      %scan3A_45 = arith.constant 0 : i32
      %scan3A_46 = arith.constant 0 : i32
      %scan3A_47 = arith.constant 80 : i32
      %scan3A_48 = arith.addi %scan3A_46, %scan3A_47 : i32
      %scan3A_49 = arith.constant 1 : i32
      scf.for %scan3A_51 = %scan3A_46 to %scan3A_48 step %scan3A_49  : i32 {
        %broadcast_in_dim3A = vector.broadcast %scan3A_51 : i32 to vector<16xi32>
        %gather3A = tpu.vector_load_idx %arg16[%broadcast_in_dim3A] : memref<80xf32, #tpu.memory_space<vmem>>[vector<16xi32>], vector<16xf32>,
        %get3A = arith.index_cast %scan3A_51 : i32 to index
        %get3A_52 = arith.constant 0 : index
        %get3A_53 = tpu.vector_load %arg17[%get3A, %get3A_52] {strides = array<i32>} : memref<80x128xf32, #tpu.memory_space<vmem>>, vector<16xf32>,
        %mul3A_54 = arith.mulf %get3A_53, %gather3A : vector<16xf32>
        %swap3A = arith.index_cast %scan3A_51 : i32 to index
        %swap3A_55 = arith.constant 0 : index
        %swap3A_56 = tpu.vector_load %arg17[%swap3A, %swap3A_55] {strides = array<i32>} : memref<80x128xf32, #tpu.memory_space<vmem>>, vector<16xf32>,
        tpu.vector_store %arg17[%swap3A, %swap3A_55], %mul3A_54 {strides = array<i32>} : memref<80x128xf32, #tpu.memory_space<vmem>>, vector<16xf32>,
        %get3A_57 = arith.index_cast %scan3A_51 : i32 to index
        %get3A_58 = arith.constant 16 : index
        %get3A_59 = tpu.vector_load %arg17[%get3A_57, %get3A_58] {strides = array<i32>} : memref<80x128xf32, #tpu.memory_space<vmem>>, vector<16xf32>,
        %mul3A_60 = arith.mulf %get3A_59, %gather3A : vector<16xf32>
        %swap3A_61 = arith.index_cast %scan3A_51 : i32 to index
        %swap3A_62 = arith.constant 16 : index
        %swap3A_63 = tpu.vector_load %arg17[%swap3A_61, %swap3A_62] {strides = array<i32>} : memref<80x128xf32, #tpu.memory_space<vmem>>, vector<16xf32>,
        tpu.vector_store %arg17[%swap3A_61, %swap3A_62], %mul3A_60 {strides = array<i32>} : memref<80x128xf32, #tpu.memory_space<vmem>>, vector<16xf32>,
        %get3A_64 = arith.index_cast %scan3A_51 : i32 to index
        %get3A_65 = arith.constant 32 : index
        %get3A_66 = tpu.vector_load %arg17[%get3A_64, %get3A_65] {strides = array<i32>} : memref<80x128xf32, #tpu.memory_space<vmem>>, vector<16xf32>,
        %mul3A_67 = arith.mulf %get3A_66, %gather3A : vector<16xf32>
        %swap3A_68 = arith.index_cast %scan3A_51 : i32 to index
        %swap3A_69 = arith.constant 32 : index
        %swap3A_70 = tpu.vector_load %arg17[%swap3A_68, %swap3A_69] {strides = array<i32>} : memref<80x128xf32, #tpu.memory_space<vmem>>, vector<16xf32>,
        tpu.vector_store %arg17[%swap3A_68, %swap3A_69], %mul3A_67 {strides = array<i32>} : memref<80x128xf32, #tpu.memory_space<vmem>>, vector<16xf32>,
        %get3A_71 = arith.index_cast %scan3A_51 : i32 to index
        %get3A_72 = arith.constant 48 : index
        %get3A_73 = tpu.vector_load %arg17[%get3A_71, %get3A_72] {strides = array<i32>} : memref<80x128xf32, #tpu.memory_space<vmem>>, vector<16xf32>,
        %mul3A_74 = arith.mulf %get3A_73, %gather3A : vector<16xf32>
        %swap3A_75 = arith.index_cast %scan3A_51 : i32 to index
        %swap3A_76 = arith.constant 48 : index
        %swap3A_77 = tpu.vector_load %arg17[%swap3A_75, %swap3A_76] {strides = array<i32>} : memref<80x128xf32, #tpu.memory_space<vmem>>, vector<16xf32>,
        tpu.vector_store %arg17[%swap3A_75, %swap3A_76], %mul3A_74 {strides = array<i32>} : memref<80x128xf32, #tpu.memory_space<vmem>>, vector<16xf32>,
        %get3A_78 = arith.index_cast %scan3A_51 : i32 to index
        %get3A_79 = arith.constant 64 : index
        %get3A_80 = tpu.vector_load %arg17[%get3A_78, %get3A_79] {strides = array<i32>} : memref<80x128xf32, #tpu.memory_space<vmem>>, vector<16xf32>,
        %mul3A_81 = arith.mulf %get3A_80, %gather3A : vector<16xf32>
        %swap3A_82 = arith.index_cast %scan3A_51 : i32 to index
        %swap3A_83 = arith.constant 64 : index
        %swap3A_84 = tpu.vector_load %arg17[%swap3A_82, %swap3A_83] {strides = array<i32>} : memref<80x128xf32, #tpu.memory_space<vmem>>, vector<16xf32>,
        tpu.vector_store %arg17[%swap3A_82, %swap3A_83], %mul3A_81 {strides = array<i32>} : memref<80x128xf32, #tpu.memory_space<vmem>>, vector<16xf32>,
        %get3A_85 = arith.index_cast %scan3A_51 : i32 to index
        %get3A_86 = arith.constant 80 : index
        %get3A_87 = tpu.vector_load %arg17[%get3A_85, %get3A_86] {strides = array<i32>} : memref<80x128xf32, #tpu.memory_space<vmem>>, vector<16xf32>,
        %mul3A_88 = arith.mulf %get3A_87, %gather3A : vector<16xf32>
        %swap3A_89 = arith.index_cast %scan3A_51 : i32 to index
        %swap3A_90 = arith.constant 80 : index
        %swap3A_91 = tpu.vector_load %arg17[%swap3A_89, %swap3A_90] {strides = array<i32>} : memref<80x128xf32, #tpu.memory_space<vmem>>, vector<16xf32>,
        tpu.vector_store %arg17[%swap3A_89, %swap3A_90], %mul3A_88 {strides = array<i32>} : memref<80x128xf32, #tpu.memory_space<vmem>>, vector<16xf32>,
        %get3A_92 = arith.index_cast %scan3A_51 : i32 to index
        %get3A_93 = arith.constant 96 : index
        %get3A_94 = tpu.vector_load %arg17[%get3A_92, %get3A_93] {strides = array<i32>} : memref<80x128xf32, #tpu.memory_space<vmem>>, vector<16xf32>,
        %mul3A_95 = arith.mulf %get3A_94, %gather3A : vector<16xf32>
        %swap3A_96 = arith.index_cast %scan3A_51 : i32 to index
        %swap3A_97 = arith.constant 96 : index
        %swap3A_98 = tpu.vector_load %arg17[%swap3A_96, %swap3A_97] {strides = array<i32>} : memref<80x128xf32, #tpu.memory_space<vmem>>, vector<16xf32>,
        tpu.vector_store %arg17[%swap3A_96, %swap3A_97], %mul3A_95 {strides = array<i32>} : memref<80x128xf32, #tpu.memory_space<vmem>>, vector<16xf32>,
        %get3A_99 = arith.index_cast %scan3A_51 : i32 to index
        %get3A_100 = arith.constant 112 : index
        %get3A_101 = tpu.vector_load %arg17[%get3A_99, %get3A_100] {strides = array<i32>} : memref<80x128xf32, #tpu.memory_space<vmem>>, vector<16xf32>,
        %mul3A_102 = arith.mulf %get3A_101, %gather3A : vector<16xf32>
        %swap3A_103 = arith.index_cast %scan3A_51 : i32 to index
        %swap3A_104 = arith.constant 112 : index
        %swap3A_105 = tpu.vector_load %arg17[%swap3A_103, %swap3A_104] {strides = array<i32>} : memref<80x128xf32, #tpu.memory_space<vmem>>, vector<16xf32>,
        tpu.vector_store %arg17[%swap3A_103, %swap3A_104], %mul3A_102 {strides = array<i32>} : memref<80x128xf32, #tpu.memory_space<vmem>>, vector<16xf32>,
      }
      %scan3A_50 = arith.constant 80 : i32
      "tpu.region"() ({
        %run_scoped3A = tpu.sem_alloc : memref<!tpu.dma_semaphore, #tpu.memory_space<semaphore_mem>>
        %dma_start3A_51 = arith.constant 0 : i32
        %dma_start3A_52 = arith.constant 0 : i32
        %dma_start3A_53 = tpu.memref_slice %arg18[%dma_start3A_51, %dma_start3A_52] : memref<10000x128xf32, #tpu.memory_space<vmem_shared>> -> memref<10000x128xf32, #tpu.memory_space<vmem_shared>>
        tpu.enqueue_indirect_dma source(%arg17 : memref<80x128xf32, #tpu.memory_space<vmem>>) target(%dma_start3A_53 : memref<10000x128xf32, #tpu.memory_space<vmem_shared>>) offsets(%arg14 : memref<80xi32, #tpu.memory_space<vmem>>) semaphore(%run_scoped3A : memref<!tpu.dma_semaphore, #tpu.memory_space<semaphore_mem>>) {add = true}
        %dma_wait3A_54 = arith.constant 0 : i32
        %dma_wait3A_55 = arith.constant 0 : i32
        %dma_wait3A_56 = tpu.memref_slice %arg18[%dma_wait3A_54, %dma_wait3A_55] : memref<10000x128xf32, #tpu.memory_space<vmem_shared>> -> memref<10000x128xf32, #tpu.memory_space<vmem_shared>>
        tpu.wait_indirect_dma semaphore(%run_scoped3A : memref<!tpu.dma_semaphore, #tpu.memory_space<semaphore_mem>>) src(%arg17 : memref<80x128xf32, #tpu.memory_space<vmem>>) dst(%dma_wait3A_56 : memref<10000x128xf32, #tpu.memory_space<vmem_shared>>)
        tpu.yield
      }) : () -> ()
    }
    %scan3A_27 = arith.constant 125 : i32
    %barrier3A_28 = arith.constant 0 : index
    tpu.barrier barrier_id(%barrier3A_28)
    %mul3A_29 = arith.constant 10000 : i32
    %mul3A_30 = arith.muli %add3A, %mul3A_29 : i32
    "tpu.region"() ({
      %run_scoped3A = tpu.sem_alloc : memref<!tpu.dma_semaphore, #tpu.memory_space<semaphore_mem>>
      %dma_start3A = tpu.memref_slice %arg9[%mul3A_30] : memref<320000xf32, #tpu.memory_space<hbm>> -> memref<10000xf32, #tpu.memory_space<hbm>>
      %dma_start3A_31 = tpu.memref_slice %arg9[%mul3A_30] : memref<320000xf32, #tpu.memory_space<hbm>> -> memref<10000xf32, #tpu.memory_space<hbm>>
      tpu.enqueue_dma source(%arg12 : memref<10000xf32, #tpu.memory_space<vmem>>) target(%dma_start3A_31 : memref<10000xf32, #tpu.memory_space<hbm>>) target_semaphore(%run_scoped3A : memref<!tpu.dma_semaphore, #tpu.memory_space<semaphore_mem>>)
      %dma_wait3A = tpu.memref_slice %arg9[%mul3A_30] : memref<320000xf32, #tpu.memory_space<hbm>> -> memref<10000xf32, #tpu.memory_space<hbm>>
      %dma_wait3A_32 = tpu.memref_slice %arg9[%mul3A_30] : memref<320000xf32, #tpu.memory_space<hbm>> -> memref<10000xf32, #tpu.memory_space<hbm>>
      tpu.wait_dma2 semaphore(%run_scoped3A : memref<!tpu.dma_semaphore, #tpu.memory_space<semaphore_mem>>) src(%arg12 : memref<10000xf32, #tpu.memory_space<vmem>>) dst(%dma_wait3A_32 : memref<10000xf32, #tpu.memory_space<hbm>>)
      tpu.yield
    }) : () -> ()
    "tpu.region"() ({
      %run_scoped3A = tpu.sem_alloc : memref<!tpu.dma_semaphore, #tpu.memory_space<semaphore_mem>>
      %dma_start3A = arith.constant 0 : i32
      %dma_start3A_31 = tpu.memref_slice %arg8[%arg0, %mul3A_4, %dma_start3A] : memref<2x10000x128xf32, #tpu.memory_space<hbm>> -> memref<1x640x128xf32, #tpu.memory_space<hbm>>
      %dma_start3A_32 = tpu.memref_squeeze %dma_start3A_31 : memref<1x640x128xf32, #tpu.memory_space<hbm>> -> memref<640x128xf32, #tpu.memory_space<hbm>>
      %dma_start3A_33 = arith.constant 0 : i32
      %dma_start3A_34 = tpu.memref_slice %arg18[%mul3A_4, %dma_start3A_33] : memref<10000x128xf32, #tpu.memory_space<vmem_shared>> -> memref<640x128xf32, #tpu.memory_space<vmem_shared>>
      tpu.enqueue_dma source(%dma_start3A_34 : memref<640x128xf32, #tpu.memory_space<vmem_shared>>) target(%dma_start3A_32 : memref<640x128xf32, #tpu.memory_space<hbm>>) target_semaphore(%run_scoped3A : memref<!tpu.dma_semaphore, #tpu.memory_space<semaphore_mem>>)
      %dma_wait3A = arith.constant 0 : i32
      %dma_wait3A_35 = tpu.memref_slice %arg8[%arg0, %mul3A_4, %dma_wait3A] : memref<2x10000x128xf32, #tpu.memory_space<hbm>> -> memref<1x640x128xf32, #tpu.memory_space<hbm>>
      %dma_wait3A_36 = tpu.memref_squeeze %dma_wait3A_35 : memref<1x640x128xf32, #tpu.memory_space<hbm>> -> memref<640x128xf32, #tpu.memory_space<hbm>>
      %dma_wait3A_37 = arith.constant 0 : i32
      %dma_wait3A_38 = tpu.memref_slice %arg18[%mul3A_4, %dma_wait3A_37] : memref<10000x128xf32, #tpu.memory_space<vmem_shared>> -> memref<640x128xf32, #tpu.memory_space<vmem_shared>>
      tpu.wait_dma2 semaphore(%run_scoped3A : memref<!tpu.dma_semaphore, #tpu.memory_space<semaphore_mem>>) src(%dma_wait3A_38 : memref<640x128xf32, #tpu.memory_space<vmem_shared>>) dst(%dma_wait3A_36 : memref<640x128xf32, #tpu.memory_space<hbm>>)
      tpu.yield
    }) : () -> ()
    return
  }
}

module attributes {stable_mosaic.version = 14 : i64} {
  func.func @_ea_body(%arg0: i32, %arg1: memref<4000x16xf32, #tpu.memory_space<vmem>>, %arg2: memref<16x128xf32, #tpu.memory_space<vmem>>, %arg3: memref<1x128xf32, #tpu.memory_space<vmem>>, %arg4: memref<16x128xf32, #tpu.memory_space<vmem>>, %arg5: memref<1x128xf32, #tpu.memory_space<vmem>>, %arg6: memref<16x128xf32, #tpu.memory_space<vmem>>, %arg7: memref<1x128xf32, #tpu.memory_space<vmem>>, %arg8: memref<4000x1xf32, #tpu.memory_space<vmem>>, %arg9: memref<4000x1xf32, #tpu.memory_space<vmem>>, %arg10: memref<4000x1xf32, #tpu.memory_space<vmem>>, %arg11: memref<1x16xf32, #tpu.memory_space<vmem>>) attributes {dimension_semantics = [#tpu.dimension_semantics<arbitrary>], iteration_bounds = array<i64: 80>, scalar_prefetch = 0 : i64, scratch_operands = 0 : i64, tpu.core_type = #tpu.core_type<tc>, window_params = [{transform_indices = @transform_0, window_bounds = array<i64: 4000, 16>}, {pipeline_mode = #tpu.pipeline_mode<synchronous>, transform_indices = @transform_1, window_bounds = array<i64: 16, 128>}, {pipeline_mode = #tpu.pipeline_mode<synchronous>, transform_indices = @transform_2, window_bounds = array<i64: 1, 128>}, {pipeline_mode = #tpu.pipeline_mode<synchronous>, transform_indices = @transform_3, window_bounds = array<i64: 16, 128>}, {pipeline_mode = #tpu.pipeline_mode<synchronous>, transform_indices = @transform_4, window_bounds = array<i64: 1, 128>}, {pipeline_mode = #tpu.pipeline_mode<synchronous>, transform_indices = @transform_5, window_bounds = array<i64: 16, 128>}, {pipeline_mode = #tpu.pipeline_mode<synchronous>, transform_indices = @transform_6, window_bounds = array<i64: 1, 128>}, {transform_indices = @transform_7, window_bounds = array<i64: 4000, 1>}, {transform_indices = @transform_8, window_bounds = array<i64: 4000, 1>}, {transform_indices = @transform_9, window_bounds = array<i64: 4000, 1>}, {pipeline_mode = #tpu.pipeline_mode<synchronous>, transform_indices = @transform_10, window_bounds = array<i64: 1, 16>}]} {
    %get3A = arith.constant 0 : index
    %get3A_0 = arith.constant 0 : index
    %get3A_1 = vector.load %arg1[%get3A, %get3A_0] : memref<4000x16xf32, #tpu.memory_space<vmem>>, vector<4000x16xf32>
    %get3A_2 = arith.constant 0 : index
    %get3A_3 = arith.constant 0 : index
    %get3A_4 = vector.load %arg2[%get3A_2, %get3A_3] : memref<16x128xf32, #tpu.memory_space<vmem>>, vector<16x128xf32>
    %get3A_5 = arith.constant 0 : index
    %get3A_6 = arith.constant 0 : index
    %get3A_7 = vector.load %arg3[%get3A_5, %get3A_6] : memref<1x128xf32, #tpu.memory_space<vmem>>, vector<1x128xf32>
    %mul3A = vector.broadcast %get3A_7 : vector<1x128xf32> to vector<16x128xf32>
    %mul3A_8 = arith.mulf %get3A_4, %mul3A : vector<16x128xf32>
    %reduce_sum3A = arith.constant dense<0.000000e+00> : vector<16xf32>
    %reduce_sum3A_9 = vector.multi_reduction <add>, %mul3A_8, %reduce_sum3A [1] : vector<16x128xf32> to vector<16xf32>
    %broadcast_in_dim3A = vector.shape_cast %reduce_sum3A_9 : vector<16xf32> to vector<1x16xf32>
    %mul3A_10 = vector.broadcast %broadcast_in_dim3A : vector<1x16xf32> to vector<4000x16xf32>
    %mul3A_11 = arith.mulf %get3A_1, %mul3A_10 : vector<4000x16xf32>
    %reduce_sum3A_12 = arith.constant dense<0.000000e+00> : vector<4000xf32>
    %reduce_sum3A_13 = vector.multi_reduction <add>, %mul3A_11, %reduce_sum3A_12 [1] : vector<4000x16xf32> to vector<4000xf32>
    %broadcast_in_dim3A_14 = vector.shape_cast %reduce_sum3A_13 : vector<4000xf32> to vector<4000x1xf32>
    %swap3A = arith.constant 0 : index
    %swap3A_15 = arith.constant 0 : index
    %swap3A_16 = vector.load %arg8[%swap3A, %swap3A_15] : memref<4000x1xf32, #tpu.memory_space<vmem>>, vector<4000x1xf32>
    tpu.vector_store %arg8[%swap3A, %swap3A_15], %broadcast_in_dim3A_14 {strides = array<i32>} : memref<4000x1xf32, #tpu.memory_space<vmem>>, vector<4000x1xf32>,
    %get3A_17 = arith.constant 0 : index
    %get3A_18 = arith.constant 0 : index
    %get3A_19 = vector.load %arg4[%get3A_17, %get3A_18] : memref<16x128xf32, #tpu.memory_space<vmem>>, vector<16x128xf32>
    %get3A_20 = arith.constant 0 : index
    %get3A_21 = arith.constant 0 : index
    %get3A_22 = vector.load %arg5[%get3A_20, %get3A_21] : memref<1x128xf32, #tpu.memory_space<vmem>>, vector<1x128xf32>
    %mul3A_23 = vector.broadcast %get3A_22 : vector<1x128xf32> to vector<16x128xf32>
    %mul3A_24 = arith.mulf %get3A_19, %mul3A_23 : vector<16x128xf32>
    %reduce_sum3A_25 = arith.constant dense<0.000000e+00> : vector<16xf32>
    %reduce_sum3A_26 = vector.multi_reduction <add>, %mul3A_24, %reduce_sum3A_25 [1] : vector<16x128xf32> to vector<16xf32>
    %broadcast_in_dim3A_27 = vector.shape_cast %reduce_sum3A_26 : vector<16xf32> to vector<1x16xf32>
    %mul3A_28 = vector.broadcast %broadcast_in_dim3A_27 : vector<1x16xf32> to vector<4000x16xf32>
    %mul3A_29 = arith.mulf %get3A_1, %mul3A_28 : vector<4000x16xf32>
    %reduce_sum3A_30 = arith.constant dense<0.000000e+00> : vector<4000xf32>
    %reduce_sum3A_31 = vector.multi_reduction <add>, %mul3A_29, %reduce_sum3A_30 [1] : vector<4000x16xf32> to vector<4000xf32>
    %broadcast_in_dim3A_32 = vector.shape_cast %reduce_sum3A_31 : vector<4000xf32> to vector<4000x1xf32>
    %swap3A_33 = arith.constant 0 : index
    %swap3A_34 = arith.constant 0 : index
    %swap3A_35 = vector.load %arg9[%swap3A_33, %swap3A_34] : memref<4000x1xf32, #tpu.memory_space<vmem>>, vector<4000x1xf32>
    tpu.vector_store %arg9[%swap3A_33, %swap3A_34], %broadcast_in_dim3A_32 {strides = array<i32>} : memref<4000x1xf32, #tpu.memory_space<vmem>>, vector<4000x1xf32>,
    %get3A_36 = arith.constant 0 : index
    %get3A_37 = arith.constant 0 : index
    %get3A_38 = vector.load %arg6[%get3A_36, %get3A_37] : memref<16x128xf32, #tpu.memory_space<vmem>>, vector<16x128xf32>
    %get3A_39 = arith.constant 0 : index
    %get3A_40 = arith.constant 0 : index
    %get3A_41 = vector.load %arg7[%get3A_39, %get3A_40] : memref<1x128xf32, #tpu.memory_space<vmem>>, vector<1x128xf32>
    %mul3A_42 = vector.broadcast %get3A_41 : vector<1x128xf32> to vector<16x128xf32>
    %mul3A_43 = arith.mulf %get3A_38, %mul3A_42 : vector<16x128xf32>
    %reduce_sum3A_44 = arith.constant dense<0.000000e+00> : vector<16xf32>
    %reduce_sum3A_45 = vector.multi_reduction <add>, %mul3A_43, %reduce_sum3A_44 [1] : vector<16x128xf32> to vector<16xf32>
    %broadcast_in_dim3A_46 = vector.shape_cast %reduce_sum3A_45 : vector<16xf32> to vector<1x16xf32>
    %mul3A_47 = vector.broadcast %broadcast_in_dim3A_46 : vector<1x16xf32> to vector<4000x16xf32>
    %mul3A_48 = arith.mulf %get3A_1, %mul3A_47 : vector<4000x16xf32>
    %reduce_sum3A_49 = arith.constant dense<0.000000e+00> : vector<4000xf32>
    %reduce_sum3A_50 = vector.multi_reduction <add>, %mul3A_48, %reduce_sum3A_49 [1] : vector<4000x16xf32> to vector<4000xf32>
    %broadcast_in_dim3A_51 = vector.shape_cast %reduce_sum3A_50 : vector<4000xf32> to vector<4000x1xf32>
    %swap3A_52 = arith.constant 0 : index
    %swap3A_53 = arith.constant 0 : index
    %swap3A_54 = vector.load %arg10[%swap3A_52, %swap3A_53] : memref<4000x1xf32, #tpu.memory_space<vmem>>, vector<4000x1xf32>
    tpu.vector_store %arg10[%swap3A_52, %swap3A_53], %broadcast_in_dim3A_51 {strides = array<i32>} : memref<4000x1xf32, #tpu.memory_space<vmem>>, vector<4000x1xf32>,
    %eq3A = arith.constant 0 : i32
    %eq3A_55 = arith.cmpi eq, %arg0, %eq3A : i32
    %convert_element_type3A = arith.extui %eq3A_55 : i1 to i32
    %cond3A = arith.constant 0 : i32
    %cond3A_56 = arith.cmpi ne, %convert_element_type3A, %cond3A : i32
    scf.if %cond3A_56 {
      %broadcast_in_dim3A_66 = arith.constant 0.000000e+00 : f32
      %broadcast_in_dim3A_67 = vector.broadcast %broadcast_in_dim3A_66 : f32 to vector<1x16xf32>
      %swap3A_68 = arith.constant 0 : index
      %swap3A_69 = arith.constant 0 : index
      %swap3A_70 = vector.load %arg11[%swap3A_68, %swap3A_69] : memref<1x16xf32, #tpu.memory_space<vmem>>, vector<1x16xf32>
      tpu.vector_store %arg11[%swap3A_68, %swap3A_69], %broadcast_in_dim3A_67 {strides = array<i32>} : memref<1x16xf32, #tpu.memory_space<vmem>>, vector<1x16xf32>,
    } else {
    }
    %get3A_57 = arith.constant 0 : index
    %get3A_58 = arith.constant 0 : index
    %get3A_59 = vector.load %arg11[%get3A_57, %get3A_58] : memref<1x16xf32, #tpu.memory_space<vmem>>, vector<1x16xf32>
    %reduce_sum3A_60 = arith.constant dense<0.000000e+00> : vector<16xf32>
    %reduce_sum3A_61 = vector.multi_reduction <add>, %get3A_1, %reduce_sum3A_60 [0] : vector<4000x16xf32> to vector<16xf32>
    %broadcast_in_dim3A_62 = vector.shape_cast %reduce_sum3A_61 : vector<16xf32> to vector<1x16xf32>
    %add3A = arith.addf %get3A_59, %broadcast_in_dim3A_62 : vector<1x16xf32>
    %swap3A_63 = arith.constant 0 : index
    %swap3A_64 = arith.constant 0 : index
    %swap3A_65 = vector.load %arg11[%swap3A_63, %swap3A_64] : memref<1x16xf32, #tpu.memory_space<vmem>>, vector<1x16xf32>
    tpu.vector_store %arg11[%swap3A_63, %swap3A_64], %add3A {strides = array<i32>} : memref<1x16xf32, #tpu.memory_space<vmem>>, vector<1x16xf32>,
    return
  }
  func.func @transform_0(%arg0: i32) -> (i32, i32) {
    %c0_i32 = arith.constant 0 : i32
    %c0_i32_0 = arith.constant 0 : i32
    return %arg0, %c0_i32 : i32, i32
  }
  func.func @transform_1(%arg0: i32) -> (i32, i32) {
    %c0_i32 = arith.constant 0 : i32
    %c0_i32_0 = arith.constant 0 : i32
    %c0_i32_1 = arith.constant 0 : i32
    return %c0_i32, %c0_i32_0 : i32, i32
  }
  func.func @transform_2(%arg0: i32) -> (i32, i32) {
    %c0_i32 = arith.constant 0 : i32
    %c0_i32_0 = arith.constant 0 : i32
    %c0_i32_1 = arith.constant 0 : i32
    return %c0_i32, %c0_i32_0 : i32, i32
  }
  func.func @transform_3(%arg0: i32) -> (i32, i32) {
    %c0_i32 = arith.constant 0 : i32
    %c0_i32_0 = arith.constant 0 : i32
    %c0_i32_1 = arith.constant 0 : i32
    return %c0_i32, %c0_i32_0 : i32, i32
  }
  func.func @transform_4(%arg0: i32) -> (i32, i32) {
    %c0_i32 = arith.constant 0 : i32
    %c0_i32_0 = arith.constant 0 : i32
    %c0_i32_1 = arith.constant 0 : i32
    return %c0_i32, %c0_i32_0 : i32, i32
  }
  func.func @transform_5(%arg0: i32) -> (i32, i32) {
    %c0_i32 = arith.constant 0 : i32
    %c0_i32_0 = arith.constant 0 : i32
    %c0_i32_1 = arith.constant 0 : i32
    return %c0_i32, %c0_i32_0 : i32, i32
  }
  func.func @transform_6(%arg0: i32) -> (i32, i32) {
    %c0_i32 = arith.constant 0 : i32
    %c0_i32_0 = arith.constant 0 : i32
    %c0_i32_1 = arith.constant 0 : i32
    return %c0_i32, %c0_i32_0 : i32, i32
  }
  func.func @transform_7(%arg0: i32) -> (i32, i32) {
    %c0_i32 = arith.constant 0 : i32
    %c0_i32_0 = arith.constant 0 : i32
    return %arg0, %c0_i32 : i32, i32
  }
  func.func @transform_8(%arg0: i32) -> (i32, i32) {
    %c0_i32 = arith.constant 0 : i32
    %c0_i32_0 = arith.constant 0 : i32
    return %arg0, %c0_i32 : i32, i32
  }
  func.func @transform_9(%arg0: i32) -> (i32, i32) {
    %c0_i32 = arith.constant 0 : i32
    %c0_i32_0 = arith.constant 0 : i32
    return %arg0, %c0_i32 : i32, i32
  }
  func.func @transform_10(%arg0: i32) -> (i32, i32) {
    %c0_i32 = arith.constant 0 : i32
    %c0_i32_0 = arith.constant 0 : i32
    %c0_i32_1 = arith.constant 0 : i32
    return %c0_i32, %c0_i32_0 : i32, i32
  }
}

module attributes {stable_mosaic.version = 14 : i64} {
  func.func @_prep_body(%arg0: i32, %arg1: memref<1024x128xf32, #tpu.memory_space<vmem>>, %arg2: memref<128x128xf32, #tpu.memory_space<vmem>>, %arg3: memref<1x128xf32, #tpu.memory_space<vmem>>, %arg4: memref<1x128xf32, #tpu.memory_space<vmem>>, %arg5: memref<1024x128xf32, #tpu.memory_space<vmem>>, %arg6: memref<1024x1xf32, #tpu.memory_space<vmem>>, %arg7: memref<1024x1xf32, #tpu.memory_space<vmem>>) attributes {dimension_semantics = [#tpu.dimension_semantics<arbitrary>], iteration_bounds = array<i64: 10>, scalar_prefetch = 0 : i64, scratch_operands = 0 : i64, tpu.core_type = #tpu.core_type<tc>, window_params = [{transform_indices = @transform_0, window_bounds = array<i64: 1024, 128>}, {pipeline_mode = #tpu.pipeline_mode<synchronous>, transform_indices = @transform_1, window_bounds = array<i64: 128, 128>}, {pipeline_mode = #tpu.pipeline_mode<synchronous>, transform_indices = @transform_2, window_bounds = array<i64: 1, 128>}, {pipeline_mode = #tpu.pipeline_mode<synchronous>, transform_indices = @transform_3, window_bounds = array<i64: 1, 128>}, {transform_indices = @transform_4, window_bounds = array<i64: 1024, 128>}, {transform_indices = @transform_5, window_bounds = array<i64: 1024, 1>}, {transform_indices = @transform_6, window_bounds = array<i64: 1024, 1>}]} {
    %get3A = arith.constant 0 : index
    %get3A_0 = arith.constant 0 : index
    %get3A_1 = vector.load %arg1[%get3A, %get3A_0] : memref<1024x128xf32, #tpu.memory_space<vmem>>, vector<1024x128xf32>
    %mul3A = arith.mulf %get3A_1, %get3A_1 : vector<1024x128xf32>
    %reduce_sum3A = arith.constant dense<0.000000e+00> : vector<1024xf32>
    %reduce_sum3A_2 = vector.multi_reduction <add>, %mul3A, %reduce_sum3A [1] : vector<1024x128xf32> to vector<1024xf32>
    %broadcast_in_dim3A = vector.shape_cast %reduce_sum3A_2 : vector<1024xf32> to vector<1024x1xf32>
    %sqrt3A = math.sqrt %broadcast_in_dim3A : vector<1024x1xf32>
    %eq3A = arith.constant 0.000000e+00 : f32
    %eq3A_3 = vector.broadcast %eq3A : f32 to vector<1024x1xf32>
    %eq3A_4 = arith.cmpf oeq, %sqrt3A, %eq3A_3 : vector<1024x1xf32>
    %jit3A = arith.constant 9.99999993E-9 : f32
    %broadcast_in_dim3A_5 = vector.broadcast %jit3A : f32 to vector<1024x1xf32>
    %select_n3A = arith.select %eq3A_4, %broadcast_in_dim3A_5, %sqrt3A : vector<1024x1xi1>, vector<1024x1xf32>
    %div3A = vector.broadcast %select_n3A : vector<1024x1xf32> to vector<1024x128xf32>
    %div3A_6 = arith.divf %get3A_1, %div3A : vector<1024x128xf32>
    %get3A_7 = arith.constant 0 : index
    %get3A_8 = arith.constant 0 : index
    %get3A_9 = vector.load %arg2[%get3A_7, %get3A_8] : memref<128x128xf32, #tpu.memory_space<vmem>>, vector<128x128xf32>
    %dot_general3A = arith.constant dense<0.000000e+00> : vector<1024x128xf32>
    %dot_general3A_10 = tpu.matmul %div3A_6, %get3A_9, %dot_general3A {dimension_numbers = #tpu.dot_dimension_numbers<[1], [0], [0], [1], [0, 0, 1, 1], [], []>, transpose_lhs_hint = false} : vector<1024x128xf32>, vector<128x128xf32>, vector<1024x128xf32> -> vector<1024x128xf32>
    %swap3A = arith.constant 0 : index
    %swap3A_11 = arith.constant 0 : index
    %swap3A_12 = vector.load %arg5[%swap3A, %swap3A_11] : memref<1024x128xf32, #tpu.memory_space<vmem>>, vector<1024x128xf32>
    tpu.vector_store %arg5[%swap3A, %swap3A_11], %dot_general3A_10 {strides = array<i32>} : memref<1024x128xf32, #tpu.memory_space<vmem>>, vector<1024x128xf32>,
    %get3A_13 = arith.constant 0 : index
    %get3A_14 = arith.constant 0 : index
    %get3A_15 = vector.load %arg3[%get3A_13, %get3A_14] : memref<1x128xf32, #tpu.memory_space<vmem>>, vector<1x128xf32>
    %mul3A_16 = vector.broadcast %get3A_15 : vector<1x128xf32> to vector<1024x128xf32>
    %mul3A_17 = arith.mulf %dot_general3A_10, %mul3A_16 : vector<1024x128xf32>
    %reduce_sum3A_18 = arith.constant dense<0.000000e+00> : vector<1024xf32>
    %reduce_sum3A_19 = vector.multi_reduction <add>, %mul3A_17, %reduce_sum3A_18 [1] : vector<1024x128xf32> to vector<1024xf32>
    %broadcast_in_dim3A_20 = vector.shape_cast %reduce_sum3A_19 : vector<1024xf32> to vector<1024x1xf32>
    %swap3A_21 = arith.constant 0 : index
    %swap3A_22 = arith.constant 0 : index
    %swap3A_23 = vector.load %arg6[%swap3A_21, %swap3A_22] : memref<1024x1xf32, #tpu.memory_space<vmem>>, vector<1024x1xf32>
    tpu.vector_store %arg6[%swap3A_21, %swap3A_22], %broadcast_in_dim3A_20 {strides = array<i32>} : memref<1024x1xf32, #tpu.memory_space<vmem>>, vector<1024x1xf32>,
    %get3A_24 = arith.constant 0 : index
    %get3A_25 = arith.constant 0 : index
    %get3A_26 = vector.load %arg4[%get3A_24, %get3A_25] : memref<1x128xf32, #tpu.memory_space<vmem>>, vector<1x128xf32>
    %mul3A_27 = vector.broadcast %get3A_26 : vector<1x128xf32> to vector<1024x128xf32>
    %mul3A_28 = arith.mulf %dot_general3A_10, %mul3A_27 : vector<1024x128xf32>
    %reduce_sum3A_29 = arith.constant dense<0.000000e+00> : vector<1024xf32>
    %reduce_sum3A_30 = vector.multi_reduction <add>, %mul3A_28, %reduce_sum3A_29 [1] : vector<1024x128xf32> to vector<1024xf32>
    %broadcast_in_dim3A_31 = vector.shape_cast %reduce_sum3A_30 : vector<1024xf32> to vector<1024x1xf32>
    %swap3A_32 = arith.constant 0 : index
    %swap3A_33 = arith.constant 0 : index
    %swap3A_34 = vector.load %arg7[%swap3A_32, %swap3A_33] : memref<1024x1xf32, #tpu.memory_space<vmem>>, vector<1024x1xf32>
    tpu.vector_store %arg7[%swap3A_32, %swap3A_33], %broadcast_in_dim3A_31 {strides = array<i32>} : memref<1024x1xf32, #tpu.memory_space<vmem>>, vector<1024x1xf32>,
    return
  }
  func.func @transform_0(%arg0: i32) -> (i32, i32) {
    %c0_i32 = arith.constant 0 : i32
    %c0_i32_0 = arith.constant 0 : i32
    return %arg0, %c0_i32 : i32, i32
  }
  func.func @transform_1(%arg0: i32) -> (i32, i32) {
    %c0_i32 = arith.constant 0 : i32
    %c0_i32_0 = arith.constant 0 : i32
    %c0_i32_1 = arith.constant 0 : i32
    return %c0_i32, %c0_i32_0 : i32, i32
  }
  func.func @transform_2(%arg0: i32) -> (i32, i32) {
    %c0_i32 = arith.constant 0 : i32
    %c0_i32_0 = arith.constant 0 : i32
    %c0_i32_1 = arith.constant 0 : i32
    return %c0_i32, %c0_i32_0 : i32, i32
  }
  func.func @transform_3(%arg0: i32) -> (i32, i32) {
    %c0_i32 = arith.constant 0 : i32
    %c0_i32_0 = arith.constant 0 : i32
    %c0_i32_1 = arith.constant 0 : i32
    return %c0_i32, %c0_i32_0 : i32, i32
  }
  func.func @transform_4(%arg0: i32) -> (i32, i32) {
    %c0_i32 = arith.constant 0 : i32
    %c0_i32_0 = arith.constant 0 : i32
    return %arg0, %c0_i32 : i32, i32
  }
  func.func @transform_5(%arg0: i32) -> (i32, i32) {
    %c0_i32 = arith.constant 0 : i32
    %c0_i32_0 = arith.constant 0 : i32
    return %arg0, %c0_i32 : i32, i32
  }
  func.func @transform_6(%arg0: i32) -> (i32, i32) {
    %c0_i32 = arith.constant 0 : i32
    %c0_i32_0 = arith.constant 0 : i32
    return %arg0, %c0_i32 : i32, i32
  }
}

module attributes {stable_mosaic.version = 14 : i64} {
  func.func @_fin_mid_body(%arg0: i32, %arg1: memref<2x1024x128xf32, #tpu.memory_space<vmem>>, %arg2: memref<32x1024xf32, #tpu.memory_space<vmem>>, %arg3: memref<1024x128xf32, #tpu.memory_space<vmem>>, %arg4: memref<1024x1xf32, #tpu.memory_space<vmem>>, %arg5: memref<1024x1xf32, #tpu.memory_space<vmem>>, %arg6: memref<1x128xf32, #tpu.memory_space<vmem>>, %arg7: memref<1x16xf32, #tpu.memory_space<vmem>>, %arg8: memref<16x128xf32, #tpu.memory_space<vmem>>, %arg9: memref<1x128xf32, #tpu.memory_space<vmem>>, %arg10: memref<128x128xf32, #tpu.memory_space<vmem>>, %arg11: memref<1x128xf32, #tpu.memory_space<vmem>>, %arg12: memref<1x128xf32, #tpu.memory_space<vmem>>, %arg13: memref<1024x128xf32, #tpu.memory_space<vmem>>, %arg14: memref<1024x1xf32, #tpu.memory_space<vmem>>, %arg15: memref<1024x1xf32, #tpu.memory_space<vmem>>) attributes {dimension_semantics = [#tpu.dimension_semantics<arbitrary>], iteration_bounds = array<i64: 10>, scalar_prefetch = 0 : i64, scratch_operands = 0 : i64, tpu.core_type = #tpu.core_type<tc>, window_params = [{transform_indices = @transform_0, window_bounds = array<i64: 2, 1024, 128>}, {transform_indices = @transform_1, window_bounds = array<i64: 32, 1024>}, {transform_indices = @transform_2, window_bounds = array<i64: 1024, 128>}, {transform_indices = @transform_3, window_bounds = array<i64: 1024, 1>}, {transform_indices = @transform_4, window_bounds = array<i64: 1024, 1>}, {pipeline_mode = #tpu.pipeline_mode<synchronous>, transform_indices = @transform_5, window_bounds = array<i64: 1, 128>}, {pipeline_mode = #tpu.pipeline_mode<synchronous>, transform_indices = @transform_6, window_bounds = array<i64: 1, 16>}, {pipeline_mode = #tpu.pipeline_mode<synchronous>, transform_indices = @transform_7, window_bounds = array<i64: 16, 128>}, {pipeline_mode = #tpu.pipeline_mode<synchronous>, transform_indices = @transform_8, window_bounds = array<i64: 1, 128>}, {pipeline_mode = #tpu.pipeline_mode<synchronous>, transform_indices = @transform_9, window_bounds = array<i64: 128, 128>}, {pipeline_mode = #tpu.pipeline_mode<synchronous>, transform_indices = @transform_10, window_bounds = array<i64: 1, 128>}, {pipeline_mode = #tpu.pipeline_mode<synchronous>, transform_indices = @transform_11, window_bounds = array<i64: 1, 128>}, {transform_indices = @transform_12, window_bounds = array<i64: 1024, 128>}, {transform_indices = @transform_13, window_bounds = array<i64: 1024, 1>}, {transform_indices = @transform_14, window_bounds = array<i64: 1024, 1>}]} {
    %get3A = arith.constant 0 : index
    %get3A_0 = arith.constant 0 : index
    %get3A_1 = vector.load %arg4[%get3A, %get3A_0] : memref<1024x1xf32, #tpu.memory_space<vmem>>, vector<1024x1xf32>
    %get3A_2 = vector.shape_cast %get3A_1 : vector<1024x1xf32> to vector<1024xf32>
    %get3A_3 = arith.constant 0 : index
    %get3A_4 = arith.constant 0 : index
    %get3A_5 = vector.load %arg5[%get3A_3, %get3A_4] : memref<1024x1xf32, #tpu.memory_space<vmem>>, vector<1024x1xf32>
    %get3A_6 = vector.shape_cast %get3A_5 : vector<1024x1xf32> to vector<1024xf32>
    %get3A_7 = arith.constant 0 : index
    %get3A_8 = arith.constant 0 : index
    %get3A_9 = vector.load %arg8[%get3A_7, %get3A_8] : memref<16x128xf32, #tpu.memory_space<vmem>>, vector<16x128xf32>
    %get3A_10 = arith.constant 0 : index
    %get3A_11 = arith.constant 0 : index
    %get3A_12 = vector.load %arg9[%get3A_10, %get3A_11] : memref<1x128xf32, #tpu.memory_space<vmem>>, vector<1x128xf32>
    %mul3A = vector.broadcast %get3A_12 : vector<1x128xf32> to vector<16x128xf32>
    %mul3A_13 = arith.mulf %get3A_9, %mul3A : vector<16x128xf32>
    %reduce_sum3A = arith.constant dense<0.000000e+00> : vector<16xf32>
    %reduce_sum3A_14 = vector.multi_reduction <add>, %mul3A_13, %reduce_sum3A [1] : vector<16x128xf32> to vector<16xf32>
    %get3A_15 = arith.constant 0 : index
    %get3A_16 = arith.constant 0 : index
    %get3A_17 = vector.load %arg7[%get3A_15, %get3A_16] : memref<1x16xf32, #tpu.memory_space<vmem>>, vector<1x16xf32>
    %broadcast_in_dim3A = vector.shape_cast %reduce_sum3A_14 : vector<16xf32> to vector<1x16xf32>
    %mul3A_18 = arith.mulf %get3A_17, %broadcast_in_dim3A : vector<1x16xf32>
    %reduce_sum3A_19 = vector.shape_cast %mul3A_18 : vector<1x16xf32> to vector<1x1x16xf32>
    %reduce_sum3A_20 = arith.constant dense<0.000000e+00> : vector<1xf32>
    %reduce_sum3A_21 = vector.multi_reduction <add>, %reduce_sum3A_19, %reduce_sum3A_20 [1, 2] : vector<1x1x16xf32> to vector<1xf32>
    %reduce_sum3A_22 = vector.shape_cast %reduce_sum3A_21 : vector<1xf32> to vector<1x1x1xf32>
    %reduce_sum3A_23 = vector.extract %reduce_sum3A_22[0, 0, 0] : f32 from vector<1x1x1xf32>
    %div3A = arith.constant 3.200000e+05 : f32
    %div3A_24 = arith.divf %reduce_sum3A_23, %div3A : f32
    %add3A = arith.addf %get3A_2, %get3A_6 : vector<1024xf32>
    %add3A_25 = vector.broadcast %div3A_24 : f32 to vector<1024xf32>
    %add3A_26 = arith.addf %add3A, %add3A_25 : vector<1024xf32>
    %ge3A = arith.constant 0.000000e+00 : f32
    %ge3A_27 = vector.broadcast %ge3A : f32 to vector<1024xf32>
    %ge3A_28 = arith.cmpf oge, %add3A_26, %ge3A_27 : vector<1024xf32>
    %mul3A_29 = arith.constant 2.000000e-01 : f32
    %mul3A_30 = vector.broadcast %mul3A_29 : f32 to vector<1024xf32>
    %mul3A_31 = arith.mulf %mul3A_30, %add3A_26 : vector<1024xf32>
    %select_n3A = arith.select %ge3A_28, %add3A_26, %mul3A_31 : vector<1024xi1>, vector<1024xf32>
    %exp3A = math.exp %select_n3A : vector<1024xf32>
    %get3A_32 = arith.constant 0 : index
    %get3A_33 = arith.constant 0 : index
    %get3A_34 = vector.load %arg3[%get3A_32, %get3A_33] : memref<1024x128xf32, #tpu.memory_space<vmem>>, vector<1024x128xf32>
    %get3A_35 = arith.constant 0 : index
    %get3A_36 = arith.constant 0 : index
    %get3A_37 = arith.constant 0 : index
    %get3A_38 = vector.load %arg1[%get3A_35, %get3A_36, %get3A_37] : memref<2x1024x128xf32, #tpu.memory_space<vmem>>, vector<1x1024x128xf32>
    %get3A_39 = vector.shape_cast %get3A_38 : vector<1x1024x128xf32> to vector<1024x128xf32>
    %get3A_40 = arith.constant 1 : index
    %get3A_41 = arith.constant 0 : index
    %get3A_42 = arith.constant 0 : index
    %get3A_43 = vector.load %arg1[%get3A_40, %get3A_41, %get3A_42] : memref<2x1024x128xf32, #tpu.memory_space<vmem>>, vector<1x1024x128xf32>
    %get3A_44 = vector.shape_cast %get3A_43 : vector<1x1024x128xf32> to vector<1024x128xf32>
    %add3A_45 = arith.addf %get3A_39, %get3A_44 : vector<1024x128xf32>
    %broadcast_in_dim3A_46 = vector.shape_cast %exp3A : vector<1024xf32> to vector<1024x1xf32>
    %mul3A_47 = vector.broadcast %broadcast_in_dim3A_46 : vector<1024x1xf32> to vector<1024x128xf32>
    %mul3A_48 = arith.mulf %mul3A_47, %get3A_34 : vector<1024x128xf32>
    %add3A_49 = arith.addf %add3A_45, %mul3A_48 : vector<1024x128xf32>
    %get3A_50 = arith.constant 0 : index
    %get3A_51 = arith.constant 0 : index
    %get3A_52 = vector.load %arg2[%get3A_50, %get3A_51] : memref<32x1024xf32, #tpu.memory_space<vmem>>, vector<32x1024xf32>
    %reduce_sum3A_53 = arith.constant dense<0.000000e+00> : vector<1024xf32>
    %reduce_sum3A_54 = vector.multi_reduction <add>, %get3A_52, %reduce_sum3A_53 [0] : vector<32x1024xf32> to vector<1024xf32>
    %add3A_55 = arith.addf %reduce_sum3A_54, %exp3A : vector<1024xf32>
    %broadcast_in_dim3A_56 = vector.shape_cast %add3A_55 : vector<1024xf32> to vector<1024x1xf32>
    %add3A_57 = arith.constant 1.000000e-16 : f32
    %add3A_58 = vector.broadcast %add3A_57 : f32 to vector<1024x1xf32>
    %add3A_59 = arith.addf %broadcast_in_dim3A_56, %add3A_58 : vector<1024x1xf32>
    %div3A_60 = vector.broadcast %add3A_59 : vector<1024x1xf32> to vector<1024x128xf32>
    %div3A_61 = arith.divf %add3A_49, %div3A_60 : vector<1024x128xf32>
    %get3A_62 = arith.constant 0 : index
    %get3A_63 = arith.constant 0 : index
    %get3A_64 = vector.load %arg6[%get3A_62, %get3A_63] : memref<1x128xf32, #tpu.memory_space<vmem>>, vector<1x128xf32>
    %add3A_65 = vector.broadcast %get3A_64 : vector<1x128xf32> to vector<1024x128xf32>
    %add3A_66 = arith.addf %div3A_61, %add3A_65 : vector<1024x128xf32>
    %mul3A_67 = arith.constant 5.000000e-01 : f32
    %mul3A_68 = vector.broadcast %mul3A_67 : f32 to vector<1024x128xf32>
    %mul3A_69 = arith.mulf %mul3A_68, %add3A_66 : vector<1024x128xf32>
    %mul3A_70 = arith.constant 0.707106769 : f32
    %mul3A_71 = vector.broadcast %mul3A_70 : f32 to vector<1024x128xf32>
    %mul3A_72 = arith.mulf %add3A_66, %mul3A_71 : vector<1024x128xf32>
    %erf3A = math.erf %mul3A_72 : vector<1024x128xf32>
    %add3A_73 = arith.constant 1.000000e+00 : f32
    %add3A_74 = vector.broadcast %add3A_73 : f32 to vector<1024x128xf32>
    %add3A_75 = arith.addf %add3A_74, %erf3A : vector<1024x128xf32>
    %mul3A_76 = arith.mulf %mul3A_69, %add3A_75 : vector<1024x128xf32>
    %get3A_77 = arith.constant 0 : index
    %get3A_78 = arith.constant 0 : index
    %get3A_79 = vector.load %arg10[%get3A_77, %get3A_78] : memref<128x128xf32, #tpu.memory_space<vmem>>, vector<128x128xf32>
    %dot_general3A = arith.constant dense<0.000000e+00> : vector<1024x128xf32>
    %dot_general3A_80 = tpu.matmul %mul3A_76, %get3A_79, %dot_general3A {dimension_numbers = #tpu.dot_dimension_numbers<[1], [0], [0], [1], [0, 0, 1, 1], [], []>, transpose_lhs_hint = false} : vector<1024x128xf32>, vector<128x128xf32>, vector<1024x128xf32> -> vector<1024x128xf32>
    %swap3A = arith.constant 0 : index
    %swap3A_81 = arith.constant 0 : index
    %swap3A_82 = vector.load %arg13[%swap3A, %swap3A_81] : memref<1024x128xf32, #tpu.memory_space<vmem>>, vector<1024x128xf32>
    tpu.vector_store %arg13[%swap3A, %swap3A_81], %dot_general3A_80 {strides = array<i32>} : memref<1024x128xf32, #tpu.memory_space<vmem>>, vector<1024x128xf32>,
    %get3A_83 = arith.constant 0 : index
    %get3A_84 = arith.constant 0 : index
    %get3A_85 = vector.load %arg11[%get3A_83, %get3A_84] : memref<1x128xf32, #tpu.memory_space<vmem>>, vector<1x128xf32>
    %mul3A_86 = vector.broadcast %get3A_85 : vector<1x128xf32> to vector<1024x128xf32>
    %mul3A_87 = arith.mulf %dot_general3A_80, %mul3A_86 : vector<1024x128xf32>
    %reduce_sum3A_88 = arith.constant dense<0.000000e+00> : vector<1024xf32>
    %reduce_sum3A_89 = vector.multi_reduction <add>, %mul3A_87, %reduce_sum3A_88 [1] : vector<1024x128xf32> to vector<1024xf32>
    %broadcast_in_dim3A_90 = vector.shape_cast %reduce_sum3A_89 : vector<1024xf32> to vector<1024x1xf32>
    %swap3A_91 = arith.constant 0 : index
    %swap3A_92 = arith.constant 0 : index
    %swap3A_93 = vector.load %arg14[%swap3A_91, %swap3A_92] : memref<1024x1xf32, #tpu.memory_space<vmem>>, vector<1024x1xf32>
    tpu.vector_store %arg14[%swap3A_91, %swap3A_92], %broadcast_in_dim3A_90 {strides = array<i32>} : memref<1024x1xf32, #tpu.memory_space<vmem>>, vector<1024x1xf32>,
    %get3A_94 = arith.constant 0 : index
    %get3A_95 = arith.constant 0 : index
    %get3A_96 = vector.load %arg12[%get3A_94, %get3A_95] : memref<1x128xf32, #tpu.memory_space<vmem>>, vector<1x128xf32>
    %mul3A_97 = vector.broadcast %get3A_96 : vector<1x128xf32> to vector<1024x128xf32>
    %mul3A_98 = arith.mulf %dot_general3A_80, %mul3A_97 : vector<1024x128xf32>
    %reduce_sum3A_99 = arith.constant dense<0.000000e+00> : vector<1024xf32>
    %reduce_sum3A_100 = vector.multi_reduction <add>, %mul3A_98, %reduce_sum3A_99 [1] : vector<1024x128xf32> to vector<1024xf32>
    %broadcast_in_dim3A_101 = vector.shape_cast %reduce_sum3A_100 : vector<1024xf32> to vector<1024x1xf32>
    %swap3A_102 = arith.constant 0 : index
    %swap3A_103 = arith.constant 0 : index
    %swap3A_104 = vector.load %arg15[%swap3A_102, %swap3A_103] : memref<1024x1xf32, #tpu.memory_space<vmem>>, vector<1024x1xf32>
    tpu.vector_store %arg15[%swap3A_102, %swap3A_103], %broadcast_in_dim3A_101 {strides = array<i32>} : memref<1024x1xf32, #tpu.memory_space<vmem>>, vector<1024x1xf32>,
    return
  }
  func.func @transform_0(%arg0: i32) -> (i32, i32, i32) {
    %c0_i32 = arith.constant 0 : i32
    %c0_i32_0 = arith.constant 0 : i32
    %c0_i32_1 = arith.constant 0 : i32
    return %c0_i32, %arg0, %c0_i32_0 : i32, i32, i32
  }
  func.func @transform_1(%arg0: i32) -> (i32, i32) {
    %c0_i32 = arith.constant 0 : i32
    %c0_i32_0 = arith.constant 0 : i32
    return %c0_i32, %arg0 : i32, i32
  }
  func.func @transform_2(%arg0: i32) -> (i32, i32) {
    %c0_i32 = arith.constant 0 : i32
    %c0_i32_0 = arith.constant 0 : i32
    return %arg0, %c0_i32 : i32, i32
  }
  func.func @transform_3(%arg0: i32) -> (i32, i32) {
    %c0_i32 = arith.constant 0 : i32
    %c0_i32_0 = arith.constant 0 : i32
    return %arg0, %c0_i32 : i32, i32
  }
  func.func @transform_4(%arg0: i32) -> (i32, i32) {
    %c0_i32 = arith.constant 0 : i32
    %c0_i32_0 = arith.constant 0 : i32
    return %arg0, %c0_i32 : i32, i32
  }
  func.func @transform_5(%arg0: i32) -> (i32, i32) {
    %c0_i32 = arith.constant 0 : i32
    %c0_i32_0 = arith.constant 0 : i32
    %c0_i32_1 = arith.constant 0 : i32
    return %c0_i32, %c0_i32_0 : i32, i32
  }
  func.func @transform_6(%arg0: i32) -> (i32, i32) {
    %c0_i32 = arith.constant 0 : i32
    %c0_i32_0 = arith.constant 0 : i32
    %c0_i32_1 = arith.constant 0 : i32
    return %c0_i32, %c0_i32_0 : i32, i32
  }
  func.func @transform_7(%arg0: i32) -> (i32, i32) {
    %c0_i32 = arith.constant 0 : i32
    %c0_i32_0 = arith.constant 0 : i32
    %c0_i32_1 = arith.constant 0 : i32
    return %c0_i32, %c0_i32_0 : i32, i32
  }
  func.func @transform_8(%arg0: i32) -> (i32, i32) {
    %c0_i32 = arith.constant 0 : i32
    %c0_i32_0 = arith.constant 0 : i32
    %c0_i32_1 = arith.constant 0 : i32
    return %c0_i32, %c0_i32_0 : i32, i32
  }
  func.func @transform_9(%arg0: i32) -> (i32, i32) {
    %c0_i32 = arith.constant 0 : i32
    %c0_i32_0 = arith.constant 0 : i32
    %c0_i32_1 = arith.constant 0 : i32
    return %c0_i32, %c0_i32_0 : i32, i32
  }
  func.func @transform_10(%arg0: i32) -> (i32, i32) {
    %c0_i32 = arith.constant 0 : i32
    %c0_i32_0 = arith.constant 0 : i32
    %c0_i32_1 = arith.constant 0 : i32
    return %c0_i32, %c0_i32_0 : i32, i32
  }
  func.func @transform_11(%arg0: i32) -> (i32, i32) {
    %c0_i32 = arith.constant 0 : i32
    %c0_i32_0 = arith.constant 0 : i32
    %c0_i32_1 = arith.constant 0 : i32
    return %c0_i32, %c0_i32_0 : i32, i32
  }
  func.func @transform_12(%arg0: i32) -> (i32, i32) {
    %c0_i32 = arith.constant 0 : i32
    %c0_i32_0 = arith.constant 0 : i32
    return %arg0, %c0_i32 : i32, i32
  }
  func.func @transform_13(%arg0: i32) -> (i32, i32) {
    %c0_i32 = arith.constant 0 : i32
    %c0_i32_0 = arith.constant 0 : i32
    return %arg0, %c0_i32 : i32, i32
  }
  func.func @transform_14(%arg0: i32) -> (i32, i32) {
    %c0_i32 = arith.constant 0 : i32
    %c0_i32_0 = arith.constant 0 : i32
    return %arg0, %c0_i32 : i32, i32
  }
}

module attributes {stable_mosaic.version = 14 : i64} {
  func.func @_fin_last_body(%arg0: i32, %arg1: memref<2x1024x128xf32, #tpu.memory_space<vmem>>, %arg2: memref<32x1024xf32, #tpu.memory_space<vmem>>, %arg3: memref<1024x128xf32, #tpu.memory_space<vmem>>, %arg4: memref<1024x1xf32, #tpu.memory_space<vmem>>, %arg5: memref<1024x1xf32, #tpu.memory_space<vmem>>, %arg6: memref<1x128xf32, #tpu.memory_space<vmem>>, %arg7: memref<1x16xf32, #tpu.memory_space<vmem>>, %arg8: memref<16x128xf32, #tpu.memory_space<vmem>>, %arg9: memref<1x128xf32, #tpu.memory_space<vmem>>, %arg10: memref<1024x128xf32, #tpu.memory_space<vmem>>) attributes {dimension_semantics = [#tpu.dimension_semantics<arbitrary>], iteration_bounds = array<i64: 10>, scalar_prefetch = 0 : i64, scratch_operands = 0 : i64, tpu.core_type = #tpu.core_type<tc>, window_params = [{transform_indices = @transform_0, window_bounds = array<i64: 2, 1024, 128>}, {transform_indices = @transform_1, window_bounds = array<i64: 32, 1024>}, {transform_indices = @transform_2, window_bounds = array<i64: 1024, 128>}, {transform_indices = @transform_3, window_bounds = array<i64: 1024, 1>}, {transform_indices = @transform_4, window_bounds = array<i64: 1024, 1>}, {pipeline_mode = #tpu.pipeline_mode<synchronous>, transform_indices = @transform_5, window_bounds = array<i64: 1, 128>}, {pipeline_mode = #tpu.pipeline_mode<synchronous>, transform_indices = @transform_6, window_bounds = array<i64: 1, 16>}, {pipeline_mode = #tpu.pipeline_mode<synchronous>, transform_indices = @transform_7, window_bounds = array<i64: 16, 128>}, {pipeline_mode = #tpu.pipeline_mode<synchronous>, transform_indices = @transform_8, window_bounds = array<i64: 1, 128>}, {transform_indices = @transform_9, window_bounds = array<i64: 1024, 128>}]} {
    %get3A = arith.constant 0 : index
    %get3A_0 = arith.constant 0 : index
    %get3A_1 = vector.load %arg4[%get3A, %get3A_0] : memref<1024x1xf32, #tpu.memory_space<vmem>>, vector<1024x1xf32>
    %get3A_2 = vector.shape_cast %get3A_1 : vector<1024x1xf32> to vector<1024xf32>
    %get3A_3 = arith.constant 0 : index
    %get3A_4 = arith.constant 0 : index
    %get3A_5 = vector.load %arg5[%get3A_3, %get3A_4] : memref<1024x1xf32, #tpu.memory_space<vmem>>, vector<1024x1xf32>
    %get3A_6 = vector.shape_cast %get3A_5 : vector<1024x1xf32> to vector<1024xf32>
    %get3A_7 = arith.constant 0 : index
    %get3A_8 = arith.constant 0 : index
    %get3A_9 = vector.load %arg8[%get3A_7, %get3A_8] : memref<16x128xf32, #tpu.memory_space<vmem>>, vector<16x128xf32>
    %get3A_10 = arith.constant 0 : index
    %get3A_11 = arith.constant 0 : index
    %get3A_12 = vector.load %arg9[%get3A_10, %get3A_11] : memref<1x128xf32, #tpu.memory_space<vmem>>, vector<1x128xf32>
    %mul3A = vector.broadcast %get3A_12 : vector<1x128xf32> to vector<16x128xf32>
    %mul3A_13 = arith.mulf %get3A_9, %mul3A : vector<16x128xf32>
    %reduce_sum3A = arith.constant dense<0.000000e+00> : vector<16xf32>
    %reduce_sum3A_14 = vector.multi_reduction <add>, %mul3A_13, %reduce_sum3A [1] : vector<16x128xf32> to vector<16xf32>
    %get3A_15 = arith.constant 0 : index
    %get3A_16 = arith.constant 0 : index
    %get3A_17 = vector.load %arg7[%get3A_15, %get3A_16] : memref<1x16xf32, #tpu.memory_space<vmem>>, vector<1x16xf32>
    %broadcast_in_dim3A = vector.shape_cast %reduce_sum3A_14 : vector<16xf32> to vector<1x16xf32>
    %mul3A_18 = arith.mulf %get3A_17, %broadcast_in_dim3A : vector<1x16xf32>
    %reduce_sum3A_19 = vector.shape_cast %mul3A_18 : vector<1x16xf32> to vector<1x1x16xf32>
    %reduce_sum3A_20 = arith.constant dense<0.000000e+00> : vector<1xf32>
    %reduce_sum3A_21 = vector.multi_reduction <add>, %reduce_sum3A_19, %reduce_sum3A_20 [1, 2] : vector<1x1x16xf32> to vector<1xf32>
    %reduce_sum3A_22 = vector.shape_cast %reduce_sum3A_21 : vector<1xf32> to vector<1x1x1xf32>
    %reduce_sum3A_23 = vector.extract %reduce_sum3A_22[0, 0, 0] : f32 from vector<1x1x1xf32>
    %div3A = arith.constant 3.200000e+05 : f32
    %div3A_24 = arith.divf %reduce_sum3A_23, %div3A : f32
    %add3A = arith.addf %get3A_2, %get3A_6 : vector<1024xf32>
    %add3A_25 = vector.broadcast %div3A_24 : f32 to vector<1024xf32>
    %add3A_26 = arith.addf %add3A, %add3A_25 : vector<1024xf32>
    %ge3A = arith.constant 0.000000e+00 : f32
    %ge3A_27 = vector.broadcast %ge3A : f32 to vector<1024xf32>
    %ge3A_28 = arith.cmpf oge, %add3A_26, %ge3A_27 : vector<1024xf32>
    %mul3A_29 = arith.constant 2.000000e-01 : f32
    %mul3A_30 = vector.broadcast %mul3A_29 : f32 to vector<1024xf32>
    %mul3A_31 = arith.mulf %mul3A_30, %add3A_26 : vector<1024xf32>
    %select_n3A = arith.select %ge3A_28, %add3A_26, %mul3A_31 : vector<1024xi1>, vector<1024xf32>
    %exp3A = math.exp %select_n3A : vector<1024xf32>
    %get3A_32 = arith.constant 0 : index
    %get3A_33 = arith.constant 0 : index
    %get3A_34 = vector.load %arg3[%get3A_32, %get3A_33] : memref<1024x128xf32, #tpu.memory_space<vmem>>, vector<1024x128xf32>
    %get3A_35 = arith.constant 0 : index
    %get3A_36 = arith.constant 0 : index
    %get3A_37 = arith.constant 0 : index
    %get3A_38 = vector.load %arg1[%get3A_35, %get3A_36, %get3A_37] : memref<2x1024x128xf32, #tpu.memory_space<vmem>>, vector<1x1024x128xf32>
    %get3A_39 = vector.shape_cast %get3A_38 : vector<1x1024x128xf32> to vector<1024x128xf32>
    %get3A_40 = arith.constant 1 : index
    %get3A_41 = arith.constant 0 : index
    %get3A_42 = arith.constant 0 : index
    %get3A_43 = vector.load %arg1[%get3A_40, %get3A_41, %get3A_42] : memref<2x1024x128xf32, #tpu.memory_space<vmem>>, vector<1x1024x128xf32>
    %get3A_44 = vector.shape_cast %get3A_43 : vector<1x1024x128xf32> to vector<1024x128xf32>
    %add3A_45 = arith.addf %get3A_39, %get3A_44 : vector<1024x128xf32>
    %broadcast_in_dim3A_46 = vector.shape_cast %exp3A : vector<1024xf32> to vector<1024x1xf32>
    %mul3A_47 = vector.broadcast %broadcast_in_dim3A_46 : vector<1024x1xf32> to vector<1024x128xf32>
    %mul3A_48 = arith.mulf %mul3A_47, %get3A_34 : vector<1024x128xf32>
    %add3A_49 = arith.addf %add3A_45, %mul3A_48 : vector<1024x128xf32>
    %get3A_50 = arith.constant 0 : index
    %get3A_51 = arith.constant 0 : index
    %get3A_52 = vector.load %arg2[%get3A_50, %get3A_51] : memref<32x1024xf32, #tpu.memory_space<vmem>>, vector<32x1024xf32>
    %reduce_sum3A_53 = arith.constant dense<0.000000e+00> : vector<1024xf32>
    %reduce_sum3A_54 = vector.multi_reduction <add>, %get3A_52, %reduce_sum3A_53 [0] : vector<32x1024xf32> to vector<1024xf32>
    %add3A_55 = arith.addf %reduce_sum3A_54, %exp3A : vector<1024xf32>
    %broadcast_in_dim3A_56 = vector.shape_cast %add3A_55 : vector<1024xf32> to vector<1024x1xf32>
    %add3A_57 = arith.constant 1.000000e-16 : f32
    %add3A_58 = vector.broadcast %add3A_57 : f32 to vector<1024x1xf32>
    %add3A_59 = arith.addf %broadcast_in_dim3A_56, %add3A_58 : vector<1024x1xf32>
    %div3A_60 = vector.broadcast %add3A_59 : vector<1024x1xf32> to vector<1024x128xf32>
    %div3A_61 = arith.divf %add3A_49, %div3A_60 : vector<1024x128xf32>
    %get3A_62 = arith.constant 0 : index
    %get3A_63 = arith.constant 0 : index
    %get3A_64 = vector.load %arg6[%get3A_62, %get3A_63] : memref<1x128xf32, #tpu.memory_space<vmem>>, vector<1x128xf32>
    %add3A_65 = vector.broadcast %get3A_64 : vector<1x128xf32> to vector<1024x128xf32>
    %add3A_66 = arith.addf %div3A_61, %add3A_65 : vector<1024x128xf32>
    %mul3A_67 = arith.constant 5.000000e-01 : f32
    %mul3A_68 = vector.broadcast %mul3A_67 : f32 to vector<1024x128xf32>
    %mul3A_69 = arith.mulf %mul3A_68, %add3A_66 : vector<1024x128xf32>
    %mul3A_70 = arith.constant 0.707106769 : f32
    %mul3A_71 = vector.broadcast %mul3A_70 : f32 to vector<1024x128xf32>
    %mul3A_72 = arith.mulf %add3A_66, %mul3A_71 : vector<1024x128xf32>
    %erf3A = math.erf %mul3A_72 : vector<1024x128xf32>
    %add3A_73 = arith.constant 1.000000e+00 : f32
    %add3A_74 = vector.broadcast %add3A_73 : f32 to vector<1024x128xf32>
    %add3A_75 = arith.addf %add3A_74, %erf3A : vector<1024x128xf32>
    %mul3A_76 = arith.mulf %mul3A_69, %add3A_75 : vector<1024x128xf32>
    %swap3A = arith.constant 0 : index
    %swap3A_77 = arith.constant 0 : index
    %swap3A_78 = vector.load %arg10[%swap3A, %swap3A_77] : memref<1024x128xf32, #tpu.memory_space<vmem>>, vector<1024x128xf32>
    tpu.vector_store %arg10[%swap3A, %swap3A_77], %mul3A_76 {strides = array<i32>} : memref<1024x128xf32, #tpu.memory_space<vmem>>, vector<1024x128xf32>,
    return
  }
  func.func @transform_0(%arg0: i32) -> (i32, i32, i32) {
    %c0_i32 = arith.constant 0 : i32
    %c0_i32_0 = arith.constant 0 : i32
    %c0_i32_1 = arith.constant 0 : i32
    return %c0_i32, %arg0, %c0_i32_0 : i32, i32, i32
  }
  func.func @transform_1(%arg0: i32) -> (i32, i32) {
    %c0_i32 = arith.constant 0 : i32
    %c0_i32_0 = arith.constant 0 : i32
    return %c0_i32, %arg0 : i32, i32
  }
  func.func @transform_2(%arg0: i32) -> (i32, i32) {
    %c0_i32 = arith.constant 0 : i32
    %c0_i32_0 = arith.constant 0 : i32
    return %arg0, %c0_i32 : i32, i32
  }
  func.func @transform_3(%arg0: i32) -> (i32, i32) {
    %c0_i32 = arith.constant 0 : i32
    %c0_i32_0 = arith.constant 0 : i32
    return %arg0, %c0_i32 : i32, i32
  }
  func.func @transform_4(%arg0: i32) -> (i32, i32) {
    %c0_i32 = arith.constant 0 : i32
    %c0_i32_0 = arith.constant 0 : i32
    return %arg0, %c0_i32 : i32, i32
  }
  func.func @transform_5(%arg0: i32) -> (i32, i32) {
    %c0_i32 = arith.constant 0 : i32
    %c0_i32_0 = arith.constant 0 : i32
    %c0_i32_1 = arith.constant 0 : i32
    return %c0_i32, %c0_i32_0 : i32, i32
  }
  func.func @transform_6(%arg0: i32) -> (i32, i32) {
    %c0_i32 = arith.constant 0 : i32
    %c0_i32_0 = arith.constant 0 : i32
    %c0_i32_1 = arith.constant 0 : i32
    return %c0_i32, %c0_i32_0 : i32, i32
  }
  func.func @transform_7(%arg0: i32) -> (i32, i32) {
    %c0_i32 = arith.constant 0 : i32
    %c0_i32_0 = arith.constant 0 : i32
    %c0_i32_1 = arith.constant 0 : i32
    return %c0_i32, %c0_i32_0 : i32, i32
  }
  func.func @transform_8(%arg0: i32) -> (i32, i32) {
    %c0_i32 = arith.constant 0 : i32
    %c0_i32_0 = arith.constant 0 : i32
    %c0_i32_1 = arith.constant 0 : i32
    return %c0_i32, %c0_i32_0 : i32, i32
  }
  func.func @transform_9(%arg0: i32) -> (i32, i32) {
    %c0_i32 = arith.constant 0 : i32
    %c0_i32_0 = arith.constant 0 : i32
    return %arg0, %c0_i32 : i32, i32
  }
}

</mosaic_0001>

<sc_bundles>
// kernel: kernel.10.cloned.1.call-start
scs
__scs_entry_jumppad:
0x0: {  	(pc) =	sbr.rel $0x88, $3  }
0x1: {  	(tag) =	ssettag $0x0;
	lr =	simm.s32 $0x1  }
0x2: {  	[smem:$0x3F8C] =	sst lr;
	_ =	strace $0xD0000000  }
0x3: {  	_ = 	snop  }
0x4: {  	_ = 	snop  }
0x5: {  	_ = 	snop  }
0x6: {  	_ = 	snop  }
0x7: {  	_ = 	snop  }
__scs_overlays_trampoline_lowered:
0x8: {  	[smem:$0x3F9B] =	sst s0  }
0x9: {  	[smem:$0x3F9C] =	sst s1  }
0xa: {  	[smem:$0x3F9D] =	sst s2  }
0xb: {  	[smem:$0x3F9E] =	sst s3  }
0xc: {  	[smem:$0x3F9F] =	sst s4  }
0xd: {  	[smem:$0x3FA0] =	sst s5  }
0xe: {  	[smem:$0x3FA1] =	sst s6  }
0xf: {  	[smem:$0x3FA2] =	sst s7  }
0x10: {  	[smem:$0x3FA3] =	sst s8  }
0x11: {  	[smem:$0x3FA4] =	sst s9;
	s0 =	simm.s32 @!p0 $0x0  }
0x12: {  	s1 =	sld [smem:$0x3F8A];
	s0 =	simm.s32 @p0 $0x1  }
0x13: {  	[smem:$0x3FA5] =	sst s0;
	s0 =	simm.s32 @!p1 $0x0  }
0x14: {  	s2 =	sld [smem:$0x3F89];
	s0 =	simm.s32 @p1 $0x1  }
0x15: {  	[smem:$0x3FA6] =	sst s0;
	s0 =	simm.s32 @!p2 $0x0  }
0x16: {  	s3 =	sld [smem:$0x3FDB];
	s0 =	simm.s32 @p2 $0x1  }
0x17: {  	s4 =	simm.s32 $0x1BF5;
	[smem:$0x3FA8] =	sst s0  }
0x18: {  	s0 =	sld [smem:$0x3F8B];
	_ =	swait.ge [sflag:s4], $0x0  }
0x19: {  	s7 =	sld [smem:$0x3F8C]  }
0x1a: {  	s8 =	sadd.s32 $0xFFFFE003, lr  }
0x1b: {  	s9 =	sadd.s32 $0xFFFFFEF7, lr;
	s5 =	simm.s32 $0xFFFFFFFF;
	p2 =	slt.u32 s8, $0xFFFFF086  }
0x1c: {  	p1 =	slt.u32 s9, $0xF7A;
	s5 =	simm.s32 @!p2 $0x0  }
0x1d: {  	s5 =	simm.s32 @p1 $0x1;
	p0 =	seq.s32 s7, s2  }
0x1e: {  	s7 =	smul.u32 @!p0 $0xF7A, s2;
	p2 =	seq.s32 @!p0 s5, $0x0  }
0x1f: {  	s9 =	smul.u32 $0xF7A, s1;
	s8 =	simm.s32 @!p0 $0x1BF5;
	p2 =	por !p2, p0  }
0x20: {  	[sflag:s8] =	ssyncset.s32 @!p0 $0xFFFFF086;
	s6 =	sadd.s32 @!p0 s3, s7;
	s7 =	simm.s32 @!p0 $0x108  }
0x21: {  	s3 =	sadd.s32 s3, s9;
	s6 =	sadd.s32 @!p0 $0x88, s6;
	s7 =	simm.s32 @p2 $0x1082  }
0x22: {  	[simem:s7], [sflag:s8] =	dma.local @!p0 [hbm:s6], $0xF7A  }
0x23: {  	s9 =	sor.u32 $0xD0000000, s2;
	s6 =	simm.s32 $0x108;
	_ =	swait.ge @!p0 [sflag:s8], $0x0  }
0x24: {  	s3 =	sadd.s32 $0x88, s3;
	s6 =	simm.s32 @!p1 $0x1082;
	[sflag:s4] =	ssyncset.s32 $0xFFFFF086  }
0x25: {  	[simem:s6], [sflag:s4] =	dma.local [hbm:s3], $0xF7A  }
0x26: {  	[smem:$0x3F8C] =	sst s1;
	(tag) =	ssettag s2;
	_ =	strace s9  }
0x27: {  	s1 =	sld [smem:$0x3F9C]  }
0x28: {  	s2 =	sld [smem:$0x3F9D]  }
0x29: {  	s4 =	sld [smem:$0x3F9F]  }
0x2a: {  	p0 =	seq.s32 s5, $0x0;
	s5 =	sld [smem:$0x3FA0]  }
0x2b: {  	s6 =	sld [smem:$0x3FA1]  }
0x2c: {  	s7 =	sld [smem:$0x3FA2]  }
0x2d: {  	s3 =	simm.s32 $0x108;
	s8 =	sld [smem:$0x3FA3]  }
0x2e: {  	s3 =	simm.s32 @!p0 $0x1082;
	s9 =	sld [smem:$0x3FA4]  }
0x2f: {  	lr =	sadd.s32 s0, s3;
	s0 =	sld [smem:$0x3F9B]  }
0x30: {  	s3 =	sld [smem:$0x3F9E]  }
0x31: {  	[smem:$0x3FA7] =	sst s10  }
0x32: {  	s10 =	sld [smem:$0x3FA5];
	_ =	sdelay $0x3  }
0x33: {  	p0 =	seq.s32 s10, $0x1;
	s10 =	sld [smem:$0x3FA7];
	_ =	sdelay $0x3  }
0x34: {  	[smem:$0x3FA7] =	sst s10  }
0x35: {  	s10 =	sld [smem:$0x3FA6];
	_ =	sdelay $0x3  }
0x36: {  	p1 =	seq.s32 s10, $0x1;
	s10 =	sld [smem:$0x3FA7];
	_ =	sdelay $0x3  }
0x37: {  	[smem:$0x3FA7] =	sst s10  }
0x38: {  	s10 =	sld [smem:$0x3FA8]  }
0x39: {  	_ = 	snop;
	(pc) =	sbr.ind lr, $3  }
0x3a: {  	_ = 	snop  }
0x3b: {  	_ = 	snop  }
0x3c: {  	p2 =	seq.s32 s10, $0x1;
	s10 =	sld [smem:$0x3FA7]  }
0x3d: {  	_ =	shalt  }
0x3e: {  	_ =	shalt  }
0x3f: {  	_ =	shalt  }
0x40: {  	_ =	shalt  }
0x41: {  	_ =	shalt  }
0x42: {  	_ =	shalt  }
0x43: {  	_ =	shalt  }
0x44: {  	_ =	shalt  }
0x45: {  	_ =	shalt  }
0x46: {  	_ =	shalt  }
0x47: {  	_ =	shalt  }
0x48: {  	_ =	shalt  }
0x49: {  	_ =	shalt  }
0x4a: {  	_ =	shalt  }
0x4b: {  	_ =	shalt  }
0x4c: {  	_ =	shalt  }
0x4d: {  	_ =	shalt  }
0x4e: {  	_ =	shalt  }
0x4f: {  	_ =	shalt  }
0x50: {  	_ =	shalt  }
0x51: {  	_ =	shalt  }
0x52: {  	_ =	shalt  }
0x53: {  	_ =	shalt  }
0x54: {  	_ =	shalt  }
0x55: {  	_ =	shalt  }
0x56: {  	_ =	shalt  }
0x57: {  	_ =	shalt  }
0x58: {  	_ =	shalt  }
0x59: {  	_ =	shalt  }
0x5a: {  	_ =	shalt  }
0x5b: {  	_ =	shalt  }
0x5c: {  	_ =	shalt  }
0x5d: {  	_ =	shalt  }
0x5e: {  	_ =	shalt  }
0x5f: {  	_ =	shalt  }
0x60: {  	_ =	shalt  }
0x61: {  	_ =	shalt  }
0x62: {  	_ =	shalt  }
0x63: {  	_ =	shalt  }
0x64: {  	_ =	shalt  }
0x65: {  	_ =	shalt  }
0x66: {  	_ =	shalt  }
0x67: {  	_ =	shalt  }
0x68: {  	_ =	shalt  }
0x69: {  	_ =	shalt  }
0x6a: {  	_ =	shalt  }
0x6b: {  	_ =	shalt  }
0x6c: {  	_ =	shalt  }
0x6d: {  	_ =	shalt  }
0x6e: {  	_ =	shalt  }
0x6f: {  	_ =	shalt  }
0x70: {  	_ =	shalt  }
0x71: {  	_ =	shalt  }
0x72: {  	_ =	shalt  }
0x73: {  	_ =	shalt  }
0x74: {  	_ =	shalt  }
0x75: {  	_ =	shalt  }
0x76: {  	_ =	shalt  }
0x77: {  	_ =	shalt  }
0x78: {  	_ =	shalt  }
0x79: {  	_ =	shalt  }
0x7a: {  	_ =	shalt  }
0x7b: {  	_ =	shalt  }
0x7c: {  	_ =	shalt  }
0x7d: {  	_ =	shalt  }
0x7e: {  	_ =	shalt  }
0x7f: {  	_ =	shalt  }
0x80: {  	_ =	shalt  }
0x81: {  	_ =	shalt  }
0x82: {  	_ =	shalt  }
0x83: {  	_ =	shalt  }
0x84: {  	_ =	shalt  }
0x85: {  	_ =	shalt  }
0x86: {  	_ =	shalt  }
0x87: {  	_ =	shalt  }
.Lfunc_end0:
.L_simem_size_0:
called_computation_lowered:
.L_overlay_start_0:
0x88: {  	s2 =	sld [smem:$0x3FD9]  }
0x89: {  	s3 =	sld [smem:$0x3FFE];
	_ =	sdelay $0x1  }
0x8a: {  	s1 =	srdreg.scid  }
0x8b: {  	s0 =	sand.u32 $0x1, s1  }
0x8c: {  	s17 =	sshll.u32 s0, $0xA;
	s2 =	sadd.s32 s3, s2  }
0x8d: {  	s2 =	sadd.s32 s2, s17  }
0x8e: {  	[smem:$0x3FB3] =	sst s2  }
0x8f: {  	_ = 	snop  }
0x90: {  	s2 =	sld [smem:$0x3FD0];
	(tm) =	ssettm $0x1  }
0x91: {  	s18 =	sld [smem:$0x3FFB];
	_ =	sdelay $0x3  }
0x92: {  	_ =	strace s18  }
0x93: {  	s3 =	sld [smem:$0x3FFC];
	_ =	sdelay $0x3  }
0x94: {  	_ =	strace s3  }
0x95: {  	s3 =	sld [smem:$0x3FFD];
	_ =	sdelay $0x3  }
0x96: {  	_ =	strace s3  }
0x97: {  	_ =	strace $0x8FFFFFFF  }
0x98: {  	s19 =	sld [smem:$0x3FDB];
	_ =	sdelay $0x1  }
0x99: {  	s4 =	simm.s32 $_scs_section_size  }
0x9a: {  	s5 =	simm.s32 $_size__tile_overlayer_lowered;
	s6 =	simm.s32 $_tile_overlayer_lowered  }
0x9b: {  	s22 =	simm.s32 $0x1BFF;
	s21 =	sshll.u32 s6, $0x1;
	s3 =	sadd.s32 s4, s19  }
0x9c: {  	s7 =	simm.s32 $0x0;
	s20 =	sshll.u32 s5, $0x1;
	s5 =	sadd.s32 s21, s3  }
0x9d: {  	[timem:s7], [sflag:s22] =	dma.local [hbm:s5], s20  }
0x9e: {  	_ =	swait.ge [sflag:s22], s20  }
0x9f: {  	s4 =	ssub.s32 $0x0, s20;
	[sflag:s22] =	ssyncset.done $0x0  }
0xa0: {  	[sflag:s22] =	ssyncadd.s32 s4;
	_ =	sdelay $0x1  }
0xa1: {  	s23 =	simm.s32 $0x1B8B  }
0xa2: {  	_ =	swait.ge [sflag:s23], $0x1  }
0xa3: {  	[sflag:s23] =	ssyncset.done $0x0  }
0xa4: {  	s25 =	simm.s32 $0x1B8E;
	s24 =	sld [smem:$0x3FFE];
	[sflag:s23] =	ssyncadd.s32 $0xFFFFFFFF  }
0xa5: {  	s26 =	simm.s32 $execute0_lowered;
	[smem:$0x3FD2] =	sst s25  }
0xa6: {  	s5 =	sshll.u32 s26, $0x1;
	_ =	strace $0x80000046;
	[dreg:$0x1] =	wrdreg $0xFFFFFFFF  }
0xa7: {  	s28 =	simm.s32 $_size_execute0_lowered;
	s3 =	sadd.s32 s3, s5;
	[dreg:$0x0] =	wrdreg $0x0  }
0xa8: {  	s5 =	sshll.u32 s28, $0x1;
	[dreg:$0x2] =	wrdreg s3  }
0xa9: {  	[dreg:$0x3] =	wrdreg s5  }
0xaa: {  	[dreg:$0x4] =	wrdreg $0xC0  }
0xab: {  	_ =	task [dreg:s7], $0x5FFFF  }
0xac: {  	[dreg:$0x1] =	wrdreg $0xFFFFFFFF  }
0xad: {  	[dreg:$0x0] =	wrdreg $0x60  }
0xae: {  	[dreg:$0x2] =	wrdreg s24  }
0xaf: {  	[dreg:$0x3] =	wrdreg s2  }
0xb0: {  	[dreg:$0x4] =	wrdreg $0xA0800  }
0xb1: {  	[dreg:$0x5] =	wrdreg $0x9  }
0xb2: {  	_ =	task.clear_ibuf [dreg:s7], $0x6FFFF;
	_ =	strace $0x90000046  }
0xb3: {  	s29 =	simm.s32 $0x9;
	_ =	strace $0x80000048  }
0xb4: {  	_ =	swait.ge [sflag:s29], $0x1  }
0xb5: {  	[sflag:s29] =	ssyncadd.s32 $0xFFFFFFFF  }
0xb6: {  	_ =	strace $0x90000048  }
0xb7: {  	_ =	sfence  }
0xb8: {  	s30 =	sld [smem:$0x0];
	_ =	sdelay $0x2  }
0xb9: {  	s31 =	sshll.u32 s1, $0xD;
	s1 =	sshrl.u32 s1, $0x2  }
0xba: {  	s3 =	sand.u32 $0x4000, s31;
	s1 =	sadd.s32 s1, s30  }
0xbb: {  	s0 =	sor.u32 s3, s0;
	s1 =	sshll.u32 s1, $0x11  }
0xbc: {  	s0 =	sor.u32 s1, s0  }
0xbd: {  	s0 =	sadd.s32 $0x8F2B, s0  }
0xbe: {  	[sflag:s0] =	ssyncadd.remote.s32 $0x1  }
0xbf: {  	_ =	sfence.sel $0xFFFF  }
0xc0: {  	[dreg:$0x0] =	wrdreg $0xFFFFFFFF;
	(pc) =	sbr.abs _section_cstart, $3  }
0xc1: {  	[dreg:$0x1] =	wrdreg $0xFFFFFFFF  }
0xc2: {  	_ =	task.clear_ibuf [dreg:s7], $0x2FFFF;
	_ =	strace $0x9FFFFFFF  }
0xc3: {  	(tm) =	ssettm $0x7FFFFFFF  }
tec
execute0_lowered:
.L_overlay_start_1:
0x0: {  	(tag) =	ssettag $0x1  }
0x1: {  	s0 =	rddreg [dreg:$0x0]  }
0x2: {  	s1 =	rddreg [dreg:$0x1]  }
0x3: {  	s2 =	rddreg [dreg:$0x2]  }
0x4: {  	s4 =	simm.s32 $0x0;
	s3 =	srdreg.scid;
	s11 =	stileid.u32  }
0x5: {  	s28 =	simm.s32 $0x7780;
	s29 =	simm.s32 $0x50;
	s30 =	simm.s32 $0x4F00  }
0x6: {  	s31 =	simm.s32 $0x1;
	[smem:$0x7FF] =	sst s4;
	s3 =	sand.u32 $0x1, s3  }
0x7: {  	s9 =	smul.u32 $0x13800, s11;
	s5 =	sadd.s32 $0x66A00, s0;
	s6 =	sadd.s32 $0x5CC00, s0  }
0x8: {  	s20 =	sadd.s32 $0x5C000, s0;
	s21 =	sadd.s32 $0x5C600, s0;
	s8 =	smul.u32 $0x138800, s3  }
0x9: {  	_ =	strace $0x80000047;
	s7 =	sshll.u32 s3, $0x4;
	[dreg:$0x4] =	wrdreg s20  }
0xa: {  	[dreg:$0x5] =	wrdreg s21;
	s3 =	ssub.s32 $0x2, s3;
	s10 =	sor.u32 s11, s7  }
0xb: {  	s7 =	sadd.s32 $0x3E00, s0;
	s11 =	smul.u32 $0x4E000, s11;
	s23 =	sshrl.u32 s3, $0x1  }
0xc: {  	s9 =	sadd.s32 s9, s8;
	s8 =	smul.u32 $0x2710, s10;
	s3 =	ssub.s32 s3, s23  }
0xd: {  	s23 =	simm.s32 $0x2780;
	s9 =	sshrl.u32 s9, $0x3;
	s24 =	sshrl.u32 s11, $0x2  }
0xe: {  	s25 =	smax.u32 s3, $0x1;
	s3 =	simm.s32 $0x0;
	s22 =	sshrl.u32 s8, $0x3  }
0xf: {  	s9 =	sadd.s32 s9, s0;
	s13 =	sadd.s32 s24, s2;
	[dreg:$0x8] =	wrdreg s25  }
0x10: {  	s24 =	simm.s32 $0x7880;
	s25 =	simm.s32 $0x7680;
	s0 =	sadd.s32 s22, s0  }
0x11: {  	s9 =	sadd.s32 $0x7A600, s9;
	s26 =	sadd.s32 $0x2800, s13;
	s16 =	sadd.s32 $0x5000, s13  }
0x12: {  	s17 =	sadd.s32 $0x7800, s13;
	s18 =	sadd.s32 $0xA000, s13;
	s19 =	sadd.s32 $0xC800, s13  }
0x13: {  	s20 =	sadd.s32 $0xF000, s13;
	s21 =	sadd.s32 $0x11800, s13;
	[dreg:$0x7] =	wrdreg s9  }
0x14: {  	s22 =	simm.s32 $0x2;
	s0 =	sadd.s32 $0x70800, s0;
	[dreg:$0x9] =	wrdreg s26  }
0x15: {  	v0 =	vimm.f32 $0.0e+00;
	s26 =	simm.s32 $0x7700;
	[dreg:$0x6] =	wrdreg s0;
	s0 =	simm.s32 $0x7800  }
.LBB2_1:
0x16: {  	s9 =	rddreg [dreg:$0x4]  }
0x17: {  	[tilespmem:s4], [sflag:$0x2] =	stream.linear.gather [hbm4b:s9+s4], $0x2780, $0x38;
	[tilespmem:$0x1D900] =	vst v63  }
0x18: {  	_ =	swait.ge [sflag:s22], $0x2780  }
0x19: {  	[sflag:s22] =	ssyncset.done $0x0  }
0x1a: {  	s15 =	rddreg [dreg:$0x5];
	[sflag:s22] =	ssyncadd.s32 $0xFFFFD880  }
0x1b: {  	[tilespmem:s23], [sflag:$0x2] =	stream.linear.gather [hbm4b:s15+s4], $0x2780, $0x38;
	[tilespmem:$0x1D900] =	vst v63  }
0x1c: {  	_ =	swait.ge [sflag:s22], $0x2780  }
0x1d: {  	[sflag:s22] =	ssyncset.done $0x0  }
0x1e: {  	s9 =	simm.s32 $0x0;
	[sflag:s22] =	ssyncadd.s32 $0xFFFFD880  }
.LBB2_2:
0x1f: {  	p0 =	sne.s32 s9, $0x9C00  }
.Ltmp0:
0x20: {  	_ = 	snop;
	(pc) =	sbr.rel @p0 .LBB2_2-.Ltmp0, $3  }
0x21: {  	_ =	sdelay $0x1  }
0x22: {  	s10 =	sshra.s32 s9, $0x2  }
0x23: {  	s9 =	sadd.s32 $0x40, s9;
	[tilespmem:s10+$0x4F00] =	vst v0  }
0x24: {  	s9 =	simm.s32 $0x0  }
0x25: {  	s10 =	sand.u32 $0xFE00, s9  }
0x26: {  	s11 =	sand.u32 $0x70, s9;
	s12 =	sshrl.u32 s10, $0x2  }
0x27: {  	s10 =	simm.s32 $0x40;
	s11 =	sor.u32 s11, s12  }
.LBB2_4:
0x28: {  	p0 =	sne.s32 s10, $0x9FC0  }
0x29: {  	[tilespmem:s11+$0x7880] =	vst v0;
	s9 =	sadd.s32 $0x10, s9;
	s11 =	smov.u32 s10;
	s10 =	sadd.s32 $0x40, s10  }
.Ltmp1:
0x2a: {  	(pc) =	sbr.rel @p0 .LBB2_4-.Ltmp1, $4  }
0x2b: {  	_ = 	snop  }
0x2c: {  	s11 =	sand.u32 $0xFE00, s11  }
0x2d: {  	s12 =	sand.u32 $0x70, s9;
	s11 =	sshrl.u32 s11, $0x2  }
0x2e: {  	s11 =	sor.u32 s12, s11  }
0x2f: {  	[tilespmem:s11+$0x7880] =	vst v0  }
0x30: {  	[spmem:s13] =	stream.linear.scatter [tilespmem:s24], [sflag:$0x2], $0x2800, $0x38;
	[tilespmem:$0x1D900] =	vst v63  }
0x31: {  	_ =	swait.ge [sflag:s22], $0x2800  }
0x32: {  	[sflag:s22] =	ssyncset.done $0x0  }
0x33: {  	s9 =	rddreg [dreg:$0x9];
	[sflag:s22] =	ssyncadd.s32 $0xFFFFD800  }
0x34: {  	[spmem:s9] =	stream.linear.scatter [tilespmem:s24], [sflag:$0x2], $0x2800, $0x38;
	[tilespmem:$0x1D900] =	vst v63  }
0x35: {  	_ =	swait.ge [sflag:s22], $0x2800  }
0x36: {  	[sflag:s22] =	ssyncset.done $0x0  }
0x37: {  	[sflag:s22] =	ssyncadd.s32 $0xFFFFD800  }
0x38: {  	[spmem:s16] =	stream.linear.scatter [tilespmem:s24], [sflag:$0x2], $0x2800, $0x38;
	[tilespmem:$0x1D900] =	vst v63  }
0x39: {  	_ =	swait.ge [sflag:s22], $0x2800  }
0x3a: {  	[sflag:s22] =	ssyncset.done $0x0  }
0x3b: {  	[sflag:s22] =	ssyncadd.s32 $0xFFFFD800  }
0x3c: {  	[spmem:s17] =	stream.linear.scatter [tilespmem:s24], [sflag:$0x2], $0x2800, $0x38;
	[tilespmem:$0x1D900] =	vst v63  }
0x3d: {  	_ =	swait.ge [sflag:s22], $0x2800  }
0x3e: {  	[sflag:s22] =	ssyncset.done $0x0  }
0x3f: {  	[sflag:s22] =	ssyncadd.s32 $0xFFFFD800  }
0x40: {  	[spmem:s18] =	stream.linear.scatter [tilespmem:s24], [sflag:$0x2], $0x2800, $0x38;
	[tilespmem:$0x1D900] =	vst v63  }
0x41: {  	_ =	swait.ge [sflag:s22], $0x2800  }
0x42: {  	[sflag:s22] =	ssyncset.done $0x0  }
0x43: {  	[sflag:s22] =	ssyncadd.s32 $0xFFFFD800  }
0x44: {  	[spmem:s19] =	stream.linear.scatter [tilespmem:s24], [sflag:$0x2], $0x2800, $0x38;
	[tilespmem:$0x1D900] =	vst v63  }
0x45: {  	_ =	swait.ge [sflag:s22], $0x2800  }
0x46: {  	[sflag:s22] =	ssyncset.done $0x0  }
0x47: {  	[sflag:s22] =	ssyncadd.s32 $0xFFFFD800  }
0x48: {  	[spmem:s20] =	stream.linear.scatter [tilespmem:s24], [sflag:$0x2], $0x2800, $0x38;
	[tilespmem:$0x1D900] =	vst v63  }
0x49: {  	_ =	swait.ge [sflag:s22], $0x2800  }
0x4a: {  	[sflag:s22] =	ssyncset.done $0x0  }
0x4b: {  	[sflag:s22] =	ssyncadd.s32 $0xFFFFD800  }
0x4c: {  	[spmem:s21] =	stream.linear.scatter [tilespmem:s24], [sflag:$0x2], $0x2800, $0x38;
	[tilespmem:$0x1D900] =	vst v63  }
0x4d: {  	_ =	swait.ge [sflag:s22], $0x2800  }
0x4e: {  	[sflag:s22] =	ssyncset.done $0x0  }
0x4f: {  	[sflag:s22] =	ssyncadd.s32 $0xFFFFD800  }
0x50: {  	s10 =	simm.s32 $0x0;
	s9 =	simm.s32 $0x0;
	[bflag:$0x0] =	sbarrier.arrive $0xFFFF  }
.LBB2_6:
0x51: {  	s11 =	smul.u32 $0x50, s10;
	_ =	sdelay $0x1  }
0x52: {  	s11 =	sadd.s32 s8, s11  }
0x53: {  	s11 =	sshrl.u32 s11, $0x3  }
0x54: {  	s12 =	sadd.s32 s5, s11  }
0x55: {  	[tilespmem:s25], [sflag:$0x2] =	stream.linear.gather [hbm4b:s12+s9], $0x50, $0x38;
	[tilespmem:$0x1D900] =	vst v63  }
0x56: {  	_ =	swait.ge [sflag:s22], $0x50  }
0x57: {  	[sflag:s22] =	ssyncset.done $0x0  }
0x58: {  	s15 =	sadd.s32 s6, s11;
	[sflag:s22] =	ssyncadd.s32 $0xFFFFFFB0  }
0x59: {  	[tilespmem:s26], [sflag:$0x2] =	stream.linear.gather [hbm4b:s15+s9], $0x50, $0x38;
	[tilespmem:$0x1D900] =	vst v63  }
0x5a: {  	_ =	swait.ge [sflag:s22], $0x50  }
0x5b: {  	[sflag:s22] =	ssyncset.done $0x0  }
0x5c: {  	s11 =	sadd.s32 s7, s11;
	[sflag:s22] =	ssyncadd.s32 $0xFFFFFFB0  }
0x5d: {  	[tilespmem:s28], [sflag:$0x2] =	stream.linear.gather [hbm4b:s11+s9], $0x50, $0x38;
	[tilespmem:$0x1D900] =	vst v63  }
0x5e: {  	_ =	swait.ge [sflag:s22], $0x50  }
0x5f: {  	[sflag:s22] =	ssyncset.done $0x0  }
0x60: {  	[sflag:s22] =	ssyncadd.s32 $0xFFFFFFB0  }
0x61: {  	[tilespmem:s24], [sflag:$0x1] =	stream.indirect.gather [hbm4b:s1+s29], $0x80, s25, s29, $0xb8;
	[tilespmem:$0x1D900] =	vst v63  }
0x62: {  	v1 =	vld [tilespmem:$0x7680]  }
0x63: {  	v2 =	vld [tilespmem:$0x7700];
	_ =	sdelay $0x6  }
0x64: {  	v1 =	vld.idx.msk [tilespmem:v1+s9+$0x0], $0xffff  }
0x65: {  	v3 =	vld.idx.msk [tilespmem:v2+s23+$0x0], $0xffff;
	_ =	sdelay $0x1  }
0x66: {  	v4 =	vld [tilespmem:$0x7780];
	_ =	sdelay $0x2  }
0x67: {  	v1 =	vadd.f32 v3, v1;
	_ =	sdelay $0x1  }
0x68: {  	v1 =	vadd.f32 v4, v1;
	_ =	sdelay $0x1  }
0x69: {  	v3 =	vmul.f32 $2.000000030e-01, v1  }
0x6a: {  	vm0 =	vge.f32 v1, $0.0e+00  }
0x6b: {  	v1 =	vsel vm0, v1, v3  }
0x6c: {  	v1 =	vmul.f32 $1.442695020e+00, v1;
	_ =	sdelay $0x1  }
0x6d: {  	(erf) = vpow2.f32 v1;
	_ =	sdelay $0x8  }
0x6e: {  	v1 =	vpop (erf)  }
0x6f: {  	[tilespmem:$0x7800] =	vst v1  }
0x70: {  	[tilespmem:v2+s30+$0x0] =	vst.idx.add.f32.msk $0xffff, v1  }
0x71: {  	v1 =	vld [tilespmem:$0x7690]  }
0x72: {  	v2 =	vld [tilespmem:$0x7710];
	_ =	sdelay $0x6  }
0x73: {  	v1 =	vld.idx.msk [tilespmem:v1+s9+$0x0], $0xffff  }
0x74: {  	v3 =	vld.idx.msk [tilespmem:v2+s23+$0x0], $0xffff;
	_ =	sdelay $0x1  }
0x75: {  	v4 =	vld [tilespmem:$0x7790];
	_ =	sdelay $0x2  }
0x76: {  	v1 =	vadd.f32 v3, v1;
	_ =	sdelay $0x1  }
0x77: {  	v1 =	vadd.f32 v4, v1;
	_ =	sdelay $0x1  }
0x78: {  	v3 =	vmul.f32 $2.000000030e-01, v1  }
0x79: {  	vm12 =	vge.f32 v1, $0.0e+00  }
0x7a: {  	v1 =	vsel vm12, v1, v3  }
0x7b: {  	v1 =	vmul.f32 $1.442695020e+00, v1;
	_ =	sdelay $0x1  }
0x7c: {  	(erf) = vpow2.f32 v1;
	_ =	sdelay $0x8  }
0x7d: {  	v1 =	vpop (erf)  }
0x7e: {  	[tilespmem:$0x7810] =	vst v1  }
0x7f: {  	[tilespmem:v2+s30+$0x0] =	vst.idx.add.f32.msk $0xffff, v1  }
0x80: {  	v1 =	vld [tilespmem:$0x76A0]  }
0x81: {  	v2 =	vld [tilespmem:$0x7720];
	_ =	sdelay $0x6  }
0x82: {  	v1 =	vld.idx.msk [tilespmem:v1+s9+$0x0], $0xffff  }
0x83: {  	v3 =	vld.idx.msk [tilespmem:v2+s23+$0x0], $0xffff;
	_ =	sdelay $0x1  }
0x84: {  	v4 =	vld [tilespmem:$0x77A0];
	_ =	sdelay $0x2  }
0x85: {  	v1 =	vadd.f32 v3, v1;
	_ =	sdelay $0x1  }
0x86: {  	v1 =	vadd.f32 v4, v1;
	_ =	sdelay $0x1  }
0x87: {  	v3 =	vmul.f32 $2.000000030e-01, v1  }
0x88: {  	vm13 =	vge.f32 v1, $0.0e+00  }
0x89: {  	v1 =	vsel vm13, v1, v3  }
0x8a: {  	v1 =	vmul.f32 $1.442695020e+00, v1;
	_ =	sdelay $0x1  }
0x8b: {  	(erf) = vpow2.f32 v1;
	_ =	sdelay $0x8  }
0x8c: {  	v1 =	vpop (erf)  }
0x8d: {  	[tilespmem:$0x7820] =	vst v1  }
0x8e: {  	[tilespmem:v2+s30+$0x0] =	vst.idx.add.f32.msk $0xffff, v1  }
0x8f: {  	v1 =	vld [tilespmem:$0x76B0]  }
0x90: {  	v2 =	vld [tilespmem:$0x7730];
	_ =	sdelay $0x6  }
0x91: {  	v1 =	vld.idx.msk [tilespmem:v1+s9+$0x0], $0xffff  }
0x92: {  	v3 =	vld.idx.msk [tilespmem:v2+s23+$0x0], $0xffff;
	_ =	sdelay $0x1  }
0x93: {  	v4 =	vld [tilespmem:$0x77B0];
	_ =	sdelay $0x2  }
0x94: {  	v1 =	vadd.f32 v3, v1;
	_ =	sdelay $0x1  }
0x95: {  	v1 =	vadd.f32 v4, v1;
	_ =	sdelay $0x1  }
0x96: {  	v3 =	vmul.f32 $2.000000030e-01, v1  }
0x97: {  	vm14 =	vge.f32 v1, $0.0e+00  }
0x98: {  	v1 =	vsel vm14, v1, v3  }
0x99: {  	v1 =	vmul.f32 $1.442695020e+00, v1;
	_ =	sdelay $0x1  }
0x9a: {  	(erf) = vpow2.f32 v1;
	_ =	sdelay $0x8  }
0x9b: {  	v1 =	vpop (erf)  }
0x9c: {  	[tilespmem:$0x7830] =	vst v1  }
0x9d: {  	[tilespmem:v2+s30+$0x0] =	vst.idx.add.f32.msk $0xffff, v1  }
0x9e: {  	v1 =	vld [tilespmem:$0x76C0]  }
0x9f: {  	v2 =	vld [tilespmem:$0x7740];
	_ =	sdelay $0x6  }
0xa0: {  	v1 =	vld.idx.msk [tilespmem:v1+s9+$0x0], $0xffff  }
0xa1: {  	v3 =	vld.idx.msk [tilespmem:v2+s23+$0x0], $0xffff;
	_ =	sdelay $0x1  }
0xa2: {  	v4 =	vld [tilespmem:$0x77C0];
	_ =	sdelay $0x2  }
0xa3: {  	v1 =	vadd.f32 v3, v1;
	_ =	sdelay $0x1  }
0xa4: {  	v1 =	vadd.f32 v4, v1;
	_ =	sdelay $0x1  }
0xa5: {  	v3 =	vmul.f32 $2.000000030e-01, v1  }
0xa6: {  	vm15 =	vge.f32 v1, $0.0e+00  }
0xa7: {  	v1 =	vsel vm15, v1, v3  }
0xa8: {  	v1 =	vmul.f32 $1.442695020e+00, v1;
	_ =	sdelay $0x1  }
0xa9: {  	(erf) = vpow2.f32 v1;
	_ =	sdelay $0x8  }
0xaa: {  	v1 =	vpop (erf)  }
0xab: {  	[tilespmem:$0x7840] =	vst v1  }
0xac: {  	[tilespmem:v2+s30+$0x0] =	vst.idx.add.f32.msk $0xffff, v1  }
0xad: {  	_ =	swait.ge [sflag:s31], $0x2800  }
0xae: {  	v1 =	vmov s9;
	[sflag:s31] =	ssyncset.done $0x0  }
0xaf: {  	s11 =	simm.s32 $0x78C0;
	[sflag:s31] =	ssyncadd.s32 $0xFFFFD800  }
0xb0: {  	v5 =	vld [tilespmem:s11+$0x30]  }
0xb1: {  	v8 =	vld [tilespmem:s11+$0x10]  }
0xb2: {  	v6 =	vld [tilespmem:s11+$0xFFFFFFC0]  }
0xb3: {  	v2 =	vld.idx.msk [tilespmem:v1+s0+$0x0], $0xffff  }
0xb4: {  	v10 =	vld [tilespmem:s11+$0xFFFFFFE0]  }
0xb5: {  	v3 =	vld [tilespmem:s11+$0x20]  }
0xb6: {  	v4 =	vld [tilespmem:s11+$0xFFFFFFD0]  }
0xb7: {  	v1 =	vld [tilespmem:s11+$0xFFFFFFF0]  }
0xb8: {  	v9 =	vmul.f32 v5, v2;
	v5 =	vld [tilespmem:s11+$0x0]  }
0xb9: {  	v7 =	vmul.f32 v6, v2  }
0xba: {  	s14 =	simm.s32 $0x78C0;
	s12 =	simm.s32 $0x1;
	v6 =	vmul.f32 v10, v2;
	v8 =	vmul.f32 v8, v2  }
.LBB2_7:
0xbb: {  	p0 =	sne.s32 s12, $0x4F  }
0xbc: {  	v4 =	vmul.f32 v4, v2;
	v3 =	vmul.f32 v3, v2;
	[tilespmem:s11+$0x30] =	vst v9;
	s14 =	sadd.s32 $0x80, s14;
	s15 =	smov.u32 s12;
	s12 =	sadd.s32 $0x1, s12  }
0xbd: {  	[tilespmem:s11+$0xFFFFFFC0] =	vst v7;
	v7 =	vmul.f32 v1, v2;
	v2 =	vmul.f32 v5, v2  }
0xbe: {  	[tilespmem:s11+$0x10] =	vst v8  }
0xbf: {  	v5 =	vmov s15;
	[tilespmem:s11+$0xFFFFFFE0] =	vst v6  }
0xc0: {  	v1 =	vld [tilespmem:s14+$0xFFFFFFF0];
	[tilespmem:s11+$0xFFFFFFF0] =	vst v7  }
0xc1: {  	v6 =	vld [tilespmem:s14+$0x30];
	[tilespmem:s11+$0x0] =	vst v2  }
0xc2: {  	v8 =	vld [tilespmem:s14+$0x10];
	[tilespmem:s11+$0x20] =	vst v3  }
0xc3: {  	v7 =	vld [tilespmem:s14+$0xFFFFFFC0];
	[tilespmem:s11+$0xFFFFFFD0] =	vst v4;
	s11 =	smov.u32 s14  }
0xc4: {  	v2 =	vld.idx.msk [tilespmem:v5+s0+$0x0], $0xffff  }
0xc5: {  	v10 =	vld [tilespmem:s14+$0xFFFFFFE0]  }
0xc6: {  	v3 =	vld [tilespmem:s14+$0x20]  }
.Ltmp2:
0xc7: {  	v4 =	vld [tilespmem:s14+$0xFFFFFFD0];
	(pc) =	sbr.rel @p0 .LBB2_7-.Ltmp2, $3  }
0xc8: {  	v5 =	vld [tilespmem:s14+$0x0];
	_ =	sdelay $0x1  }
0xc9: {  	v7 =	vmul.f32 v7, v2;
	v9 =	vmul.f32 v6, v2  }
0xca: {  	v8 =	vmul.f32 v8, v2;
	v6 =	vmul.f32 v10, v2  }
0xcb: {  	[tilespmem:s11+$0x30] =	vst v9  }
0xcc: {  	[tilespmem:s11+$0xFFFFFFC0] =	vst v7  }
0xcd: {  	v1 =	vmul.f32 v1, v2;
	[tilespmem:s11+$0x10] =	vst v8  }
0xce: {  	v3 =	vmul.f32 v3, v2;
	[tilespmem:s11+$0xFFFFFFE0] =	vst v6  }
0xcf: {  	v5 =	vmul.f32 v5, v2;
	[tilespmem:s11+$0xFFFFFFF0] =	vst v1  }
0xd0: {  	s10 =	sadd.s32 $0x1, s10;
	v1 =	vmul.f32 v4, v2;
	[tilespmem:s11+$0x20] =	vst v3  }
0xd1: {  	p0 =	sne.s32 s10, $0x7D;
	[tilespmem:s11+$0x0] =	vst v5  }
.Ltmp3:
0xd2: {  	[tilespmem:s11+$0xFFFFFFD0] =	vst v1;
	(pc) =	sbr.rel @p0 .LBB2_6-.Ltmp3, $4  }
0xd3: {  	[spmem:s2] =	stream.indirect.scatter.add.f32 [tilespmem:s24], [sflag:$0x2], $0x80, s26, s29, $0xb8;
	[tilespmem:$0x1D900] =	vst v63  }
0xd4: {  	_ =	swait.ge [sflag:s22], $0x2800  }
0xd5: {  	[sflag:s22] =	ssyncset.done $0x0  }
0xd6: {  	[sflag:s22] =	ssyncadd.s32 $0xFFFFD800  }
0xd7: {  	[bflag:$0x0] =	sbarrier.arrive $0xFFFF  }
0xd8: {  	s9 =	rddreg [dreg:$0x6]  }
0xd9: {  	[hbm4b:s9+s4] =	stream.linear.scatter [tilespmem:s30], [sflag:$0x2], $0x2710, $0x38;
	[tilespmem:$0x1D900] =	vst v63  }
0xda: {  	s14 =	stileid.u32;
	_ =	swait.ge [sflag:s22], $0x2710  }
0xdb: {  	s10 =	sshrl.u32 s13, $0x3;
	s9 =	sshll.u32 s14, $0x6;
	[sflag:s22] =	ssyncset.done $0x0  }
0xdc: {  	s9 =	sor.u32 $0x1C02, s9;
	s11 =	rddreg [dreg:$0x7];
	[sflag:s22] =	ssyncadd.s32 $0xFFFFD8F0  }
0xdd: {  	[hbm:s11], [sflag:s9] =	dma.local [spmem:s10], $0x2800  }
0xde: {  	_ =	swait.ge [sflag:s22], $0x2800  }
0xdf: {  	s3 =	sadd.s32 $0x1, s3;
	s15 =	rddreg [dreg:$0x8]  }
0xe0: {  	p0 =	sne.s32 s3, s15  }
.Ltmp4:
0xe1: {  	_ = 	snop;
	(pc) =	sbr.rel @p0 .LBB2_1-.Ltmp4, $3  }
0xe2: {  	_ =	sdelay $0x1  }
0xe3: {  	[sflag:s22] =	ssyncset.done $0x0  }
0xe4: {  	[sflag:s22] =	ssyncadd.s32 $0xFFFFD800  }
0xe5: {  	_ =	sfence.sel $0x180000  }
0xe6: {  	[bflag:$0x0] =	sbarrier.arrive $0xFFFF  }
0xe7: {  	_ =	strace $0x90000047  }
0xe8: {  	s0 =	stileid.u32;
	[bflag:$0x2] =	sbarrier.arrive $0xFFFF  }
0xe9: {  	p0 =	sne.s32 s0, $0x0;
	s0 =	rddreg [dreg:$0x3]  }
0xea: {  	s0 =	sadd.s32 @!p0 $0x100000, s0  }
0xeb: {  	[sflag:s0] =	ssyncadd.tile.s32 @!p0 $0x1;
	_ =	shalt  }
.Lfunc_end2:
_tile_overlayer_lowered:
.L_overlay_start_2:
0xec: {  	(tag) =	ssettag $0x2  }
0xed: {  	s0 =	rddreg [dreg:$0x0];
	s2 =	stileid.u32  }
0xee: {  	s1 =	rddreg [dreg:$0x1];
	p0 =	sne.s32 s2, $0x0  }
0xef: {  	s3 =	rddreg [dreg:$0x2];
	[bflag:$0x3] =	sbarrier.arrive $0xFFFF;
	s2 =	simm.s32 @!p0 $0x1C02  }
0xf0: {  	[timem:s3], [sflag:s2] =	dma.local @!p0 [hbm:s0], s1  }
0xf1: {  	s0 =	simm.s32 @!p0 $0x2  }
0xf2: {  	_ =	swait.ge @!p0 [sflag:s0], s1  }
0xf3: {  	s1 =	ssub.s32 @!p0 $0x0, s1;
	[sflag:s0] =	ssyncset.done @!p0 $0x0  }
0xf4: {  	[sflag:s0] =	ssyncadd.s32 @!p0 s1  }
0xf5: {  	[bflag:$0x3] =	sbarrier.arrive $0xFFFF  }
0xf6: {  	_ =	shalt  }

// kernel: kernel.13.cloned.1.call-start
scs
__scs_entry_jumppad:
0x0: {  	(pc) =	sbr.rel $0x88, $3  }
0x1: {  	(tag) =	ssettag $0x0;
	lr =	simm.s32 $0x1  }
0x2: {  	[smem:$0x3F8C] =	sst lr;
	_ =	strace $0xD0000000  }
0x3: {  	_ = 	snop  }
0x4: {  	_ = 	snop  }
0x5: {  	_ = 	snop  }
0x6: {  	_ = 	snop  }
0x7: {  	_ = 	snop  }
__scs_overlays_trampoline_lowered:
0x8: {  	[smem:$0x3F9B] =	sst s0  }
0x9: {  	[smem:$0x3F9C] =	sst s1  }
0xa: {  	[smem:$0x3F9D] =	sst s2  }
0xb: {  	[smem:$0x3F9E] =	sst s3  }
0xc: {  	[smem:$0x3F9F] =	sst s4  }
0xd: {  	[smem:$0x3FA0] =	sst s5  }
0xe: {  	[smem:$0x3FA1] =	sst s6  }
0xf: {  	[smem:$0x3FA2] =	sst s7  }
0x10: {  	[smem:$0x3FA3] =	sst s8  }
0x11: {  	[smem:$0x3FA4] =	sst s9;
	s0 =	simm.s32 @!p0 $0x0  }
0x12: {  	s1 =	sld [smem:$0x3F8A];
	s0 =	simm.s32 @p0 $0x1  }
0x13: {  	[smem:$0x3FA5] =	sst s0;
	s0 =	simm.s32 @!p1 $0x0  }
0x14: {  	s2 =	sld [smem:$0x3F89];
	s0 =	simm.s32 @p1 $0x1  }
0x15: {  	[smem:$0x3FA6] =	sst s0;
	s0 =	simm.s32 @!p2 $0x0  }
0x16: {  	s3 =	sld [smem:$0x3FDB];
	s0 =	simm.s32 @p2 $0x1  }
0x17: {  	s4 =	simm.s32 $0x1BF5;
	[smem:$0x3FA8] =	sst s0  }
0x18: {  	s0 =	sld [smem:$0x3F8B];
	_ =	swait.ge [sflag:s4], $0x0  }
0x19: {  	s7 =	sld [smem:$0x3F8C]  }
0x1a: {  	s8 =	sadd.s32 $0xFFFFE003, lr  }
0x1b: {  	s9 =	sadd.s32 $0xFFFFFEF7, lr;
	s5 =	simm.s32 $0xFFFFFFFF;
	p2 =	slt.u32 s8, $0xFFFFF086  }
0x1c: {  	p1 =	slt.u32 s9, $0xF7A;
	s5 =	simm.s32 @!p2 $0x0  }
0x1d: {  	s5 =	simm.s32 @p1 $0x1;
	p0 =	seq.s32 s7, s2  }
0x1e: {  	s7 =	smul.u32 @!p0 $0xF7A, s2;
	p2 =	seq.s32 @!p0 s5, $0x0  }
0x1f: {  	s9 =	smul.u32 $0xF7A, s1;
	s8 =	simm.s32 @!p0 $0x1BF5;
	p2 =	por !p2, p0  }
0x20: {  	[sflag:s8] =	ssyncset.s32 @!p0 $0xFFFFF086;
	s6 =	sadd.s32 @!p0 s3, s7;
	s7 =	simm.s32 @!p0 $0x108  }
0x21: {  	s3 =	sadd.s32 s3, s9;
	s6 =	sadd.s32 @!p0 $0x88, s6;
	s7 =	simm.s32 @p2 $0x1082  }
0x22: {  	[simem:s7], [sflag:s8] =	dma.local @!p0 [hbm:s6], $0xF7A  }
0x23: {  	s9 =	sor.u32 $0xD0000000, s2;
	s6 =	simm.s32 $0x108;
	_ =	swait.ge @!p0 [sflag:s8], $0x0  }
0x24: {  	s3 =	sadd.s32 $0x88, s3;
	s6 =	simm.s32 @!p1 $0x1082;
	[sflag:s4] =	ssyncset.s32 $0xFFFFF086  }
0x25: {  	[simem:s6], [sflag:s4] =	dma.local [hbm:s3], $0xF7A  }
0x26: {  	[smem:$0x3F8C] =	sst s1;
	(tag) =	ssettag s2;
	_ =	strace s9  }
0x27: {  	s1 =	sld [smem:$0x3F9C]  }
0x28: {  	s2 =	sld [smem:$0x3F9D]  }
0x29: {  	s4 =	sld [smem:$0x3F9F]  }
0x2a: {  	p0 =	seq.s32 s5, $0x0;
	s5 =	sld [smem:$0x3FA0]  }
0x2b: {  	s6 =	sld [smem:$0x3FA1]  }
0x2c: {  	s7 =	sld [smem:$0x3FA2]  }
0x2d: {  	s3 =	simm.s32 $0x108;
	s8 =	sld [smem:$0x3FA3]  }
0x2e: {  	s3 =	simm.s32 @!p0 $0x1082;
	s9 =	sld [smem:$0x3FA4]  }
0x2f: {  	lr =	sadd.s32 s0, s3;
	s0 =	sld [smem:$0x3F9B]  }
0x30: {  	s3 =	sld [smem:$0x3F9E]  }
0x31: {  	[smem:$0x3FA7] =	sst s10  }
0x32: {  	s10 =	sld [smem:$0x3FA5];
	_ =	sdelay $0x3  }
0x33: {  	p0 =	seq.s32 s10, $0x1;
	s10 =	sld [smem:$0x3FA7];
	_ =	sdelay $0x3  }
0x34: {  	[smem:$0x3FA7] =	sst s10  }
0x35: {  	s10 =	sld [smem:$0x3FA6];
	_ =	sdelay $0x3  }
0x36: {  	p1 =	seq.s32 s10, $0x1;
	s10 =	sld [smem:$0x3FA7];
	_ =	sdelay $0x3  }
0x37: {  	[smem:$0x3FA7] =	sst s10  }
0x38: {  	s10 =	sld [smem:$0x3FA8]  }
0x39: {  	_ = 	snop;
	(pc) =	sbr.ind lr, $3  }
0x3a: {  	_ = 	snop  }
0x3b: {  	_ = 	snop  }
0x3c: {  	p2 =	seq.s32 s10, $0x1;
	s10 =	sld [smem:$0x3FA7]  }
0x3d: {  	_ =	shalt  }
0x3e: {  	_ =	shalt  }
0x3f: {  	_ =	shalt  }
0x40: {  	_ =	shalt  }
0x41: {  	_ =	shalt  }
0x42: {  	_ =	shalt  }
0x43: {  	_ =	shalt  }
0x44: {  	_ =	shalt  }
0x45: {  	_ =	shalt  }
0x46: {  	_ =	shalt  }
0x47: {  	_ =	shalt  }
0x48: {  	_ =	shalt  }
0x49: {  	_ =	shalt  }
0x4a: {  	_ =	shalt  }
0x4b: {  	_ =	shalt  }
0x4c: {  	_ =	shalt  }
0x4d: {  	_ =	shalt  }
0x4e: {  	_ =	shalt  }
0x4f: {  	_ =	shalt  }
0x50: {  	_ =	shalt  }
0x51: {  	_ =	shalt  }
0x52: {  	_ =	shalt  }
0x53: {  	_ =	shalt  }
0x54: {  	_ =	shalt  }
0x55: {  	_ =	shalt  }
0x56: {  	_ =	shalt  }
0x57: {  	_ =	shalt  }
0x58: {  	_ =	shalt  }
0x59: {  	_ =	shalt  }
0x5a: {  	_ =	shalt  }
0x5b: {  	_ =	shalt  }
0x5c: {  	_ =	shalt  }
0x5d: {  	_ =	shalt  }
0x5e: {  	_ =	shalt  }
0x5f: {  	_ =	shalt  }
0x60: {  	_ =	shalt  }
0x61: {  	_ =	shalt  }
0x62: {  	_ =	shalt  }
0x63: {  	_ =	shalt  }
0x64: {  	_ =	shalt  }
0x65: {  	_ =	shalt  }
0x66: {  	_ =	shalt  }
0x67: {  	_ =	shalt  }
0x68: {  	_ =	shalt  }
0x69: {  	_ =	shalt  }
0x6a: {  	_ =	shalt  }
0x6b: {  	_ =	shalt  }
0x6c: {  	_ =	shalt  }
0x6d: {  	_ =	shalt  }
0x6e: {  	_ =	shalt  }
0x6f: {  	_ =	shalt  }
0x70: {  	_ =	shalt  }
0x71: {  	_ =	shalt  }
0x72: {  	_ =	shalt  }
0x73: {  	_ =	shalt  }
0x74: {  	_ =	shalt  }
0x75: {  	_ =	shalt  }
0x76: {  	_ =	shalt  }
0x77: {  	_ =	shalt  }
0x78: {  	_ =	shalt  }
0x79: {  	_ =	shalt  }
0x7a: {  	_ =	shalt  }
0x7b: {  	_ =	shalt  }
0x7c: {  	_ =	shalt  }
0x7d: {  	_ =	shalt  }
0x7e: {  	_ =	shalt  }
0x7f: {  	_ =	shalt  }
0x80: {  	_ =	shalt  }
0x81: {  	_ =	shalt  }
0x82: {  	_ =	shalt  }
0x83: {  	_ =	shalt  }
0x84: {  	_ =	shalt  }
0x85: {  	_ =	shalt  }
0x86: {  	_ =	shalt  }
0x87: {  	_ =	shalt  }
.Lfunc_end0:
.L_simem_size_0:
called_computation.1_lowered:
.L_overlay_start_0:
0x88: {  	s2 =	sld [smem:$0x3FD9]  }
0x89: {  	s3 =	sld [smem:$0x3FFE];
	_ =	sdelay $0x1  }
0x8a: {  	s1 =	srdreg.scid  }
0x8b: {  	s0 =	sand.u32 $0x1, s1  }
0x8c: {  	s17 =	sshll.u32 s0, $0xA;
	s2 =	sadd.s32 s3, s2  }
0x8d: {  	s2 =	sadd.s32 s2, s17  }
0x8e: {  	[smem:$0x3FB3] =	sst s2  }
0x8f: {  	_ = 	snop  }
0x90: {  	s2 =	sld [smem:$0x3FD0];
	(tm) =	ssettm $0x1  }
0x91: {  	s18 =	sld [smem:$0x3FFB];
	_ =	sdelay $0x3  }
0x92: {  	_ =	strace s18  }
0x93: {  	s3 =	sld [smem:$0x3FFC];
	_ =	sdelay $0x3  }
0x94: {  	_ =	strace s3  }
0x95: {  	s3 =	sld [smem:$0x3FFD];
	_ =	sdelay $0x3  }
0x96: {  	_ =	strace s3  }
0x97: {  	_ =	strace $0x8FFFFFFF  }
0x98: {  	s19 =	sld [smem:$0x3FDB];
	_ =	sdelay $0x1  }
0x99: {  	s4 =	simm.s32 $_scs_section_size  }
0x9a: {  	s5 =	simm.s32 $_size__tile_overlayer_lowered;
	s6 =	simm.s32 $_tile_overlayer_lowered  }
0x9b: {  	s22 =	simm.s32 $0x1BFF;
	s21 =	sshll.u32 s6, $0x1;
	s3 =	sadd.s32 s4, s19  }
0x9c: {  	s7 =	simm.s32 $0x0;
	s20 =	sshll.u32 s5, $0x1;
	s5 =	sadd.s32 s21, s3  }
0x9d: {  	[timem:s7], [sflag:s22] =	dma.local [hbm:s5], s20  }
0x9e: {  	_ =	swait.ge [sflag:s22], s20  }
0x9f: {  	s4 =	ssub.s32 $0x0, s20;
	[sflag:s22] =	ssyncset.done $0x0  }
0xa0: {  	[sflag:s22] =	ssyncadd.s32 s4;
	_ =	sdelay $0x1  }
0xa1: {  	s23 =	simm.s32 $0x1B8B  }
0xa2: {  	_ =	swait.ge [sflag:s23], $0x1  }
0xa3: {  	[sflag:s23] =	ssyncset.done $0x0  }
0xa4: {  	s25 =	simm.s32 $0x1B8E;
	s24 =	sld [smem:$0x3FFE];
	[sflag:s23] =	ssyncadd.s32 $0xFFFFFFFF  }
0xa5: {  	s26 =	simm.s32 $execute0_lowered;
	[smem:$0x3FD2] =	sst s25  }
0xa6: {  	s5 =	sshll.u32 s26, $0x1;
	_ =	strace $0x80000049;
	[dreg:$0x1] =	wrdreg $0xFFFFFFFF  }
0xa7: {  	s28 =	simm.s32 $_size_execute0_lowered;
	s3 =	sadd.s32 s3, s5;
	[dreg:$0x0] =	wrdreg $0x0  }
0xa8: {  	s5 =	sshll.u32 s28, $0x1;
	[dreg:$0x2] =	wrdreg s3  }
0xa9: {  	[dreg:$0x3] =	wrdreg s5  }
0xaa: {  	[dreg:$0x4] =	wrdreg $0xC0  }
0xab: {  	_ =	task [dreg:s7], $0x5FFFF  }
0xac: {  	[dreg:$0x1] =	wrdreg $0xFFFFFFFF  }
0xad: {  	[dreg:$0x0] =	wrdreg $0x60  }
0xae: {  	[dreg:$0x2] =	wrdreg s24  }
0xaf: {  	[dreg:$0x3] =	wrdreg s2  }
0xb0: {  	[dreg:$0x4] =	wrdreg $0xA0800  }
0xb1: {  	[dreg:$0x5] =	wrdreg $0x9  }
0xb2: {  	_ =	task.clear_ibuf [dreg:s7], $0x6FFFF;
	_ =	strace $0x90000049  }
0xb3: {  	s29 =	simm.s32 $0x9;
	_ =	strace $0x8000004B  }
0xb4: {  	_ =	swait.ge [sflag:s29], $0x1  }
0xb5: {  	[sflag:s29] =	ssyncadd.s32 $0xFFFFFFFF  }
0xb6: {  	_ =	strace $0x9000004B  }
0xb7: {  	_ =	sfence  }
0xb8: {  	s30 =	sld [smem:$0x0];
	_ =	sdelay $0x2  }
0xb9: {  	s31 =	sshll.u32 s1, $0xD;
	s1 =	sshrl.u32 s1, $0x2  }
0xba: {  	s3 =	sand.u32 $0x4000, s31;
	s1 =	sadd.s32 s1, s30  }
0xbb: {  	s0 =	sor.u32 s3, s0;
	s1 =	sshll.u32 s1, $0x11  }
0xbc: {  	s0 =	sor.u32 s1, s0  }
0xbd: {  	s0 =	sadd.s32 $0x8F2B, s0  }
0xbe: {  	[sflag:s0] =	ssyncadd.remote.s32 $0x1  }
0xbf: {  	_ =	sfence.sel $0xFFFF  }
0xc0: {  	[dreg:$0x0] =	wrdreg $0xFFFFFFFF;
	(pc) =	sbr.abs _section_cstart, $3  }
0xc1: {  	[dreg:$0x1] =	wrdreg $0xFFFFFFFF  }
0xc2: {  	_ =	task.clear_ibuf [dreg:s7], $0x2FFFF;
	_ =	strace $0x9FFFFFFF  }
0xc3: {  	(tm) =	ssettm $0x7FFFFFFF  }
tec
execute0_lowered:
.L_overlay_start_1:
0x0: {  	(tag) =	ssettag $0x1  }
0x1: {  	s0 =	rddreg [dreg:$0x0]  }
0x2: {  	s1 =	rddreg [dreg:$0x1]  }
0x3: {  	s2 =	rddreg [dreg:$0x2]  }
0x4: {  	s4 =	simm.s32 $0x0;
	s3 =	srdreg.scid;
	s11 =	stileid.u32  }
0x5: {  	s28 =	simm.s32 $0x7780;
	s29 =	simm.s32 $0x50;
	s30 =	simm.s32 $0x4F00  }
0x6: {  	s31 =	simm.s32 $0x1;
	[smem:$0x7FF] =	sst s4;
	s3 =	sand.u32 $0x1, s3  }
0x7: {  	s9 =	smul.u32 $0x13800, s11;
	s5 =	sadd.s32 $0x66A00, s0;
	s6 =	sadd.s32 $0x5CC00, s0  }
0x8: {  	s20 =	sadd.s32 $0xBEC00, s0;
	s21 =	sadd.s32 $0xBF200, s0;
	s8 =	smul.u32 $0x138800, s3  }
0x9: {  	_ =	strace $0x8000004A;
	s7 =	sshll.u32 s3, $0x4;
	[dreg:$0x4] =	wrdreg s20  }
0xa: {  	[dreg:$0x5] =	wrdreg s21;
	s3 =	ssub.s32 $0x2, s3;
	s10 =	sor.u32 s11, s7  }
0xb: {  	s7 =	sadd.s32 $0xC8800, s0;
	s11 =	smul.u32 $0x4E000, s11;
	s23 =	sshrl.u32 s3, $0x1  }
0xc: {  	s9 =	sadd.s32 s9, s8;
	s8 =	smul.u32 $0x2710, s10;
	s3 =	ssub.s32 s3, s23  }
0xd: {  	s23 =	simm.s32 $0x2780;
	s9 =	sshrl.u32 s9, $0x3;
	s24 =	sshrl.u32 s11, $0x2  }
0xe: {  	s25 =	smax.u32 s3, $0x1;
	s3 =	simm.s32 $0x0;
	s22 =	sshrl.u32 s8, $0x3  }
0xf: {  	s9 =	sadd.s32 s9, s0;
	s13 =	sadd.s32 s24, s2;
	[dreg:$0x8] =	wrdreg s25  }
0x10: {  	s24 =	simm.s32 $0x7880;
	s25 =	simm.s32 $0x7680;
	s0 =	sadd.s32 s22, s0  }
0x11: {  	s9 =	sadd.s32 $0xDC00, s9;
	s26 =	sadd.s32 $0x2800, s13;
	s16 =	sadd.s32 $0x5000, s13  }
0x12: {  	s17 =	sadd.s32 $0x7800, s13;
	s18 =	sadd.s32 $0xA000, s13;
	s19 =	sadd.s32 $0xC800, s13  }
0x13: {  	s20 =	sadd.s32 $0xF000, s13;
	s21 =	sadd.s32 $0x11800, s13;
	[dreg:$0x7] =	wrdreg s9  }
0x14: {  	s22 =	simm.s32 $0x2;
	s0 =	sadd.s32 $0x3E00, s0;
	[dreg:$0x9] =	wrdreg s26  }
0x15: {  	v0 =	vimm.f32 $0.0e+00;
	s26 =	simm.s32 $0x7700;
	[dreg:$0x6] =	wrdreg s0;
	s0 =	simm.s32 $0x7800  }
.LBB2_1:
0x16: {  	s9 =	rddreg [dreg:$0x4]  }
0x17: {  	[tilespmem:s4], [sflag:$0x2] =	stream.linear.gather [hbm4b:s9+s4], $0x2780, $0x38;
	[tilespmem:$0x1D900] =	vst v63  }
0x18: {  	_ =	swait.ge [sflag:s22], $0x2780  }
0x19: {  	[sflag:s22] =	ssyncset.done $0x0  }
0x1a: {  	s15 =	rddreg [dreg:$0x5];
	[sflag:s22] =	ssyncadd.s32 $0xFFFFD880  }
0x1b: {  	[tilespmem:s23], [sflag:$0x2] =	stream.linear.gather [hbm4b:s15+s4], $0x2780, $0x38;
	[tilespmem:$0x1D900] =	vst v63  }
0x1c: {  	_ =	swait.ge [sflag:s22], $0x2780  }
0x1d: {  	[sflag:s22] =	ssyncset.done $0x0  }
0x1e: {  	s9 =	simm.s32 $0x0;
	[sflag:s22] =	ssyncadd.s32 $0xFFFFD880  }
.LBB2_2:
0x1f: {  	p0 =	sne.s32 s9, $0x9C00  }
.Ltmp0:
0x20: {  	_ = 	snop;
	(pc) =	sbr.rel @p0 .LBB2_2-.Ltmp0, $3  }
0x21: {  	_ =	sdelay $0x1  }
0x22: {  	s10 =	sshra.s32 s9, $0x2  }
0x23: {  	s9 =	sadd.s32 $0x40, s9;
	[tilespmem:s10+$0x4F00] =	vst v0  }
0x24: {  	s9 =	simm.s32 $0x0  }
0x25: {  	s10 =	sand.u32 $0xFE00, s9  }
0x26: {  	s11 =	sand.u32 $0x70, s9;
	s12 =	sshrl.u32 s10, $0x2  }
0x27: {  	s10 =	simm.s32 $0x40;
	s11 =	sor.u32 s11, s12  }
.LBB2_4:
0x28: {  	p0 =	sne.s32 s10, $0x9FC0  }
0x29: {  	[tilespmem:s11+$0x7880] =	vst v0;
	s9 =	sadd.s32 $0x10, s9;
	s11 =	smov.u32 s10;
	s10 =	sadd.s32 $0x40, s10  }
.Ltmp1:
0x2a: {  	(pc) =	sbr.rel @p0 .LBB2_4-.Ltmp1, $4  }
0x2b: {  	_ = 	snop  }
0x2c: {  	s11 =	sand.u32 $0xFE00, s11  }
0x2d: {  	s12 =	sand.u32 $0x70, s9;
	s11 =	sshrl.u32 s11, $0x2  }
0x2e: {  	s11 =	sor.u32 s12, s11  }
0x2f: {  	[tilespmem:s11+$0x7880] =	vst v0  }
0x30: {  	[spmem:s13] =	stream.linear.scatter [tilespmem:s24], [sflag:$0x2], $0x2800, $0x38;
	[tilespmem:$0x1D900] =	vst v63  }
0x31: {  	_ =	swait.ge [sflag:s22], $0x2800  }
0x32: {  	[sflag:s22] =	ssyncset.done $0x0  }
0x33: {  	s9 =	rddreg [dreg:$0x9];
	[sflag:s22] =	ssyncadd.s32 $0xFFFFD800  }
0x34: {  	[spmem:s9] =	stream.linear.scatter [tilespmem:s24], [sflag:$0x2], $0x2800, $0x38;
	[tilespmem:$0x1D900] =	vst v63  }
0x35: {  	_ =	swait.ge [sflag:s22], $0x2800  }
0x36: {  	[sflag:s22] =	ssyncset.done $0x0  }
0x37: {  	[sflag:s22] =	ssyncadd.s32 $0xFFFFD800  }
0x38: {  	[spmem:s16] =	stream.linear.scatter [tilespmem:s24], [sflag:$0x2], $0x2800, $0x38;
	[tilespmem:$0x1D900] =	vst v63  }
0x39: {  	_ =	swait.ge [sflag:s22], $0x2800  }
0x3a: {  	[sflag:s22] =	ssyncset.done $0x0  }
0x3b: {  	[sflag:s22] =	ssyncadd.s32 $0xFFFFD800  }
0x3c: {  	[spmem:s17] =	stream.linear.scatter [tilespmem:s24], [sflag:$0x2], $0x2800, $0x38;
	[tilespmem:$0x1D900] =	vst v63  }
0x3d: {  	_ =	swait.ge [sflag:s22], $0x2800  }
0x3e: {  	[sflag:s22] =	ssyncset.done $0x0  }
0x3f: {  	[sflag:s22] =	ssyncadd.s32 $0xFFFFD800  }
0x40: {  	[spmem:s18] =	stream.linear.scatter [tilespmem:s24], [sflag:$0x2], $0x2800, $0x38;
	[tilespmem:$0x1D900] =	vst v63  }
0x41: {  	_ =	swait.ge [sflag:s22], $0x2800  }
0x42: {  	[sflag:s22] =	ssyncset.done $0x0  }
0x43: {  	[sflag:s22] =	ssyncadd.s32 $0xFFFFD800  }
0x44: {  	[spmem:s19] =	stream.linear.scatter [tilespmem:s24], [sflag:$0x2], $0x2800, $0x38;
	[tilespmem:$0x1D900] =	vst v63  }
0x45: {  	_ =	swait.ge [sflag:s22], $0x2800  }
0x46: {  	[sflag:s22] =	ssyncset.done $0x0  }
0x47: {  	[sflag:s22] =	ssyncadd.s32 $0xFFFFD800  }
0x48: {  	[spmem:s20] =	stream.linear.scatter [tilespmem:s24], [sflag:$0x2], $0x2800, $0x38;
	[tilespmem:$0x1D900] =	vst v63  }
0x49: {  	_ =	swait.ge [sflag:s22], $0x2800  }
0x4a: {  	[sflag:s22] =	ssyncset.done $0x0  }
0x4b: {  	[sflag:s22] =	ssyncadd.s32 $0xFFFFD800  }
0x4c: {  	[spmem:s21] =	stream.linear.scatter [tilespmem:s24], [sflag:$0x2], $0x2800, $0x38;
	[tilespmem:$0x1D900] =	vst v63  }
0x4d: {  	_ =	swait.ge [sflag:s22], $0x2800  }
0x4e: {  	[sflag:s22] =	ssyncset.done $0x0  }
0x4f: {  	[sflag:s22] =	ssyncadd.s32 $0xFFFFD800  }
0x50: {  	s10 =	simm.s32 $0x0;
	s9 =	simm.s32 $0x0;
	[bflag:$0x0] =	sbarrier.arrive $0xFFFF  }
.LBB2_6:
0x51: {  	s11 =	smul.u32 $0x50, s10;
	_ =	sdelay $0x1  }
0x52: {  	s11 =	sadd.s32 s8, s11  }
0x53: {  	s11 =	sshrl.u32 s11, $0x3  }
0x54: {  	s12 =	sadd.s32 s5, s11  }
0x55: {  	[tilespmem:s25], [sflag:$0x2] =	stream.linear.gather [hbm4b:s12+s9], $0x50, $0x38;
	[tilespmem:$0x1D900] =	vst v63  }
0x56: {  	_ =	swait.ge [sflag:s22], $0x50  }
0x57: {  	[sflag:s22] =	ssyncset.done $0x0  }
0x58: {  	s15 =	sadd.s32 s6, s11;
	[sflag:s22] =	ssyncadd.s32 $0xFFFFFFB0  }
0x59: {  	[tilespmem:s26], [sflag:$0x2] =	stream.linear.gather [hbm4b:s15+s9], $0x50, $0x38;
	[tilespmem:$0x1D900] =	vst v63  }
0x5a: {  	_ =	swait.ge [sflag:s22], $0x50  }
0x5b: {  	[sflag:s22] =	ssyncset.done $0x0  }
0x5c: {  	s11 =	sadd.s32 s7, s11;
	[sflag:s22] =	ssyncadd.s32 $0xFFFFFFB0  }
0x5d: {  	[tilespmem:s28], [sflag:$0x2] =	stream.linear.gather [hbm4b:s11+s9], $0x50, $0x38;
	[tilespmem:$0x1D900] =	vst v63  }
0x5e: {  	_ =	swait.ge [sflag:s22], $0x50  }
0x5f: {  	[sflag:s22] =	ssyncset.done $0x0  }
0x60: {  	[sflag:s22] =	ssyncadd.s32 $0xFFFFFFB0  }
0x61: {  	[tilespmem:s24], [sflag:$0x1] =	stream.indirect.gather [hbm4b:s1+s29], $0x80, s25, s29, $0xb8;
	[tilespmem:$0x1D900] =	vst v63  }
0x62: {  	v1 =	vld [tilespmem:$0x7680]  }
0x63: {  	v2 =	vld [tilespmem:$0x7700];
	_ =	sdelay $0x6  }
0x64: {  	v1 =	vld.idx.msk [tilespmem:v1+s9+$0x0], $0xffff  }
0x65: {  	v3 =	vld.idx.msk [tilespmem:v2+s23+$0x0], $0xffff;
	_ =	sdelay $0x1  }
0x66: {  	v4 =	vld [tilespmem:$0x7780];
	_ =	sdelay $0x2  }
0x67: {  	v1 =	vadd.f32 v3, v1;
	_ =	sdelay $0x1  }
0x68: {  	v1 =	vadd.f32 v4, v1;
	_ =	sdelay $0x1  }
0x69: {  	v3 =	vmul.f32 $2.000000030e-01, v1  }
0x6a: {  	vm0 =	vge.f32 v1, $0.0e+00  }
0x6b: {  	v1 =	vsel vm0, v1, v3  }
0x6c: {  	v1 =	vmul.f32 $1.442695020e+00, v1;
	_ =	sdelay $0x1  }
0x6d: {  	(erf) = vpow2.f32 v1;
	_ =	sdelay $0x8  }
0x6e: {  	v1 =	vpop (erf)  }
0x6f: {  	[tilespmem:$0x7800] =	vst v1  }
0x70: {  	[tilespmem:v2+s30+$0x0] =	vst.idx.add.f32.msk $0xffff, v1  }
0x71: {  	v1 =	vld [tilespmem:$0x7690]  }
0x72: {  	v2 =	vld [tilespmem:$0x7710];
	_ =	sdelay $0x6  }
0x73: {  	v1 =	vld.idx.msk [tilespmem:v1+s9+$0x0], $0xffff  }
0x74: {  	v3 =	vld.idx.msk [tilespmem:v2+s23+$0x0], $0xffff;
	_ =	sdelay $0x1  }
0x75: {  	v4 =	vld [tilespmem:$0x7790];
	_ =	sdelay $0x2  }
0x76: {  	v1 =	vadd.f32 v3, v1;
	_ =	sdelay $0x1  }
0x77: {  	v1 =	vadd.f32 v4, v1;
	_ =	sdelay $0x1  }
0x78: {  	v3 =	vmul.f32 $2.000000030e-01, v1  }
0x79: {  	vm12 =	vge.f32 v1, $0.0e+00  }
0x7a: {  	v1 =	vsel vm12, v1, v3  }
0x7b: {  	v1 =	vmul.f32 $1.442695020e+00, v1;
	_ =	sdelay $0x1  }
0x7c: {  	(erf) = vpow2.f32 v1;
	_ =	sdelay $0x8  }
0x7d: {  	v1 =	vpop (erf)  }
0x7e: {  	[tilespmem:$0x7810] =	vst v1  }
0x7f: {  	[tilespmem:v2+s30+$0x0] =	vst.idx.add.f32.msk $0xffff, v1  }
0x80: {  	v1 =	vld [tilespmem:$0x76A0]  }
0x81: {  	v2 =	vld [tilespmem:$0x7720];
	_ =	sdelay $0x6  }
0x82: {  	v1 =	vld.idx.msk [tilespmem:v1+s9+$0x0], $0xffff  }
0x83: {  	v3 =	vld.idx.msk [tilespmem:v2+s23+$0x0], $0xffff;
	_ =	sdelay $0x1  }
0x84: {  	v4 =	vld [tilespmem:$0x77A0];
	_ =	sdelay $0x2  }
0x85: {  	v1 =	vadd.f32 v3, v1;
	_ =	sdelay $0x1  }
0x86: {  	v1 =	vadd.f32 v4, v1;
	_ =	sdelay $0x1  }
0x87: {  	v3 =	vmul.f32 $2.000000030e-01, v1  }
0x88: {  	vm13 =	vge.f32 v1, $0.0e+00  }
0x89: {  	v1 =	vsel vm13, v1, v3  }
0x8a: {  	v1 =	vmul.f32 $1.442695020e+00, v1;
	_ =	sdelay $0x1  }
0x8b: {  	(erf) = vpow2.f32 v1;
	_ =	sdelay $0x8  }
0x8c: {  	v1 =	vpop (erf)  }
0x8d: {  	[tilespmem:$0x7820] =	vst v1  }
0x8e: {  	[tilespmem:v2+s30+$0x0] =	vst.idx.add.f32.msk $0xffff, v1  }
0x8f: {  	v1 =	vld [tilespmem:$0x76B0]  }
0x90: {  	v2 =	vld [tilespmem:$0x7730];
	_ =	sdelay $0x6  }
0x91: {  	v1 =	vld.idx.msk [tilespmem:v1+s9+$0x0], $0xffff  }
0x92: {  	v3 =	vld.idx.msk [tilespmem:v2+s23+$0x0], $0xffff;
	_ =	sdelay $0x1  }
0x93: {  	v4 =	vld [tilespmem:$0x77B0];
	_ =	sdelay $0x2  }
0x94: {  	v1 =	vadd.f32 v3, v1;
	_ =	sdelay $0x1  }
0x95: {  	v1 =	vadd.f32 v4, v1;
	_ =	sdelay $0x1  }
0x96: {  	v3 =	vmul.f32 $2.000000030e-01, v1  }
0x97: {  	vm14 =	vge.f32 v1, $0.0e+00  }
0x98: {  	v1 =	vsel vm14, v1, v3  }
0x99: {  	v1 =	vmul.f32 $1.442695020e+00, v1;
	_ =	sdelay $0x1  }
0x9a: {  	(erf) = vpow2.f32 v1;
	_ =	sdelay $0x8  }
0x9b: {  	v1 =	vpop (erf)  }
0x9c: {  	[tilespmem:$0x7830] =	vst v1  }
0x9d: {  	[tilespmem:v2+s30+$0x0] =	vst.idx.add.f32.msk $0xffff, v1  }
0x9e: {  	v1 =	vld [tilespmem:$0x76C0]  }
0x9f: {  	v2 =	vld [tilespmem:$0x7740];
	_ =	sdelay $0x6  }
0xa0: {  	v1 =	vld.idx.msk [tilespmem:v1+s9+$0x0], $0xffff  }
0xa1: {  	v3 =	vld.idx.msk [tilespmem:v2+s23+$0x0], $0xffff;
	_ =	sdelay $0x1  }
0xa2: {  	v4 =	vld [tilespmem:$0x77C0];
	_ =	sdelay $0x2  }
0xa3: {  	v1 =	vadd.f32 v3, v1;
	_ =	sdelay $0x1  }
0xa4: {  	v1 =	vadd.f32 v4, v1;
	_ =	sdelay $0x1  }
0xa5: {  	v3 =	vmul.f32 $2.000000030e-01, v1  }
0xa6: {  	vm15 =	vge.f32 v1, $0.0e+00  }
0xa7: {  	v1 =	vsel vm15, v1, v3  }
0xa8: {  	v1 =	vmul.f32 $1.442695020e+00, v1;
	_ =	sdelay $0x1  }
0xa9: {  	(erf) = vpow2.f32 v1;
	_ =	sdelay $0x8  }
0xaa: {  	v1 =	vpop (erf)  }
0xab: {  	[tilespmem:$0x7840] =	vst v1  }
0xac: {  	[tilespmem:v2+s30+$0x0] =	vst.idx.add.f32.msk $0xffff, v1  }
0xad: {  	_ =	swait.ge [sflag:s31], $0x2800  }
0xae: {  	v1 =	vmov s9;
	[sflag:s31] =	ssyncset.done $0x0  }
0xaf: {  	s11 =	simm.s32 $0x78C0;
	[sflag:s31] =	ssyncadd.s32 $0xFFFFD800  }
0xb0: {  	v5 =	vld [tilespmem:s11+$0x30]  }
0xb1: {  	v8 =	vld [tilespmem:s11+$0x10]  }
0xb2: {  	v6 =	vld [tilespmem:s11+$0xFFFFFFC0]  }
0xb3: {  	v2 =	vld.idx.msk [tilespmem:v1+s0+$0x0], $0xffff  }
0xb4: {  	v10 =	vld [tilespmem:s11+$0xFFFFFFE0]  }
0xb5: {  	v3 =	vld [tilespmem:s11+$0x20]  }
0xb6: {  	v4 =	vld [tilespmem:s11+$0xFFFFFFD0]  }
0xb7: {  	v1 =	vld [tilespmem:s11+$0xFFFFFFF0]  }
0xb8: {  	v9 =	vmul.f32 v5, v2;
	v5 =	vld [tilespmem:s11+$0x0]  }
0xb9: {  	v7 =	vmul.f32 v6, v2  }
0xba: {  	s14 =	simm.s32 $0x78C0;
	s12 =	simm.s32 $0x1;
	v6 =	vmul.f32 v10, v2;
	v8 =	vmul.f32 v8, v2  }
.LBB2_7:
0xbb: {  	p0 =	sne.s32 s12, $0x4F  }
0xbc: {  	v4 =	vmul.f32 v4, v2;
	v3 =	vmul.f32 v3, v2;
	[tilespmem:s11+$0x30] =	vst v9;
	s14 =	sadd.s32 $0x80, s14;
	s15 =	smov.u32 s12;
	s12 =	sadd.s32 $0x1, s12  }
0xbd: {  	[tilespmem:s11+$0xFFFFFFC0] =	vst v7;
	v7 =	vmul.f32 v1, v2;
	v2 =	vmul.f32 v5, v2  }
0xbe: {  	[tilespmem:s11+$0x10] =	vst v8  }
0xbf: {  	v5 =	vmov s15;
	[tilespmem:s11+$0xFFFFFFE0] =	vst v6  }
0xc0: {  	v1 =	vld [tilespmem:s14+$0xFFFFFFF0];
	[tilespmem:s11+$0xFFFFFFF0] =	vst v7  }
0xc1: {  	v6 =	vld [tilespmem:s14+$0x30];
	[tilespmem:s11+$0x0] =	vst v2  }
0xc2: {  	v8 =	vld [tilespmem:s14+$0x10];
	[tilespmem:s11+$0x20] =	vst v3  }
0xc3: {  	v7 =	vld [tilespmem:s14+$0xFFFFFFC0];
	[tilespmem:s11+$0xFFFFFFD0] =	vst v4;
	s11 =	smov.u32 s14  }
0xc4: {  	v2 =	vld.idx.msk [tilespmem:v5+s0+$0x0], $0xffff  }
0xc5: {  	v10 =	vld [tilespmem:s14+$0xFFFFFFE0]  }
0xc6: {  	v3 =	vld [tilespmem:s14+$0x20]  }
.Ltmp2:
0xc7: {  	v4 =	vld [tilespmem:s14+$0xFFFFFFD0];
	(pc) =	sbr.rel @p0 .LBB2_7-.Ltmp2, $3  }
0xc8: {  	v5 =	vld [tilespmem:s14+$0x0];
	_ =	sdelay $0x1  }
0xc9: {  	v7 =	vmul.f32 v7, v2;
	v9 =	vmul.f32 v6, v2  }
0xca: {  	v8 =	vmul.f32 v8, v2;
	v6 =	vmul.f32 v10, v2  }
0xcb: {  	[tilespmem:s11+$0x30] =	vst v9  }
0xcc: {  	[tilespmem:s11+$0xFFFFFFC0] =	vst v7  }
0xcd: {  	v1 =	vmul.f32 v1, v2;
	[tilespmem:s11+$0x10] =	vst v8  }
0xce: {  	v3 =	vmul.f32 v3, v2;
	[tilespmem:s11+$0xFFFFFFE0] =	vst v6  }
0xcf: {  	v5 =	vmul.f32 v5, v2;
	[tilespmem:s11+$0xFFFFFFF0] =	vst v1  }
0xd0: {  	s10 =	sadd.s32 $0x1, s10;
	v1 =	vmul.f32 v4, v2;
	[tilespmem:s11+$0x20] =	vst v3  }
0xd1: {  	p0 =	sne.s32 s10, $0x7D;
	[tilespmem:s11+$0x0] =	vst v5  }
.Ltmp3:
0xd2: {  	[tilespmem:s11+$0xFFFFFFD0] =	vst v1;
	(pc) =	sbr.rel @p0 .LBB2_6-.Ltmp3, $4  }
0xd3: {  	[spmem:s2] =	stream.indirect.scatter.add.f32 [tilespmem:s24], [sflag:$0x2], $0x80, s26, s29, $0xb8;
	[tilespmem:$0x1D900] =	vst v63  }
0xd4: {  	_ =	swait.ge [sflag:s22], $0x2800  }
0xd5: {  	[sflag:s22] =	ssyncset.done $0x0  }
0xd6: {  	[sflag:s22] =	ssyncadd.s32 $0xFFFFD800  }
0xd7: {  	[bflag:$0x0] =	sbarrier.arrive $0xFFFF  }
0xd8: {  	s9 =	rddreg [dreg:$0x6]  }
0xd9: {  	[hbm4b:s9+s4] =	stream.linear.scatter [tilespmem:s30], [sflag:$0x2], $0x2710, $0x38;
	[tilespmem:$0x1D900] =	vst v63  }
0xda: {  	s14 =	stileid.u32;
	_ =	swait.ge [sflag:s22], $0x2710  }
0xdb: {  	s10 =	sshrl.u32 s13, $0x3;
	s9 =	sshll.u32 s14, $0x6;
	[sflag:s22] =	ssyncset.done $0x0  }
0xdc: {  	s9 =	sor.u32 $0x1C02, s9;
	s11 =	rddreg [dreg:$0x7];
	[sflag:s22] =	ssyncadd.s32 $0xFFFFD8F0  }
0xdd: {  	[hbm:s11], [sflag:s9] =	dma.local [spmem:s10], $0x2800  }
0xde: {  	_ =	swait.ge [sflag:s22], $0x2800  }
0xdf: {  	s3 =	sadd.s32 $0x1, s3;
	s15 =	rddreg [dreg:$0x8]  }
0xe0: {  	p0 =	sne.s32 s3, s15  }
.Ltmp4:
0xe1: {  	_ = 	snop;
	(pc) =	sbr.rel @p0 .LBB2_1-.Ltmp4, $3  }
0xe2: {  	_ =	sdelay $0x1  }
0xe3: {  	[sflag:s22] =	ssyncset.done $0x0  }
0xe4: {  	[sflag:s22] =	ssyncadd.s32 $0xFFFFD800  }
0xe5: {  	_ =	sfence.sel $0x180000  }
0xe6: {  	[bflag:$0x0] =	sbarrier.arrive $0xFFFF  }
0xe7: {  	_ =	strace $0x9000004A  }
0xe8: {  	s0 =	stileid.u32;
	[bflag:$0x2] =	sbarrier.arrive $0xFFFF  }
0xe9: {  	p0 =	sne.s32 s0, $0x0;
	s0 =	rddreg [dreg:$0x3]  }
0xea: {  	s0 =	sadd.s32 @!p0 $0x100000, s0  }
0xeb: {  	[sflag:s0] =	ssyncadd.tile.s32 @!p0 $0x1;
	_ =	shalt  }
.Lfunc_end2:
_tile_overlayer_lowered:
.L_overlay_start_2:
0xec: {  	(tag) =	ssettag $0x2  }
0xed: {  	s0 =	rddreg [dreg:$0x0];
	s2 =	stileid.u32  }
0xee: {  	s1 =	rddreg [dreg:$0x1];
	p0 =	sne.s32 s2, $0x0  }
0xef: {  	s3 =	rddreg [dreg:$0x2];
	[bflag:$0x3] =	sbarrier.arrive $0xFFFF;
	s2 =	simm.s32 @!p0 $0x1C02  }
0xf0: {  	[timem:s3], [sflag:s2] =	dma.local @!p0 [hbm:s0], s1  }
0xf1: {  	s0 =	simm.s32 @!p0 $0x2  }
0xf2: {  	_ =	swait.ge @!p0 [sflag:s0], s1  }
0xf3: {  	s1 =	ssub.s32 @!p0 $0x0, s1;
	[sflag:s0] =	ssyncset.done @!p0 $0x0  }
0xf4: {  	[sflag:s0] =	ssyncadd.s32 @!p0 s1  }
0xf5: {  	[bflag:$0x3] =	sbarrier.arrive $0xFFFF  }
0xf6: {  	_ =	shalt  }

// kernel: kernel.16.cloned.1.call-start
scs
__scs_entry_jumppad:
0x0: {  	(pc) =	sbr.rel $0x88, $3  }
0x1: {  	(tag) =	ssettag $0x0;
	lr =	simm.s32 $0x1  }
0x2: {  	[smem:$0x3F8C] =	sst lr;
	_ =	strace $0xD0000000  }
0x3: {  	_ = 	snop  }
0x4: {  	_ = 	snop  }
0x5: {  	_ = 	snop  }
0x6: {  	_ = 	snop  }
0x7: {  	_ = 	snop  }
__scs_overlays_trampoline_lowered:
0x8: {  	[smem:$0x3F9B] =	sst s0  }
0x9: {  	[smem:$0x3F9C] =	sst s1  }
0xa: {  	[smem:$0x3F9D] =	sst s2  }
0xb: {  	[smem:$0x3F9E] =	sst s3  }
0xc: {  	[smem:$0x3F9F] =	sst s4  }
0xd: {  	[smem:$0x3FA0] =	sst s5  }
0xe: {  	[smem:$0x3FA1] =	sst s6  }
0xf: {  	[smem:$0x3FA2] =	sst s7  }
0x10: {  	[smem:$0x3FA3] =	sst s8  }
0x11: {  	[smem:$0x3FA4] =	sst s9;
	s0 =	simm.s32 @!p0 $0x0  }
0x12: {  	s1 =	sld [smem:$0x3F8A];
	s0 =	simm.s32 @p0 $0x1  }
0x13: {  	[smem:$0x3FA5] =	sst s0;
	s0 =	simm.s32 @!p1 $0x0  }
0x14: {  	s2 =	sld [smem:$0x3F89];
	s0 =	simm.s32 @p1 $0x1  }
0x15: {  	[smem:$0x3FA6] =	sst s0;
	s0 =	simm.s32 @!p2 $0x0  }
0x16: {  	s3 =	sld [smem:$0x3FDB];
	s0 =	simm.s32 @p2 $0x1  }
0x17: {  	s4 =	simm.s32 $0x1BF5;
	[smem:$0x3FA8] =	sst s0  }
0x18: {  	s0 =	sld [smem:$0x3F8B];
	_ =	swait.ge [sflag:s4], $0x0  }
0x19: {  	s7 =	sld [smem:$0x3F8C]  }
0x1a: {  	s8 =	sadd.s32 $0xFFFFE003, lr  }
0x1b: {  	s9 =	sadd.s32 $0xFFFFFEF7, lr;
	s5 =	simm.s32 $0xFFFFFFFF;
	p2 =	slt.u32 s8, $0xFFFFF086  }
0x1c: {  	p1 =	slt.u32 s9, $0xF7A;
	s5 =	simm.s32 @!p2 $0x0  }
0x1d: {  	s5 =	simm.s32 @p1 $0x1;
	p0 =	seq.s32 s7, s2  }
0x1e: {  	s7 =	smul.u32 @!p0 $0xF7A, s2;
	p2 =	seq.s32 @!p0 s5, $0x0  }
0x1f: {  	s9 =	smul.u32 $0xF7A, s1;
	s8 =	simm.s32 @!p0 $0x1BF5;
	p2 =	por !p2, p0  }
0x20: {  	[sflag:s8] =	ssyncset.s32 @!p0 $0xFFFFF086;
	s6 =	sadd.s32 @!p0 s3, s7;
	s7 =	simm.s32 @!p0 $0x108  }
0x21: {  	s3 =	sadd.s32 s3, s9;
	s6 =	sadd.s32 @!p0 $0x88, s6;
	s7 =	simm.s32 @p2 $0x1082  }
0x22: {  	[simem:s7], [sflag:s8] =	dma.local @!p0 [hbm:s6], $0xF7A  }
0x23: {  	s9 =	sor.u32 $0xD0000000, s2;
	s6 =	simm.s32 $0x108;
	_ =	swait.ge @!p0 [sflag:s8], $0x0  }
0x24: {  	s3 =	sadd.s32 $0x88, s3;
	s6 =	simm.s32 @!p1 $0x1082;
	[sflag:s4] =	ssyncset.s32 $0xFFFFF086  }
0x25: {  	[simem:s6], [sflag:s4] =	dma.local [hbm:s3], $0xF7A  }
0x26: {  	[smem:$0x3F8C] =	sst s1;
	(tag) =	ssettag s2;
	_ =	strace s9  }
0x27: {  	s1 =	sld [smem:$0x3F9C]  }
0x28: {  	s2 =	sld [smem:$0x3F9D]  }
0x29: {  	s4 =	sld [smem:$0x3F9F]  }
0x2a: {  	p0 =	seq.s32 s5, $0x0;
	s5 =	sld [smem:$0x3FA0]  }
0x2b: {  	s6 =	sld [smem:$0x3FA1]  }
0x2c: {  	s7 =	sld [smem:$0x3FA2]  }
0x2d: {  	s3 =	simm.s32 $0x108;
	s8 =	sld [smem:$0x3FA3]  }
0x2e: {  	s3 =	simm.s32 @!p0 $0x1082;
	s9 =	sld [smem:$0x3FA4]  }
0x2f: {  	lr =	sadd.s32 s0, s3;
	s0 =	sld [smem:$0x3F9B]  }
0x30: {  	s3 =	sld [smem:$0x3F9E]  }
0x31: {  	[smem:$0x3FA7] =	sst s10  }
0x32: {  	s10 =	sld [smem:$0x3FA5];
	_ =	sdelay $0x3  }
0x33: {  	p0 =	seq.s32 s10, $0x1;
	s10 =	sld [smem:$0x3FA7];
	_ =	sdelay $0x3  }
0x34: {  	[smem:$0x3FA7] =	sst s10  }
0x35: {  	s10 =	sld [smem:$0x3FA6];
	_ =	sdelay $0x3  }
0x36: {  	p1 =	seq.s32 s10, $0x1;
	s10 =	sld [smem:$0x3FA7];
	_ =	sdelay $0x3  }
0x37: {  	[smem:$0x3FA7] =	sst s10  }
0x38: {  	s10 =	sld [smem:$0x3FA8]  }
0x39: {  	_ = 	snop;
	(pc) =	sbr.ind lr, $3  }
0x3a: {  	_ = 	snop  }
0x3b: {  	_ = 	snop  }
0x3c: {  	p2 =	seq.s32 s10, $0x1;
	s10 =	sld [smem:$0x3FA7]  }
0x3d: {  	_ =	shalt  }
0x3e: {  	_ =	shalt  }
0x3f: {  	_ =	shalt  }
0x40: {  	_ =	shalt  }
0x41: {  	_ =	shalt  }
0x42: {  	_ =	shalt  }
0x43: {  	_ =	shalt  }
0x44: {  	_ =	shalt  }
0x45: {  	_ =	shalt  }
0x46: {  	_ =	shalt  }
0x47: {  	_ =	shalt  }
0x48: {  	_ =	shalt  }
0x49: {  	_ =	shalt  }
0x4a: {  	_ =	shalt  }
0x4b: {  	_ =	shalt  }
0x4c: {  	_ =	shalt  }
0x4d: {  	_ =	shalt  }
0x4e: {  	_ =	shalt  }
0x4f: {  	_ =	shalt  }
0x50: {  	_ =	shalt  }
0x51: {  	_ =	shalt  }
0x52: {  	_ =	shalt  }
0x53: {  	_ =	shalt  }
0x54: {  	_ =	shalt  }
0x55: {  	_ =	shalt  }
0x56: {  	_ =	shalt  }
0x57: {  	_ =	shalt  }
0x58: {  	_ =	shalt  }
0x59: {  	_ =	shalt  }
0x5a: {  	_ =	shalt  }
0x5b: {  	_ =	shalt  }
0x5c: {  	_ =	shalt  }
0x5d: {  	_ =	shalt  }
0x5e: {  	_ =	shalt  }
0x5f: {  	_ =	shalt  }
0x60: {  	_ =	shalt  }
0x61: {  	_ =	shalt  }
0x62: {  	_ =	shalt  }
0x63: {  	_ =	shalt  }
0x64: {  	_ =	shalt  }
0x65: {  	_ =	shalt  }
0x66: {  	_ =	shalt  }
0x67: {  	_ =	shalt  }
0x68: {  	_ =	shalt  }
0x69: {  	_ =	shalt  }
0x6a: {  	_ =	shalt  }
0x6b: {  	_ =	shalt  }
0x6c: {  	_ =	shalt  }
0x6d: {  	_ =	shalt  }
0x6e: {  	_ =	shalt  }
0x6f: {  	_ =	shalt  }
0x70: {  	_ =	shalt  }
0x71: {  	_ =	shalt  }
0x72: {  	_ =	shalt  }
0x73: {  	_ =	shalt  }
0x74: {  	_ =	shalt  }
0x75: {  	_ =	shalt  }
0x76: {  	_ =	shalt  }
0x77: {  	_ =	shalt  }
0x78: {  	_ =	shalt  }
0x79: {  	_ =	shalt  }
0x7a: {  	_ =	shalt  }
0x7b: {  	_ =	shalt  }
0x7c: {  	_ =	shalt  }
0x7d: {  	_ =	shalt  }
0x7e: {  	_ =	shalt  }
0x7f: {  	_ =	shalt  }
0x80: {  	_ =	shalt  }
0x81: {  	_ =	shalt  }
0x82: {  	_ =	shalt  }
0x83: {  	_ =	shalt  }
0x84: {  	_ =	shalt  }
0x85: {  	_ =	shalt  }
0x86: {  	_ =	shalt  }
0x87: {  	_ =	shalt  }
.Lfunc_end0:
.L_simem_size_0:
called_computation.2_lowered:
.L_overlay_start_0:
0x88: {  	s2 =	sld [smem:$0x3FD9]  }
0x89: {  	s3 =	sld [smem:$0x3FFE];
	_ =	sdelay $0x1  }
0x8a: {  	s1 =	srdreg.scid  }
0x8b: {  	s0 =	sand.u32 $0x1, s1  }
0x8c: {  	s17 =	sshll.u32 s0, $0xA;
	s2 =	sadd.s32 s3, s2  }
0x8d: {  	s2 =	sadd.s32 s2, s17  }
0x8e: {  	[smem:$0x3FB3] =	sst s2  }
0x8f: {  	_ = 	snop  }
0x90: {  	s2 =	sld [smem:$0x3FD0];
	(tm) =	ssettm $0x1  }
0x91: {  	s18 =	sld [smem:$0x3FFB];
	_ =	sdelay $0x3  }
0x92: {  	_ =	strace s18  }
0x93: {  	s3 =	sld [smem:$0x3FFC];
	_ =	sdelay $0x3  }
0x94: {  	_ =	strace s3  }
0x95: {  	s3 =	sld [smem:$0x3FFD];
	_ =	sdelay $0x3  }
0x96: {  	_ =	strace s3  }
0x97: {  	_ =	strace $0x8FFFFFFF  }
0x98: {  	s19 =	sld [smem:$0x3FDB];
	_ =	sdelay $0x1  }
0x99: {  	s4 =	simm.s32 $_scs_section_size  }
0x9a: {  	s5 =	simm.s32 $_size__tile_overlayer_lowered;
	s6 =	simm.s32 $_tile_overlayer_lowered  }
0x9b: {  	s22 =	simm.s32 $0x1BFF;
	s21 =	sshll.u32 s6, $0x1;
	s3 =	sadd.s32 s4, s19  }
0x9c: {  	s7 =	simm.s32 $0x0;
	s20 =	sshll.u32 s5, $0x1;
	s5 =	sadd.s32 s21, s3  }
0x9d: {  	[timem:s7], [sflag:s22] =	dma.local [hbm:s5], s20  }
0x9e: {  	_ =	swait.ge [sflag:s22], s20  }
0x9f: {  	s4 =	ssub.s32 $0x0, s20;
	[sflag:s22] =	ssyncset.done $0x0  }
0xa0: {  	[sflag:s22] =	ssyncadd.s32 s4;
	_ =	sdelay $0x1  }
0xa1: {  	s23 =	simm.s32 $0x1B8B  }
0xa2: {  	_ =	swait.ge [sflag:s23], $0x1  }
0xa3: {  	[sflag:s23] =	ssyncset.done $0x0  }
0xa4: {  	s25 =	simm.s32 $0x1B8E;
	s24 =	sld [smem:$0x3FFE];
	[sflag:s23] =	ssyncadd.s32 $0xFFFFFFFF  }
0xa5: {  	s26 =	simm.s32 $execute0_lowered;
	[smem:$0x3FD2] =	sst s25  }
0xa6: {  	s5 =	sshll.u32 s26, $0x1;
	_ =	strace $0x8000004C;
	[dreg:$0x1] =	wrdreg $0xFFFFFFFF  }
0xa7: {  	s28 =	simm.s32 $_size_execute0_lowered;
	s3 =	sadd.s32 s3, s5;
	[dreg:$0x0] =	wrdreg $0x0  }
0xa8: {  	s5 =	sshll.u32 s28, $0x1;
	[dreg:$0x2] =	wrdreg s3  }
0xa9: {  	[dreg:$0x3] =	wrdreg s5  }
0xaa: {  	[dreg:$0x4] =	wrdreg $0xC0  }
0xab: {  	_ =	task [dreg:s7], $0x5FFFF  }
0xac: {  	[dreg:$0x1] =	wrdreg $0xFFFFFFFF  }
0xad: {  	[dreg:$0x0] =	wrdreg $0x60  }
0xae: {  	[dreg:$0x2] =	wrdreg s24  }
0xaf: {  	[dreg:$0x3] =	wrdreg s2  }
0xb0: {  	[dreg:$0x4] =	wrdreg $0xA0800  }
0xb1: {  	[dreg:$0x5] =	wrdreg $0x9  }
0xb2: {  	_ =	task.clear_ibuf [dreg:s7], $0x6FFFF;
	_ =	strace $0x9000004C  }
0xb3: {  	s29 =	simm.s32 $0x9;
	_ =	strace $0x8000004E  }
0xb4: {  	_ =	swait.ge [sflag:s29], $0x1  }
0xb5: {  	[sflag:s29] =	ssyncadd.s32 $0xFFFFFFFF  }
0xb6: {  	_ =	strace $0x9000004E  }
0xb7: {  	_ =	sfence  }
0xb8: {  	s30 =	sld [smem:$0x0];
	_ =	sdelay $0x2  }
0xb9: {  	s31 =	sshll.u32 s1, $0xD;
	s1 =	sshrl.u32 s1, $0x2  }
0xba: {  	s3 =	sand.u32 $0x4000, s31;
	s1 =	sadd.s32 s1, s30  }
0xbb: {  	s0 =	sor.u32 s3, s0;
	s1 =	sshll.u32 s1, $0x11  }
0xbc: {  	s0 =	sor.u32 s1, s0  }
0xbd: {  	s0 =	sadd.s32 $0x8F2B, s0  }
0xbe: {  	[sflag:s0] =	ssyncadd.remote.s32 $0x1  }
0xbf: {  	_ =	sfence.sel $0xFFFF  }
0xc0: {  	[dreg:$0x0] =	wrdreg $0xFFFFFFFF;
	(pc) =	sbr.abs _section_cstart, $3  }
0xc1: {  	[dreg:$0x1] =	wrdreg $0xFFFFFFFF  }
0xc2: {  	_ =	task.clear_ibuf [dreg:s7], $0x2FFFF;
	_ =	strace $0x9FFFFFFF  }
0xc3: {  	(tm) =	ssettm $0x7FFFFFFF  }
tec
execute0_lowered:
.L_overlay_start_1:
0x0: {  	(tag) =	ssettag $0x1  }
0x1: {  	s0 =	rddreg [dreg:$0x0]  }
0x2: {  	s1 =	rddreg [dreg:$0x1]  }
0x3: {  	s2 =	rddreg [dreg:$0x2]  }
0x4: {  	s4 =	simm.s32 $0x0;
	s3 =	srdreg.scid;
	s11 =	stileid.u32  }
0x5: {  	s28 =	simm.s32 $0x7780;
	s29 =	simm.s32 $0x50;
	s30 =	simm.s32 $0x4F00  }
0x6: {  	s31 =	simm.s32 $0x1;
	[smem:$0x7FF] =	sst s4;
	s3 =	sand.u32 $0x1, s3  }
0x7: {  	s9 =	smul.u32 $0x13800, s11;
	s5 =	sadd.s32 $0x66A00, s0;
	s6 =	sadd.s32 $0x5CC00, s0  }
0x8: {  	s20 =	sadd.s32 $0x4400, s0;
	s21 =	sadd.s32 $0x3E00, s0;
	s8 =	smul.u32 $0x138800, s3  }
0x9: {  	_ =	strace $0x8000004D;
	s7 =	sshll.u32 s3, $0x4;
	[dreg:$0x4] =	wrdreg s20  }
0xa: {  	[dreg:$0x5] =	wrdreg s21;
	s3 =	ssub.s32 $0x2, s3;
	s10 =	sor.u32 s11, s7  }
0xb: {  	s7 =	sadd.s32 $0xD2600, s0;
	s11 =	smul.u32 $0x4E000, s11;
	s23 =	sshrl.u32 s3, $0x1  }
0xc: {  	s9 =	sadd.s32 s9, s8;
	s8 =	smul.u32 $0x2710, s10;
	s3 =	ssub.s32 s3, s23  }
0xd: {  	s23 =	simm.s32 $0x2780;
	s9 =	sshrl.u32 s9, $0x3;
	s24 =	sshrl.u32 s11, $0x2  }
0xe: {  	s25 =	smax.u32 s3, $0x1;
	s3 =	simm.s32 $0x0;
	s22 =	sshrl.u32 s8, $0x3  }
0xf: {  	s9 =	sadd.s32 s9, s0;
	s13 =	sadd.s32 s24, s2;
	[dreg:$0x8] =	wrdreg s25  }
0x10: {  	s24 =	simm.s32 $0x7880;
	s25 =	simm.s32 $0x7680;
	s0 =	sadd.s32 s22, s0  }
0x11: {  	s9 =	sadd.s32 $0xE800, s9;
	s26 =	sadd.s32 $0x2800, s13;
	s16 =	sadd.s32 $0x5000, s13  }
0x12: {  	s17 =	sadd.s32 $0x7800, s13;
	s18 =	sadd.s32 $0xA000, s13;
	s19 =	sadd.s32 $0xC800, s13  }
0x13: {  	s20 =	sadd.s32 $0xF000, s13;
	s21 =	sadd.s32 $0x11800, s13;
	[dreg:$0x7] =	wrdreg s9  }
0x14: {  	s22 =	simm.s32 $0x2;
	s0 =	sadd.s32 $0x4A00, s0;
	[dreg:$0x9] =	wrdreg s26  }
0x15: {  	v0 =	vimm.f32 $0.0e+00;
	s26 =	simm.s32 $0x7700;
	[dreg:$0x6] =	wrdreg s0;
	s0 =	simm.s32 $0x7800  }
.LBB2_1:
0x16: {  	s9 =	rddreg [dreg:$0x4]  }
0x17: {  	[tilespmem:s4], [sflag:$0x2] =	stream.linear.gather [hbm4b:s9+s4], $0x2780, $0x38;
	[tilespmem:$0x1D900] =	vst v63  }
0x18: {  	_ =	swait.ge [sflag:s22], $0x2780  }
0x19: {  	[sflag:s22] =	ssyncset.done $0x0  }
0x1a: {  	s15 =	rddreg [dreg:$0x5];
	[sflag:s22] =	ssyncadd.s32 $0xFFFFD880  }
0x1b: {  	[tilespmem:s23], [sflag:$0x2] =	stream.linear.gather [hbm4b:s15+s4], $0x2780, $0x38;
	[tilespmem:$0x1D900] =	vst v63  }
0x1c: {  	_ =	swait.ge [sflag:s22], $0x2780  }
0x1d: {  	[sflag:s22] =	ssyncset.done $0x0  }
0x1e: {  	s9 =	simm.s32 $0x0;
	[sflag:s22] =	ssyncadd.s32 $0xFFFFD880  }
.LBB2_2:
0x1f: {  	p0 =	sne.s32 s9, $0x9C00  }
.Ltmp0:
0x20: {  	_ = 	snop;
	(pc) =	sbr.rel @p0 .LBB2_2-.Ltmp0, $3  }
0x21: {  	_ =	sdelay $0x1  }
0x22: {  	s10 =	sshra.s32 s9, $0x2  }
0x23: {  	s9 =	sadd.s32 $0x40, s9;
	[tilespmem:s10+$0x4F00] =	vst v0  }
0x24: {  	s9 =	simm.s32 $0x0  }
0x25: {  	s10 =	sand.u32 $0xFE00, s9  }
0x26: {  	s11 =	sand.u32 $0x70, s9;
	s12 =	sshrl.u32 s10, $0x2  }
0x27: {  	s10 =	simm.s32 $0x40;
	s11 =	sor.u32 s11, s12  }
.LBB2_4:
0x28: {  	p0 =	sne.s32 s10, $0x9FC0  }
0x29: {  	[tilespmem:s11+$0x7880] =	vst v0;
	s9 =	sadd.s32 $0x10, s9;
	s11 =	smov.u32 s10;
	s10 =	sadd.s32 $0x40, s10  }
.Ltmp1:
0x2a: {  	(pc) =	sbr.rel @p0 .LBB2_4-.Ltmp1, $4  }
0x2b: {  	_ = 	snop  }
0x2c: {  	s11 =	sand.u32 $0xFE00, s11  }
0x2d: {  	s12 =	sand.u32 $0x70, s9;
	s11 =	sshrl.u32 s11, $0x2  }
0x2e: {  	s11 =	sor.u32 s12, s11  }
0x2f: {  	[tilespmem:s11+$0x7880] =	vst v0  }
0x30: {  	[spmem:s13] =	stream.linear.scatter [tilespmem:s24], [sflag:$0x2], $0x2800, $0x38;
	[tilespmem:$0x1D900] =	vst v63  }
0x31: {  	_ =	swait.ge [sflag:s22], $0x2800  }
0x32: {  	[sflag:s22] =	ssyncset.done $0x0  }
0x33: {  	s9 =	rddreg [dreg:$0x9];
	[sflag:s22] =	ssyncadd.s32 $0xFFFFD800  }
0x34: {  	[spmem:s9] =	stream.linear.scatter [tilespmem:s24], [sflag:$0x2], $0x2800, $0x38;
	[tilespmem:$0x1D900] =	vst v63  }
0x35: {  	_ =	swait.ge [sflag:s22], $0x2800  }
0x36: {  	[sflag:s22] =	ssyncset.done $0x0  }
0x37: {  	[sflag:s22] =	ssyncadd.s32 $0xFFFFD800  }
0x38: {  	[spmem:s16] =	stream.linear.scatter [tilespmem:s24], [sflag:$0x2], $0x2800, $0x38;
	[tilespmem:$0x1D900] =	vst v63  }
0x39: {  	_ =	swait.ge [sflag:s22], $0x2800  }
0x3a: {  	[sflag:s22] =	ssyncset.done $0x0  }
0x3b: {  	[sflag:s22] =	ssyncadd.s32 $0xFFFFD800  }
0x3c: {  	[spmem:s17] =	stream.linear.scatter [tilespmem:s24], [sflag:$0x2], $0x2800, $0x38;
	[tilespmem:$0x1D900] =	vst v63  }
0x3d: {  	_ =	swait.ge [sflag:s22], $0x2800  }
0x3e: {  	[sflag:s22] =	ssyncset.done $0x0  }
0x3f: {  	[sflag:s22] =	ssyncadd.s32 $0xFFFFD800  }
0x40: {  	[spmem:s18] =	stream.linear.scatter [tilespmem:s24], [sflag:$0x2], $0x2800, $0x38;
	[tilespmem:$0x1D900] =	vst v63  }
0x41: {  	_ =	swait.ge [sflag:s22], $0x2800  }
0x42: {  	[sflag:s22] =	ssyncset.done $0x0  }
0x43: {  	[sflag:s22] =	ssyncadd.s32 $0xFFFFD800  }
0x44: {  	[spmem:s19] =	stream.linear.scatter [tilespmem:s24], [sflag:$0x2], $0x2800, $0x38;
	[tilespmem:$0x1D900] =	vst v63  }
0x45: {  	_ =	swait.ge [sflag:s22], $0x2800  }
0x46: {  	[sflag:s22] =	ssyncset.done $0x0  }
0x47: {  	[sflag:s22] =	ssyncadd.s32 $0xFFFFD800  }
0x48: {  	[spmem:s20] =	stream.linear.scatter [tilespmem:s24], [sflag:$0x2], $0x2800, $0x38;
	[tilespmem:$0x1D900] =	vst v63  }
0x49: {  	_ =	swait.ge [sflag:s22], $0x2800  }
0x4a: {  	[sflag:s22] =	ssyncset.done $0x0  }
0x4b: {  	[sflag:s22] =	ssyncadd.s32 $0xFFFFD800  }
0x4c: {  	[spmem:s21] =	stream.linear.scatter [tilespmem:s24], [sflag:$0x2], $0x2800, $0x38;
	[tilespmem:$0x1D900] =	vst v63  }
0x4d: {  	_ =	swait.ge [sflag:s22], $0x2800  }
0x4e: {  	[sflag:s22] =	ssyncset.done $0x0  }
0x4f: {  	[sflag:s22] =	ssyncadd.s32 $0xFFFFD800  }
0x50: {  	s10 =	simm.s32 $0x0;
	s9 =	simm.s32 $0x0;
	[bflag:$0x0] =	sbarrier.arrive $0xFFFF  }
.LBB2_6:
0x51: {  	s11 =	smul.u32 $0x50, s10;
	_ =	sdelay $0x1  }
0x52: {  	s11 =	sadd.s32 s8, s11  }
0x53: {  	s11 =	sshrl.u32 s11, $0x3  }
0x54: {  	s12 =	sadd.s32 s5, s11  }
0x55: {  	[tilespmem:s25], [sflag:$0x2] =	stream.linear.gather [hbm4b:s12+s9], $0x50, $0x38;
	[tilespmem:$0x1D900] =	vst v63  }
0x56: {  	_ =	swait.ge [sflag:s22], $0x50  }
0x57: {  	[sflag:s22] =	ssyncset.done $0x0  }
0x58: {  	s15 =	sadd.s32 s6, s11;
	[sflag:s22] =	ssyncadd.s32 $0xFFFFFFB0  }
0x59: {  	[tilespmem:s26], [sflag:$0x2] =	stream.linear.gather [hbm4b:s15+s9], $0x50, $0x38;
	[tilespmem:$0x1D900] =	vst v63  }
0x5a: {  	_ =	swait.ge [sflag:s22], $0x50  }
0x5b: {  	[sflag:s22] =	ssyncset.done $0x0  }
0x5c: {  	s11 =	sadd.s32 s7, s11;
	[sflag:s22] =	ssyncadd.s32 $0xFFFFFFB0  }
0x5d: {  	[tilespmem:s28], [sflag:$0x2] =	stream.linear.gather [hbm4b:s11+s9], $0x50, $0x38;
	[tilespmem:$0x1D900] =	vst v63  }
0x5e: {  	_ =	swait.ge [sflag:s22], $0x50  }
0x5f: {  	[sflag:s22] =	ssyncset.done $0x0  }
0x60: {  	[sflag:s22] =	ssyncadd.s32 $0xFFFFFFB0  }
0x61: {  	[tilespmem:s24], [sflag:$0x1] =	stream.indirect.gather [hbm4b:s1+s29], $0x80, s25, s29, $0xb8;
	[tilespmem:$0x1D900] =	vst v63  }
0x62: {  	v1 =	vld [tilespmem:$0x7680]  }
0x63: {  	v2 =	vld [tilespmem:$0x7700];
	_ =	sdelay $0x6  }
0x64: {  	v1 =	vld.idx.msk [tilespmem:v1+s9+$0x0], $0xffff  }
0x65: {  	v3 =	vld.idx.msk [tilespmem:v2+s23+$0x0], $0xffff;
	_ =	sdelay $0x1  }
0x66: {  	v4 =	vld [tilespmem:$0x7780];
	_ =	sdelay $0x2  }
0x67: {  	v1 =	vadd.f32 v3, v1;
	_ =	sdelay $0x1  }
0x68: {  	v1 =	vadd.f32 v4, v1;
	_ =	sdelay $0x1  }
0x69: {  	v3 =	vmul.f32 $2.000000030e-01, v1  }
0x6a: {  	vm0 =	vge.f32 v1, $0.0e+00  }
0x6b: {  	v1 =	vsel vm0, v1, v3  }
0x6c: {  	v1 =	vmul.f32 $1.442695020e+00, v1;
	_ =	sdelay $0x1  }
0x6d: {  	(erf) = vpow2.f32 v1;
	_ =	sdelay $0x8  }
0x6e: {  	v1 =	vpop (erf)  }
0x6f: {  	[tilespmem:$0x7800] =	vst v1  }
0x70: {  	[tilespmem:v2+s30+$0x0] =	vst.idx.add.f32.msk $0xffff, v1  }
0x71: {  	v1 =	vld [tilespmem:$0x7690]  }
0x72: {  	v2 =	vld [tilespmem:$0x7710];
	_ =	sdelay $0x6  }
0x73: {  	v1 =	vld.idx.msk [tilespmem:v1+s9+$0x0], $0xffff  }
0x74: {  	v3 =	vld.idx.msk [tilespmem:v2+s23+$0x0], $0xffff;
	_ =	sdelay $0x1  }
0x75: {  	v4 =	vld [tilespmem:$0x7790];
	_ =	sdelay $0x2  }
0x76: {  	v1 =	vadd.f32 v3, v1;
	_ =	sdelay $0x1  }
0x77: {  	v1 =	vadd.f32 v4, v1;
	_ =	sdelay $0x1  }
0x78: {  	v3 =	vmul.f32 $2.000000030e-01, v1  }
0x79: {  	vm12 =	vge.f32 v1, $0.0e+00  }
0x7a: {  	v1 =	vsel vm12, v1, v3  }
0x7b: {  	v1 =	vmul.f32 $1.442695020e+00, v1;
	_ =	sdelay $0x1  }
0x7c: {  	(erf) = vpow2.f32 v1;
	_ =	sdelay $0x8  }
0x7d: {  	v1 =	vpop (erf)  }
0x7e: {  	[tilespmem:$0x7810] =	vst v1  }
0x7f: {  	[tilespmem:v2+s30+$0x0] =	vst.idx.add.f32.msk $0xffff, v1  }
0x80: {  	v1 =	vld [tilespmem:$0x76A0]  }
0x81: {  	v2 =	vld [tilespmem:$0x7720];
	_ =	sdelay $0x6  }
0x82: {  	v1 =	vld.idx.msk [tilespmem:v1+s9+$0x0], $0xffff  }
0x83: {  	v3 =	vld.idx.msk [tilespmem:v2+s23+$0x0], $0xffff;
	_ =	sdelay $0x1  }
0x84: {  	v4 =	vld [tilespmem:$0x77A0];
	_ =	sdelay $0x2  }
0x85: {  	v1 =	vadd.f32 v3, v1;
	_ =	sdelay $0x1  }
0x86: {  	v1 =	vadd.f32 v4, v1;
	_ =	sdelay $0x1  }
0x87: {  	v3 =	vmul.f32 $2.000000030e-01, v1  }
0x88: {  	vm13 =	vge.f32 v1, $0.0e+00  }
0x89: {  	v1 =	vsel vm13, v1, v3  }
0x8a: {  	v1 =	vmul.f32 $1.442695020e+00, v1;
	_ =	sdelay $0x1  }
0x8b: {  	(erf) = vpow2.f32 v1;
	_ =	sdelay $0x8  }
0x8c: {  	v1 =	vpop (erf)  }
0x8d: {  	[tilespmem:$0x7820] =	vst v1  }
0x8e: {  	[tilespmem:v2+s30+$0x0] =	vst.idx.add.f32.msk $0xffff, v1  }
0x8f: {  	v1 =	vld [tilespmem:$0x76B0]  }
0x90: {  	v2 =	vld [tilespmem:$0x7730];
	_ =	sdelay $0x6  }
0x91: {  	v1 =	vld.idx.msk [tilespmem:v1+s9+$0x0], $0xffff  }
0x92: {  	v3 =	vld.idx.msk [tilespmem:v2+s23+$0x0], $0xffff;
	_ =	sdelay $0x1  }
0x93: {  	v4 =	vld [tilespmem:$0x77B0];
	_ =	sdelay $0x2  }
0x94: {  	v1 =	vadd.f32 v3, v1;
	_ =	sdelay $0x1  }
0x95: {  	v1 =	vadd.f32 v4, v1;
	_ =	sdelay $0x1  }
0x96: {  	v3 =	vmul.f32 $2.000000030e-01, v1  }
0x97: {  	vm14 =	vge.f32 v1, $0.0e+00  }
0x98: {  	v1 =	vsel vm14, v1, v3  }
0x99: {  	v1 =	vmul.f32 $1.442695020e+00, v1;
	_ =	sdelay $0x1  }
0x9a: {  	(erf) = vpow2.f32 v1;
	_ =	sdelay $0x8  }
0x9b: {  	v1 =	vpop (erf)  }
0x9c: {  	[tilespmem:$0x7830] =	vst v1  }
0x9d: {  	[tilespmem:v2+s30+$0x0] =	vst.idx.add.f32.msk $0xffff, v1  }
0x9e: {  	v1 =	vld [tilespmem:$0x76C0]  }
0x9f: {  	v2 =	vld [tilespmem:$0x7740];
	_ =	sdelay $0x6  }
0xa0: {  	v1 =	vld.idx.msk [tilespmem:v1+s9+$0x0], $0xffff  }
0xa1: {  	v3 =	vld.idx.msk [tilespmem:v2+s23+$0x0], $0xffff;
	_ =	sdelay $0x1  }
0xa2: {  	v4 =	vld [tilespmem:$0x77C0];
	_ =	sdelay $0x2  }
0xa3: {  	v1 =	vadd.f32 v3, v1;
	_ =	sdelay $0x1  }
0xa4: {  	v1 =	vadd.f32 v4, v1;
	_ =	sdelay $0x1  }
0xa5: {  	v3 =	vmul.f32 $2.000000030e-01, v1  }
0xa6: {  	vm15 =	vge.f32 v1, $0.0e+00  }
0xa7: {  	v1 =	vsel vm15, v1, v3  }
0xa8: {  	v1 =	vmul.f32 $1.442695020e+00, v1;
	_ =	sdelay $0x1  }
0xa9: {  	(erf) = vpow2.f32 v1;
	_ =	sdelay $0x8  }
0xaa: {  	v1 =	vpop (erf)  }
0xab: {  	[tilespmem:$0x7840] =	vst v1  }
0xac: {  	[tilespmem:v2+s30+$0x0] =	vst.idx.add.f32.msk $0xffff, v1  }
0xad: {  	_ =	swait.ge [sflag:s31], $0x2800  }
0xae: {  	v1 =	vmov s9;
	[sflag:s31] =	ssyncset.done $0x0  }
0xaf: {  	s11 =	simm.s32 $0x78C0;
	[sflag:s31] =	ssyncadd.s32 $0xFFFFD800  }
0xb0: {  	v5 =	vld [tilespmem:s11+$0x30]  }
0xb1: {  	v8 =	vld [tilespmem:s11+$0x10]  }
0xb2: {  	v6 =	vld [tilespmem:s11+$0xFFFFFFC0]  }
0xb3: {  	v2 =	vld.idx.msk [tilespmem:v1+s0+$0x0], $0xffff  }
0xb4: {  	v10 =	vld [tilespmem:s11+$0xFFFFFFE0]  }
0xb5: {  	v3 =	vld [tilespmem:s11+$0x20]  }
0xb6: {  	v4 =	vld [tilespmem:s11+$0xFFFFFFD0]  }
0xb7: {  	v1 =	vld [tilespmem:s11+$0xFFFFFFF0]  }
0xb8: {  	v9 =	vmul.f32 v5, v2;
	v5 =	vld [tilespmem:s11+$0x0]  }
0xb9: {  	v7 =	vmul.f32 v6, v2  }
0xba: {  	s14 =	simm.s32 $0x78C0;
	s12 =	simm.s32 $0x1;
	v6 =	vmul.f32 v10, v2;
	v8 =	vmul.f32 v8, v2  }
.LBB2_7:
0xbb: {  	p0 =	sne.s32 s12, $0x4F  }
0xbc: {  	v4 =	vmul.f32 v4, v2;
	v3 =	vmul.f32 v3, v2;
	[tilespmem:s11+$0x30] =	vst v9;
	s14 =	sadd.s32 $0x80, s14;
	s15 =	smov.u32 s12;
	s12 =	sadd.s32 $0x1, s12  }
0xbd: {  	[tilespmem:s11+$0xFFFFFFC0] =	vst v7;
	v7 =	vmul.f32 v1, v2;
	v2 =	vmul.f32 v5, v2  }
0xbe: {  	[tilespmem:s11+$0x10] =	vst v8  }
0xbf: {  	v5 =	vmov s15;
	[tilespmem:s11+$0xFFFFFFE0] =	vst v6  }
0xc0: {  	v1 =	vld [tilespmem:s14+$0xFFFFFFF0];
	[tilespmem:s11+$0xFFFFFFF0] =	vst v7  }
0xc1: {  	v6 =	vld [tilespmem:s14+$0x30];
	[tilespmem:s11+$0x0] =	vst v2  }
0xc2: {  	v8 =	vld [tilespmem:s14+$0x10];
	[tilespmem:s11+$0x20] =	vst v3  }
0xc3: {  	v7 =	vld [tilespmem:s14+$0xFFFFFFC0];
	[tilespmem:s11+$0xFFFFFFD0] =	vst v4;
	s11 =	smov.u32 s14  }
0xc4: {  	v2 =	vld.idx.msk [tilespmem:v5+s0+$0x0], $0xffff  }
0xc5: {  	v10 =	vld [tilespmem:s14+$0xFFFFFFE0]  }
0xc6: {  	v3 =	vld [tilespmem:s14+$0x20]  }
.Ltmp2:
0xc7: {  	v4 =	vld [tilespmem:s14+$0xFFFFFFD0];
	(pc) =	sbr.rel @p0 .LBB2_7-.Ltmp2, $3  }
0xc8: {  	v5 =	vld [tilespmem:s14+$0x0];
	_ =	sdelay $0x1  }
0xc9: {  	v7 =	vmul.f32 v7, v2;
	v9 =	vmul.f32 v6, v2  }
0xca: {  	v8 =	vmul.f32 v8, v2;
	v6 =	vmul.f32 v10, v2  }
0xcb: {  	[tilespmem:s11+$0x30] =	vst v9  }
0xcc: {  	[tilespmem:s11+$0xFFFFFFC0] =	vst v7  }
0xcd: {  	v1 =	vmul.f32 v1, v2;
	[tilespmem:s11+$0x10] =	vst v8  }
0xce: {  	v3 =	vmul.f32 v3, v2;
	[tilespmem:s11+$0xFFFFFFE0] =	vst v6  }
0xcf: {  	v5 =	vmul.f32 v5, v2;
	[tilespmem:s11+$0xFFFFFFF0] =	vst v1  }
0xd0: {  	s10 =	sadd.s32 $0x1, s10;
	v1 =	vmul.f32 v4, v2;
	[tilespmem:s11+$0x20] =	vst v3  }
0xd1: {  	p0 =	sne.s32 s10, $0x7D;
	[tilespmem:s11+$0x0] =	vst v5  }
.Ltmp3:
0xd2: {  	[tilespmem:s11+$0xFFFFFFD0] =	vst v1;
	(pc) =	sbr.rel @p0 .LBB2_6-.Ltmp3, $4  }
0xd3: {  	[spmem:s2] =	stream.indirect.scatter.add.f32 [tilespmem:s24], [sflag:$0x2], $0x80, s26, s29, $0xb8;
	[tilespmem:$0x1D900] =	vst v63  }
0xd4: {  	_ =	swait.ge [sflag:s22], $0x2800  }
0xd5: {  	[sflag:s22] =	ssyncset.done $0x0  }
0xd6: {  	[sflag:s22] =	ssyncadd.s32 $0xFFFFD800  }
0xd7: {  	[bflag:$0x0] =	sbarrier.arrive $0xFFFF  }
0xd8: {  	s9 =	rddreg [dreg:$0x6]  }
0xd9: {  	[hbm4b:s9+s4] =	stream.linear.scatter [tilespmem:s30], [sflag:$0x2], $0x2710, $0x38;
	[tilespmem:$0x1D900] =	vst v63  }
0xda: {  	s14 =	stileid.u32;
	_ =	swait.ge [sflag:s22], $0x2710  }
0xdb: {  	s10 =	sshrl.u32 s13, $0x3;
	s9 =	sshll.u32 s14, $0x6;
	[sflag:s22] =	ssyncset.done $0x0  }
0xdc: {  	s9 =	sor.u32 $0x1C02, s9;
	s11 =	rddreg [dreg:$0x7];
	[sflag:s22] =	ssyncadd.s32 $0xFFFFD8F0  }
0xdd: {  	[hbm:s11], [sflag:s9] =	dma.local [spmem:s10], $0x2800  }
0xde: {  	_ =	swait.ge [sflag:s22], $0x2800  }
0xdf: {  	s3 =	sadd.s32 $0x1, s3;
	s15 =	rddreg [dreg:$0x8]  }
0xe0: {  	p0 =	sne.s32 s3, s15  }
.Ltmp4:
0xe1: {  	_ = 	snop;
	(pc) =	sbr.rel @p0 .LBB2_1-.Ltmp4, $3  }
0xe2: {  	_ =	sdelay $0x1  }
0xe3: {  	[sflag:s22] =	ssyncset.done $0x0  }
0xe4: {  	[sflag:s22] =	ssyncadd.s32 $0xFFFFD800  }
0xe5: {  	_ =	sfence.sel $0x180000  }
0xe6: {  	[bflag:$0x0] =	sbarrier.arrive $0xFFFF  }
0xe7: {  	_ =	strace $0x9000004D  }
0xe8: {  	s0 =	stileid.u32;
	[bflag:$0x2] =	sbarrier.arrive $0xFFFF  }
0xe9: {  	p0 =	sne.s32 s0, $0x0;
	s0 =	rddreg [dreg:$0x3]  }
0xea: {  	s0 =	sadd.s32 @!p0 $0x100000, s0  }
0xeb: {  	[sflag:s0] =	ssyncadd.tile.s32 @!p0 $0x1;
	_ =	shalt  }
.Lfunc_end2:
_tile_overlayer_lowered:
.L_overlay_start_2:
0xec: {  	(tag) =	ssettag $0x2  }
0xed: {  	s0 =	rddreg [dreg:$0x0];
	s2 =	stileid.u32  }
0xee: {  	s1 =	rddreg [dreg:$0x1];
	p0 =	sne.s32 s2, $0x0  }
0xef: {  	s3 =	rddreg [dreg:$0x2];
	[bflag:$0x3] =	sbarrier.arrive $0xFFFF;
	s2 =	simm.s32 @!p0 $0x1C02  }
0xf0: {  	[timem:s3], [sflag:s2] =	dma.local @!p0 [hbm:s0], s1  }
0xf1: {  	s0 =	simm.s32 @!p0 $0x2  }
0xf2: {  	_ =	swait.ge @!p0 [sflag:s0], s1  }
0xf3: {  	s1 =	ssub.s32 @!p0 $0x0, s1;
	[sflag:s0] =	ssyncset.done @!p0 $0x0  }
0xf4: {  	[sflag:s0] =	ssyncadd.s32 @!p0 s1  }
0xf5: {  	[bflag:$0x3] =	sbarrier.arrive $0xFFFF  }
0xf6: {  	_ =	shalt  }

</sc_bundles>
